<compile_context>
chip_gen: v7x
topology: tpu7x:2x2x1
jax: 0.10.2.dev20260603
libtpu: 0.0.44.dev20260713+nightly
codegen_flags: <defaults>
</compile_context>

<pallas_src>
import functools

import jax
import jax.numpy as jnp
from jax import lax
from jax.experimental import pallas as pl
from jax.experimental.pallas import tpu as pltpu
from jax.experimental.pallas import tpu_sc as plsc

N_NODES = 100000
D = 128
M = 200000
K = 3

_LANES = 16
_B = 128
_NS = 4


def _build(nc: int, ns: int):
    nw = nc * ns
    w_lo = ((M // nw) // 8) * 8
    extra = M - nw * w_lo
    assert extra % 8 == 0 and extra // 8 <= nw
    n_hi = extra // 8
    t0 = nw - n_hi
    w_hi = w_lo + 8
    n_full = w_lo // _B
    hi_tail = w_hi - n_full * _B
    tb = -(-hi_tail // _LANES) * _LANES
    assert 0 < tb <= _B and tb <= n_full * _B and tb % 8 == 0
    assert n_full >= 3 * _NS

    mesh = plsc.VectorSubcoreMesh(core_axis_name="c", subcore_axis_name="s")

    @functools.partial(
        pl.kernel,
        mesh=mesh,
        compiler_params=pltpu.CompilerParams(use_tc_tiling_on_sc=False),
        out_type=jax.ShapeDtypeStruct((M, D), jnp.float32),
        scratch_types=(
            [pltpu.VMEM((_B, D), jnp.float32) for _ in range(_NS)]
            + [pltpu.VMEM((K, _B), jnp.int32) for _ in range(_NS)]
            + [pltpu.SemaphoreType.DMA for _ in range(3 * _NS)]
        ),
    )
    def sc_kernel(x_hbm, idx_hbm, out_hbm, *refs):
        wid = lax.axis_index("s") * nc + lax.axis_index("c")
        base = wid * w_lo + 8 * jnp.maximum(wid - t0, 0)
        mpw = w_lo + 8 * (wid >= t0).astype(jnp.int32)

        obs, cols = refs[:_NS], refs[_NS:2 * _NS]
        sems = refs[2 * _NS:]
        dsets = [(obs[p], sems[2 * p], sems[2 * p + 1]) for p in range(_NS)]
        isets = [(cols[p], sems[2 * _NS + p]) for p in range(_NS)]
        S = lambda j: dsets[j % _NS]
        I = lambda j: isets[j % _NS]

        def row0(c):
            if isinstance(c, int) and c == n_full:
                return mpw - tb
            return c * _B

        def idx_copies(c, iset, n):
            col, semi = iset
            r0 = base + row0(c)
            return [
                pltpu.make_async_copy(
                    idx_hbm.at[k, pl.ds(r0, n)],
                    col.at[k] if n == _B else col.at[k, pl.ds(0, n)],
                    semi)
                for k in range(K)
            ]

        def gather_copies(st, iset, n):
            col = iset[0]
            dst = st[0] if n == _B else st[0].at[pl.ds(0, n)]
            return [
                pltpu.make_async_copy(
                    x_hbm.at[col.at[k] if n == _B else col.at[k, pl.ds(0, n)]],
                    dst, st[1])
                for k in range(K)
            ]

        def fire_adds(st, iset, n):
            col = iset[0]
            dst = st[0] if n == _B else st[0].at[pl.ds(0, n)]
            for k in range(1, K):
                src = col.at[k] if n == _B else col.at[k, pl.ds(0, n)]
                pltpu.async_copy(x_hbm.at[src], dst, st[1], add=True)

        def store_copy(c, st, n):
            src = st[0] if n == _B else st[0].at[pl.ds(0, n)]
            return pltpu.make_async_copy(
                src, out_hbm.at[pl.ds(base + row0(c), n)], st[2])

        def fire(descs):
            for d in descs:
                d.start()

        def drain(descs):
            for d in descs:
                d.wait()

        def step(c, cm, adds_prev=True, store_prev=True, drain_store=True,
                 i2=True, i2n=_B, i3=True, i3n=_B, k0n=_B):
            if adds_prev:
                drain(gather_copies(S(cm - 1), I(cm - 1), _B)[1:])
            if store_prev:
                fire([store_copy(c - 1, S(cm - 1), _B)])
            if drain_store:
                drain([store_copy(c - 2, S(cm - 2), _B)])
            if i2:
                c2 = n_full if i2n != _B else c + 2
                drain(idx_copies(c2, I(cm + 2), i2n))
                fire(gather_copies(S(cm + 2), I(cm + 2), i2n)[:1])
            if i3:
                c3 = n_full if i3n != _B else c + 3
                fire(idx_copies(c3, I(cm + 3), i3n))
            drain(gather_copies(S(cm), I(cm), k0n)[:1])
            fire_adds(S(cm), I(cm), k0n)

        fire(idx_copies(0, I(0), _B))
        fire(idx_copies(1, I(1), _B))
        fire(idx_copies(2, I(2), _B))
        drain(idx_copies(0, I(0), _B))
        fire(gather_copies(S(0), I(0), _B)[:1])
        drain(idx_copies(1, I(1), _B))
        fire(gather_copies(S(1), I(1), _B)[:1])

        step(0, 0, adds_prev=False, store_prev=False, drain_store=False)
        step(1, 1, drain_store=False)
        step(2, 2)

        lo = 3
        hi = n_full - 4
        n_blocks = (hi - lo) // _NS
        def body(m, carry):
            for i in range(_NS):
                step(lo + _NS * m + i, (lo + i) % _NS)
            return carry
        lax.fori_loop(0, n_blocks, body, 0)
        for c in range(lo + _NS * n_blocks, hi):
            step(c, c % _NS)

        step(n_full - 4, (n_full - 4) % _NS)
        step(n_full - 3, (n_full - 3) % _NS, i3n=tb)
        step(n_full - 2, (n_full - 2) % _NS, i2n=tb, i3=False)
        step(n_full - 1, (n_full - 1) % _NS, i2=False, i3=False)
        step(n_full, n_full % _NS, i2=False, i3=False, k0n=tb)

        st = S(n_full)
        drain(gather_copies(st, I(n_full), tb)[1:])
        drain([store_copy(n_full - 1, S(n_full - 1), _B)])
        pltpu.sync_copy(st[0].at[pl.ds(0, tb)],
                        out_hbm.at[pl.ds(base + row0(n_full), tb)])

    def run(x, indices):
        return sc_kernel(x, indices.astype(jnp.int32).T)

    return run


def kernel(x, indices):
    info = plsc.get_sparse_core_info()
    return _build(info.num_cores, info.num_subcores)(x, indices)

# --- scband reference (transcript-rebuilt; emitter-appended) ---
"""Pipeline reference for scband-sum-layer-29686813950482 (READ-ONLY COPY).

The authoritative reference and input builder live on the scoring server;
editing this copy changes nothing except your own understanding.
"""

import jax, jax.numpy as jnp
import numpy as np

N_NODES = 100000
D_FEAT = 128
M = 200000
K = 3

def setup_inputs(seed: int = 0) -> dict:
    key = jax.random.key(seed)
    k1, k2 = jax.random.split(key)
    x = jax.random.normal(k1, (N_NODES, D_FEAT), dtype=jnp.float32)
    indices = jax.random.randint(k2, (M, K), 0, N_NODES, dtype=jnp.int64)
    return {"x": x, "indices": indices}

def reference(x, indices):
    # Faithful translation of SumLayer.forward: x[self.indices].sum(axis=1)
    # gather rows of x per index group [M, K] -> [M, K, D], reduce over K -> [M, D]
    gathered = jnp.take(x, indices, axis=0)
    result = gathered.sum(axis=1)
    return result

if __name__ == "__main__":
    import jax
    _d = setup_inputs()
    print(jax.jit(kernel)(*tuple(_d.values())))

</pallas_src>

<mosaic_0001>
#map = affine_map<(d0, d1) -> (0, 0)>
module attributes {stable_mosaic.version = 14 : i64} {
  func.func @sc_kernel(%arg0: i32, %arg1: i32, %arg2: memref<100000x128xf32, #tpu.memory_space<hbm>>, %arg3: memref<3x200000xi32, #tpu.memory_space<hbm>>, %arg4: memref<200000x128xf32, #tpu.memory_space<hbm>>, %arg5: memref<128x128xf32, #tpu.memory_space<vmem>>, %arg6: memref<128x128xf32, #tpu.memory_space<vmem>>, %arg7: memref<128x128xf32, #tpu.memory_space<vmem>>, %arg8: memref<128x128xf32, #tpu.memory_space<vmem>>, %arg9: memref<3x128xi32, #tpu.memory_space<vmem>>, %arg10: memref<3x128xi32, #tpu.memory_space<vmem>>, %arg11: memref<3x128xi32, #tpu.memory_space<vmem>>, %arg12: memref<3x128xi32, #tpu.memory_space<vmem>>, %arg13: memref<!tpu.dma_semaphore, #tpu.memory_space<semaphore_mem>>, %arg14: memref<!tpu.dma_semaphore, #tpu.memory_space<semaphore_mem>>, %arg15: memref<!tpu.dma_semaphore, #tpu.memory_space<semaphore_mem>>, %arg16: memref<!tpu.dma_semaphore, #tpu.memory_space<semaphore_mem>>, %arg17: memref<!tpu.dma_semaphore, #tpu.memory_space<semaphore_mem>>, %arg18: memref<!tpu.dma_semaphore, #tpu.memory_space<semaphore_mem>>, %arg19: memref<!tpu.dma_semaphore, #tpu.memory_space<semaphore_mem>>, %arg20: memref<!tpu.dma_semaphore, #tpu.memory_space<semaphore_mem>>, %arg21: memref<!tpu.dma_semaphore, #tpu.memory_space<semaphore_mem>>, %arg22: memref<!tpu.dma_semaphore, #tpu.memory_space<semaphore_mem>>, %arg23: memref<!tpu.dma_semaphore, #tpu.memory_space<semaphore_mem>>, %arg24: memref<!tpu.dma_semaphore, #tpu.memory_space<semaphore_mem>>) attributes {dimension_semantics = [#tpu.dimension_semantics<core_parallel>, #tpu.dimension_semantics<subcore_parallel>], iteration_bounds = array<i64: 2, 16>, scalar_prefetch = 0 : i64, scratch_operands = 20 : i64, tpu.core_type = #tpu.core_type<sc_vector_subcore>, window_params = [{transform_indices = #map}, {transform_indices = #map}, {transform_indices = #map}]} {
    %mul3A = arith.constant 2 : i32
    %mul3A_0 = arith.muli %arg1, %mul3A : i32
    %add3A = arith.addi %mul3A_0, %arg0 : i32
    %mul3A_1 = arith.constant 6248 : i32
    %mul3A_2 = arith.muli %add3A, %mul3A_1 : i32
    %sub3A = arith.constant 24 : i32
    %sub3A_3 = arith.subi %add3A, %sub3A : i32
    %max3A = arith.constant 0 : i32
    %max3A_4 = arith.maxsi %sub3A_3, %max3A : i32
    %mul3A_5 = arith.constant 8 : i32
    %mul3A_6 = arith.muli %mul3A_5, %max3A_4 : i32
    %add3A_7 = arith.addi %mul3A_2, %mul3A_6 : i32
    %ge3A = arith.constant 24 : i32
    %ge3A_8 = arith.cmpi sge, %add3A, %ge3A : i32
    %convert_element_type3A = arith.extui %ge3A_8 : i1 to i32
    %mul3A_9 = arith.constant 8 : i32
    %mul3A_10 = arith.muli %mul3A_9, %convert_element_type3A : i32
    %add3A_11 = arith.constant 6248 : i32
    %add3A_12 = arith.addi %add3A_11, %mul3A_10 : i32
    %add3A_13 = arith.constant 0 : i32
    %add3A_14 = arith.addi %add3A_7, %add3A_13 : i32
    %dma_start3A = arith.constant 0 : i32
    %dma_start3A_15 = arith.constant 0 : i32
    %dma_start3A_16 = arith.constant 0 : i32
    %dma_start3A_17 = tpu.memref_slice %arg9[%dma_start3A_15, %dma_start3A_16] : memref<3x128xi32, #tpu.memory_space<vmem>> -> memref<1x128xi32, #tpu.memory_space<vmem>>
    %dma_start3A_18 = tpu.memref_squeeze %dma_start3A_17 : memref<1x128xi32, #tpu.memory_space<vmem>> -> memref<128xi32, #tpu.memory_space<vmem>>
    %dma_start3A_19 = tpu.memref_slice %arg3[%dma_start3A, %add3A_14] : memref<3x200000xi32, #tpu.memory_space<hbm>> -> memref<1x128xi32, #tpu.memory_space<hbm>>
    %dma_start3A_20 = tpu.memref_squeeze %dma_start3A_19 : memref<1x128xi32, #tpu.memory_space<hbm>> -> memref<128xi32, #tpu.memory_space<hbm>>
    %dma_start3A_21 = arith.constant 0 : i32
    %dma_start3A_22 = tpu.memref_slice %arg9[%dma_start3A_15, %dma_start3A_21] : memref<3x128xi32, #tpu.memory_space<vmem>> -> memref<1x128xi32, #tpu.memory_space<vmem>>
    %dma_start3A_23 = tpu.memref_squeeze %dma_start3A_22 : memref<1x128xi32, #tpu.memory_space<vmem>> -> memref<128xi32, #tpu.memory_space<vmem>>
    %dma_start3A_24 = tpu.memref_slice %arg3[%dma_start3A, %add3A_14] : memref<3x200000xi32, #tpu.memory_space<hbm>> -> memref<1x128xi32, #tpu.memory_space<hbm>>
    %dma_start3A_25 = tpu.memref_squeeze %dma_start3A_24 : memref<1x128xi32, #tpu.memory_space<hbm>> -> memref<128xi32, #tpu.memory_space<hbm>>
    tpu.enqueue_dma source(%dma_start3A_25 : memref<128xi32, #tpu.memory_space<hbm>>) target(%dma_start3A_23 : memref<128xi32, #tpu.memory_space<vmem>>) target_semaphore(%arg21 : memref<!tpu.dma_semaphore, #tpu.memory_space<semaphore_mem>>)
    %dma_start3A_26 = arith.constant 1 : i32
    %dma_start3A_27 = arith.constant 1 : i32
    %dma_start3A_28 = arith.constant 0 : i32
    %dma_start3A_29 = tpu.memref_slice %arg9[%dma_start3A_27, %dma_start3A_28] : memref<3x128xi32, #tpu.memory_space<vmem>> -> memref<1x128xi32, #tpu.memory_space<vmem>>
    %dma_start3A_30 = tpu.memref_squeeze %dma_start3A_29 : memref<1x128xi32, #tpu.memory_space<vmem>> -> memref<128xi32, #tpu.memory_space<vmem>>
    %dma_start3A_31 = tpu.memref_slice %arg3[%dma_start3A_26, %add3A_14] : memref<3x200000xi32, #tpu.memory_space<hbm>> -> memref<1x128xi32, #tpu.memory_space<hbm>>
    %dma_start3A_32 = tpu.memref_squeeze %dma_start3A_31 : memref<1x128xi32, #tpu.memory_space<hbm>> -> memref<128xi32, #tpu.memory_space<hbm>>
    %dma_start3A_33 = arith.constant 0 : i32
    %dma_start3A_34 = tpu.memref_slice %arg9[%dma_start3A_27, %dma_start3A_33] : memref<3x128xi32, #tpu.memory_space<vmem>> -> memref<1x128xi32, #tpu.memory_space<vmem>>
    %dma_start3A_35 = tpu.memref_squeeze %dma_start3A_34 : memref<1x128xi32, #tpu.memory_space<vmem>> -> memref<128xi32, #tpu.memory_space<vmem>>
    %dma_start3A_36 = tpu.memref_slice %arg3[%dma_start3A_26, %add3A_14] : memref<3x200000xi32, #tpu.memory_space<hbm>> -> memref<1x128xi32, #tpu.memory_space<hbm>>
    %dma_start3A_37 = tpu.memref_squeeze %dma_start3A_36 : memref<1x128xi32, #tpu.memory_space<hbm>> -> memref<128xi32, #tpu.memory_space<hbm>>
    tpu.enqueue_dma source(%dma_start3A_37 : memref<128xi32, #tpu.memory_space<hbm>>) target(%dma_start3A_35 : memref<128xi32, #tpu.memory_space<vmem>>) target_semaphore(%arg21 : memref<!tpu.dma_semaphore, #tpu.memory_space<semaphore_mem>>)
    %dma_start3A_38 = arith.constant 2 : i32
    %dma_start3A_39 = arith.constant 2 : i32
    %dma_start3A_40 = arith.constant 0 : i32
    %dma_start3A_41 = tpu.memref_slice %arg9[%dma_start3A_39, %dma_start3A_40] : memref<3x128xi32, #tpu.memory_space<vmem>> -> memref<1x128xi32, #tpu.memory_space<vmem>>
    %dma_start3A_42 = tpu.memref_squeeze %dma_start3A_41 : memref<1x128xi32, #tpu.memory_space<vmem>> -> memref<128xi32, #tpu.memory_space<vmem>>
    %dma_start3A_43 = tpu.memref_slice %arg3[%dma_start3A_38, %add3A_14] : memref<3x200000xi32, #tpu.memory_space<hbm>> -> memref<1x128xi32, #tpu.memory_space<hbm>>
    %dma_start3A_44 = tpu.memref_squeeze %dma_start3A_43 : memref<1x128xi32, #tpu.memory_space<hbm>> -> memref<128xi32, #tpu.memory_space<hbm>>
    %dma_start3A_45 = arith.constant 0 : i32
    %dma_start3A_46 = tpu.memref_slice %arg9[%dma_start3A_39, %dma_start3A_45] : memref<3x128xi32, #tpu.memory_space<vmem>> -> memref<1x128xi32, #tpu.memory_space<vmem>>
    %dma_start3A_47 = tpu.memref_squeeze %dma_start3A_46 : memref<1x128xi32, #tpu.memory_space<vmem>> -> memref<128xi32, #tpu.memory_space<vmem>>
    %dma_start3A_48 = tpu.memref_slice %arg3[%dma_start3A_38, %add3A_14] : memref<3x200000xi32, #tpu.memory_space<hbm>> -> memref<1x128xi32, #tpu.memory_space<hbm>>
    %dma_start3A_49 = tpu.memref_squeeze %dma_start3A_48 : memref<1x128xi32, #tpu.memory_space<hbm>> -> memref<128xi32, #tpu.memory_space<hbm>>
    tpu.enqueue_dma source(%dma_start3A_49 : memref<128xi32, #tpu.memory_space<hbm>>) target(%dma_start3A_47 : memref<128xi32, #tpu.memory_space<vmem>>) target_semaphore(%arg21 : memref<!tpu.dma_semaphore, #tpu.memory_space<semaphore_mem>>)
    %add3A_50 = arith.constant 128 : i32
    %add3A_51 = arith.addi %add3A_7, %add3A_50 : i32
    %dma_start3A_52 = arith.constant 0 : i32
    %dma_start3A_53 = arith.constant 0 : i32
    %dma_start3A_54 = arith.constant 0 : i32
    %dma_start3A_55 = tpu.memref_slice %arg10[%dma_start3A_53, %dma_start3A_54] : memref<3x128xi32, #tpu.memory_space<vmem>> -> memref<1x128xi32, #tpu.memory_space<vmem>>
    %dma_start3A_56 = tpu.memref_squeeze %dma_start3A_55 : memref<1x128xi32, #tpu.memory_space<vmem>> -> memref<128xi32, #tpu.memory_space<vmem>>
    %dma_start3A_57 = tpu.memref_slice %arg3[%dma_start3A_52, %add3A_51] : memref<3x200000xi32, #tpu.memory_space<hbm>> -> memref<1x128xi32, #tpu.memory_space<hbm>>
    %dma_start3A_58 = tpu.memref_squeeze %dma_start3A_57 : memref<1x128xi32, #tpu.memory_space<hbm>> -> memref<128xi32, #tpu.memory_space<hbm>>
    %dma_start3A_59 = arith.constant 0 : i32
    %dma_start3A_60 = tpu.memref_slice %arg10[%dma_start3A_53, %dma_start3A_59] : memref<3x128xi32, #tpu.memory_space<vmem>> -> memref<1x128xi32, #tpu.memory_space<vmem>>
    %dma_start3A_61 = tpu.memref_squeeze %dma_start3A_60 : memref<1x128xi32, #tpu.memory_space<vmem>> -> memref<128xi32, #tpu.memory_space<vmem>>
    %dma_start3A_62 = tpu.memref_slice %arg3[%dma_start3A_52, %add3A_51] : memref<3x200000xi32, #tpu.memory_space<hbm>> -> memref<1x128xi32, #tpu.memory_space<hbm>>
    %dma_start3A_63 = tpu.memref_squeeze %dma_start3A_62 : memref<1x128xi32, #tpu.memory_space<hbm>> -> memref<128xi32, #tpu.memory_space<hbm>>
    tpu.enqueue_dma source(%dma_start3A_63 : memref<128xi32, #tpu.memory_space<hbm>>) target(%dma_start3A_61 : memref<128xi32, #tpu.memory_space<vmem>>) target_semaphore(%arg22 : memref<!tpu.dma_semaphore, #tpu.memory_space<semaphore_mem>>)
    %dma_start3A_64 = arith.constant 1 : i32
    %dma_start3A_65 = arith.constant 1 : i32
    %dma_start3A_66 = arith.constant 0 : i32
    %dma_start3A_67 = tpu.memref_slice %arg10[%dma_start3A_65, %dma_start3A_66] : memref<3x128xi32, #tpu.memory_space<vmem>> -> memref<1x128xi32, #tpu.memory_space<vmem>>
    %dma_start3A_68 = tpu.memref_squeeze %dma_start3A_67 : memref<1x128xi32, #tpu.memory_space<vmem>> -> memref<128xi32, #tpu.memory_space<vmem>>
    %dma_start3A_69 = tpu.memref_slice %arg3[%dma_start3A_64, %add3A_51] : memref<3x200000xi32, #tpu.memory_space<hbm>> -> memref<1x128xi32, #tpu.memory_space<hbm>>
    %dma_start3A_70 = tpu.memref_squeeze %dma_start3A_69 : memref<1x128xi32, #tpu.memory_space<hbm>> -> memref<128xi32, #tpu.memory_space<hbm>>
    %dma_start3A_71 = arith.constant 0 : i32
    %dma_start3A_72 = tpu.memref_slice %arg10[%dma_start3A_65, %dma_start3A_71] : memref<3x128xi32, #tpu.memory_space<vmem>> -> memref<1x128xi32, #tpu.memory_space<vmem>>
    %dma_start3A_73 = tpu.memref_squeeze %dma_start3A_72 : memref<1x128xi32, #tpu.memory_space<vmem>> -> memref<128xi32, #tpu.memory_space<vmem>>
    %dma_start3A_74 = tpu.memref_slice %arg3[%dma_start3A_64, %add3A_51] : memref<3x200000xi32, #tpu.memory_space<hbm>> -> memref<1x128xi32, #tpu.memory_space<hbm>>
    %dma_start3A_75 = tpu.memref_squeeze %dma_start3A_74 : memref<1x128xi32, #tpu.memory_space<hbm>> -> memref<128xi32, #tpu.memory_space<hbm>>
    tpu.enqueue_dma source(%dma_start3A_75 : memref<128xi32, #tpu.memory_space<hbm>>) target(%dma_start3A_73 : memref<128xi32, #tpu.memory_space<vmem>>) target_semaphore(%arg22 : memref<!tpu.dma_semaphore, #tpu.memory_space<semaphore_mem>>)
    %dma_start3A_76 = arith.constant 2 : i32
    %dma_start3A_77 = arith.constant 2 : i32
    %dma_start3A_78 = arith.constant 0 : i32
    %dma_start3A_79 = tpu.memref_slice %arg10[%dma_start3A_77, %dma_start3A_78] : memref<3x128xi32, #tpu.memory_space<vmem>> -> memref<1x128xi32, #tpu.memory_space<vmem>>
    %dma_start3A_80 = tpu.memref_squeeze %dma_start3A_79 : memref<1x128xi32, #tpu.memory_space<vmem>> -> memref<128xi32, #tpu.memory_space<vmem>>
    %dma_start3A_81 = tpu.memref_slice %arg3[%dma_start3A_76, %add3A_51] : memref<3x200000xi32, #tpu.memory_space<hbm>> -> memref<1x128xi32, #tpu.memory_space<hbm>>
    %dma_start3A_82 = tpu.memref_squeeze %dma_start3A_81 : memref<1x128xi32, #tpu.memory_space<hbm>> -> memref<128xi32, #tpu.memory_space<hbm>>
    %dma_start3A_83 = arith.constant 0 : i32
    %dma_start3A_84 = tpu.memref_slice %arg10[%dma_start3A_77, %dma_start3A_83] : memref<3x128xi32, #tpu.memory_space<vmem>> -> memref<1x128xi32, #tpu.memory_space<vmem>>
    %dma_start3A_85 = tpu.memref_squeeze %dma_start3A_84 : memref<1x128xi32, #tpu.memory_space<vmem>> -> memref<128xi32, #tpu.memory_space<vmem>>
    %dma_start3A_86 = tpu.memref_slice %arg3[%dma_start3A_76, %add3A_51] : memref<3x200000xi32, #tpu.memory_space<hbm>> -> memref<1x128xi32, #tpu.memory_space<hbm>>
    %dma_start3A_87 = tpu.memref_squeeze %dma_start3A_86 : memref<1x128xi32, #tpu.memory_space<hbm>> -> memref<128xi32, #tpu.memory_space<hbm>>
    tpu.enqueue_dma source(%dma_start3A_87 : memref<128xi32, #tpu.memory_space<hbm>>) target(%dma_start3A_85 : memref<128xi32, #tpu.memory_space<vmem>>) target_semaphore(%arg22 : memref<!tpu.dma_semaphore, #tpu.memory_space<semaphore_mem>>)
    %add3A_88 = arith.constant 256 : i32
    %add3A_89 = arith.addi %add3A_7, %add3A_88 : i32
    %dma_start3A_90 = arith.constant 0 : i32
    %dma_start3A_91 = arith.constant 0 : i32
    %dma_start3A_92 = arith.constant 0 : i32
    %dma_start3A_93 = tpu.memref_slice %arg11[%dma_start3A_91, %dma_start3A_92] : memref<3x128xi32, #tpu.memory_space<vmem>> -> memref<1x128xi32, #tpu.memory_space<vmem>>
    %dma_start3A_94 = tpu.memref_squeeze %dma_start3A_93 : memref<1x128xi32, #tpu.memory_space<vmem>> -> memref<128xi32, #tpu.memory_space<vmem>>
    %dma_start3A_95 = tpu.memref_slice %arg3[%dma_start3A_90, %add3A_89] : memref<3x200000xi32, #tpu.memory_space<hbm>> -> memref<1x128xi32, #tpu.memory_space<hbm>>
    %dma_start3A_96 = tpu.memref_squeeze %dma_start3A_95 : memref<1x128xi32, #tpu.memory_space<hbm>> -> memref<128xi32, #tpu.memory_space<hbm>>
    %dma_start3A_97 = arith.constant 0 : i32
    %dma_start3A_98 = tpu.memref_slice %arg11[%dma_start3A_91, %dma_start3A_97] : memref<3x128xi32, #tpu.memory_space<vmem>> -> memref<1x128xi32, #tpu.memory_space<vmem>>
    %dma_start3A_99 = tpu.memref_squeeze %dma_start3A_98 : memref<1x128xi32, #tpu.memory_space<vmem>> -> memref<128xi32, #tpu.memory_space<vmem>>
    %dma_start3A_100 = tpu.memref_slice %arg3[%dma_start3A_90, %add3A_89] : memref<3x200000xi32, #tpu.memory_space<hbm>> -> memref<1x128xi32, #tpu.memory_space<hbm>>
    %dma_start3A_101 = tpu.memref_squeeze %dma_start3A_100 : memref<1x128xi32, #tpu.memory_space<hbm>> -> memref<128xi32, #tpu.memory_space<hbm>>
    tpu.enqueue_dma source(%dma_start3A_101 : memref<128xi32, #tpu.memory_space<hbm>>) target(%dma_start3A_99 : memref<128xi32, #tpu.memory_space<vmem>>) target_semaphore(%arg23 : memref<!tpu.dma_semaphore, #tpu.memory_space<semaphore_mem>>)
    %dma_start3A_102 = arith.constant 1 : i32
    %dma_start3A_103 = arith.constant 1 : i32
    %dma_start3A_104 = arith.constant 0 : i32
    %dma_start3A_105 = tpu.memref_slice %arg11[%dma_start3A_103, %dma_start3A_104] : memref<3x128xi32, #tpu.memory_space<vmem>> -> memref<1x128xi32, #tpu.memory_space<vmem>>
    %dma_start3A_106 = tpu.memref_squeeze %dma_start3A_105 : memref<1x128xi32, #tpu.memory_space<vmem>> -> memref<128xi32, #tpu.memory_space<vmem>>
    %dma_start3A_107 = tpu.memref_slice %arg3[%dma_start3A_102, %add3A_89] : memref<3x200000xi32, #tpu.memory_space<hbm>> -> memref<1x128xi32, #tpu.memory_space<hbm>>
    %dma_start3A_108 = tpu.memref_squeeze %dma_start3A_107 : memref<1x128xi32, #tpu.memory_space<hbm>> -> memref<128xi32, #tpu.memory_space<hbm>>
    %dma_start3A_109 = arith.constant 0 : i32
    %dma_start3A_110 = tpu.memref_slice %arg11[%dma_start3A_103, %dma_start3A_109] : memref<3x128xi32, #tpu.memory_space<vmem>> -> memref<1x128xi32, #tpu.memory_space<vmem>>
    %dma_start3A_111 = tpu.memref_squeeze %dma_start3A_110 : memref<1x128xi32, #tpu.memory_space<vmem>> -> memref<128xi32, #tpu.memory_space<vmem>>
    %dma_start3A_112 = tpu.memref_slice %arg3[%dma_start3A_102, %add3A_89] : memref<3x200000xi32, #tpu.memory_space<hbm>> -> memref<1x128xi32, #tpu.memory_space<hbm>>
    %dma_start3A_113 = tpu.memref_squeeze %dma_start3A_112 : memref<1x128xi32, #tpu.memory_space<hbm>> -> memref<128xi32, #tpu.memory_space<hbm>>
    tpu.enqueue_dma source(%dma_start3A_113 : memref<128xi32, #tpu.memory_space<hbm>>) target(%dma_start3A_111 : memref<128xi32, #tpu.memory_space<vmem>>) target_semaphore(%arg23 : memref<!tpu.dma_semaphore, #tpu.memory_space<semaphore_mem>>)
    %dma_start3A_114 = arith.constant 2 : i32
    %dma_start3A_115 = arith.constant 2 : i32
    %dma_start3A_116 = arith.constant 0 : i32
    %dma_start3A_117 = tpu.memref_slice %arg11[%dma_start3A_115, %dma_start3A_116] : memref<3x128xi32, #tpu.memory_space<vmem>> -> memref<1x128xi32, #tpu.memory_space<vmem>>
    %dma_start3A_118 = tpu.memref_squeeze %dma_start3A_117 : memref<1x128xi32, #tpu.memory_space<vmem>> -> memref<128xi32, #tpu.memory_space<vmem>>
    %dma_start3A_119 = tpu.memref_slice %arg3[%dma_start3A_114, %add3A_89] : memref<3x200000xi32, #tpu.memory_space<hbm>> -> memref<1x128xi32, #tpu.memory_space<hbm>>
    %dma_start3A_120 = tpu.memref_squeeze %dma_start3A_119 : memref<1x128xi32, #tpu.memory_space<hbm>> -> memref<128xi32, #tpu.memory_space<hbm>>
    %dma_start3A_121 = arith.constant 0 : i32
    %dma_start3A_122 = tpu.memref_slice %arg11[%dma_start3A_115, %dma_start3A_121] : memref<3x128xi32, #tpu.memory_space<vmem>> -> memref<1x128xi32, #tpu.memory_space<vmem>>
    %dma_start3A_123 = tpu.memref_squeeze %dma_start3A_122 : memref<1x128xi32, #tpu.memory_space<vmem>> -> memref<128xi32, #tpu.memory_space<vmem>>
    %dma_start3A_124 = tpu.memref_slice %arg3[%dma_start3A_114, %add3A_89] : memref<3x200000xi32, #tpu.memory_space<hbm>> -> memref<1x128xi32, #tpu.memory_space<hbm>>
    %dma_start3A_125 = tpu.memref_squeeze %dma_start3A_124 : memref<1x128xi32, #tpu.memory_space<hbm>> -> memref<128xi32, #tpu.memory_space<hbm>>
    tpu.enqueue_dma source(%dma_start3A_125 : memref<128xi32, #tpu.memory_space<hbm>>) target(%dma_start3A_123 : memref<128xi32, #tpu.memory_space<vmem>>) target_semaphore(%arg23 : memref<!tpu.dma_semaphore, #tpu.memory_space<semaphore_mem>>)
    %add3A_126 = arith.constant 0 : i32
    %add3A_127 = arith.addi %add3A_7, %add3A_126 : i32
    %dma_wait3A = arith.constant 0 : i32
    %dma_wait3A_128 = arith.constant 0 : i32
    %dma_wait3A_129 = arith.constant 0 : i32
    %dma_wait3A_130 = tpu.memref_slice %arg9[%dma_wait3A_128, %dma_wait3A_129] : memref<3x128xi32, #tpu.memory_space<vmem>> -> memref<1x128xi32, #tpu.memory_space<vmem>>
    %dma_wait3A_131 = tpu.memref_squeeze %dma_wait3A_130 : memref<1x128xi32, #tpu.memory_space<vmem>> -> memref<128xi32, #tpu.memory_space<vmem>>
    %dma_wait3A_132 = tpu.memref_slice %arg3[%dma_wait3A, %add3A_127] : memref<3x200000xi32, #tpu.memory_space<hbm>> -> memref<1x128xi32, #tpu.memory_space<hbm>>
    %dma_wait3A_133 = tpu.memref_squeeze %dma_wait3A_132 : memref<1x128xi32, #tpu.memory_space<hbm>> -> memref<128xi32, #tpu.memory_space<hbm>>
    %dma_wait3A_134 = arith.constant 0 : i32
    %dma_wait3A_135 = tpu.memref_slice %arg9[%dma_wait3A_128, %dma_wait3A_134] : memref<3x128xi32, #tpu.memory_space<vmem>> -> memref<1x128xi32, #tpu.memory_space<vmem>>
    %dma_wait3A_136 = tpu.memref_squeeze %dma_wait3A_135 : memref<1x128xi32, #tpu.memory_space<vmem>> -> memref<128xi32, #tpu.memory_space<vmem>>
    %dma_wait3A_137 = tpu.memref_slice %arg3[%dma_wait3A, %add3A_127] : memref<3x200000xi32, #tpu.memory_space<hbm>> -> memref<1x128xi32, #tpu.memory_space<hbm>>
    %dma_wait3A_138 = tpu.memref_squeeze %dma_wait3A_137 : memref<1x128xi32, #tpu.memory_space<hbm>> -> memref<128xi32, #tpu.memory_space<hbm>>
    tpu.wait_dma2 semaphore(%arg21 : memref<!tpu.dma_semaphore, #tpu.memory_space<semaphore_mem>>) src(%dma_wait3A_138 : memref<128xi32, #tpu.memory_space<hbm>>) dst(%dma_wait3A_136 : memref<128xi32, #tpu.memory_space<vmem>>)
    %dma_wait3A_139 = arith.constant 1 : i32
    %dma_wait3A_140 = arith.constant 1 : i32
    %dma_wait3A_141 = arith.constant 0 : i32
    %dma_wait3A_142 = tpu.memref_slice %arg9[%dma_wait3A_140, %dma_wait3A_141] : memref<3x128xi32, #tpu.memory_space<vmem>> -> memref<1x128xi32, #tpu.memory_space<vmem>>
    %dma_wait3A_143 = tpu.memref_squeeze %dma_wait3A_142 : memref<1x128xi32, #tpu.memory_space<vmem>> -> memref<128xi32, #tpu.memory_space<vmem>>
    %dma_wait3A_144 = tpu.memref_slice %arg3[%dma_wait3A_139, %add3A_127] : memref<3x200000xi32, #tpu.memory_space<hbm>> -> memref<1x128xi32, #tpu.memory_space<hbm>>
    %dma_wait3A_145 = tpu.memref_squeeze %dma_wait3A_144 : memref<1x128xi32, #tpu.memory_space<hbm>> -> memref<128xi32, #tpu.memory_space<hbm>>
    %dma_wait3A_146 = arith.constant 0 : i32
    %dma_wait3A_147 = tpu.memref_slice %arg9[%dma_wait3A_140, %dma_wait3A_146] : memref<3x128xi32, #tpu.memory_space<vmem>> -> memref<1x128xi32, #tpu.memory_space<vmem>>
    %dma_wait3A_148 = tpu.memref_squeeze %dma_wait3A_147 : memref<1x128xi32, #tpu.memory_space<vmem>> -> memref<128xi32, #tpu.memory_space<vmem>>
    %dma_wait3A_149 = tpu.memref_slice %arg3[%dma_wait3A_139, %add3A_127] : memref<3x200000xi32, #tpu.memory_space<hbm>> -> memref<1x128xi32, #tpu.memory_space<hbm>>
    %dma_wait3A_150 = tpu.memref_squeeze %dma_wait3A_149 : memref<1x128xi32, #tpu.memory_space<hbm>> -> memref<128xi32, #tpu.memory_space<hbm>>
    tpu.wait_dma2 semaphore(%arg21 : memref<!tpu.dma_semaphore, #tpu.memory_space<semaphore_mem>>) src(%dma_wait3A_150 : memref<128xi32, #tpu.memory_space<hbm>>) dst(%dma_wait3A_148 : memref<128xi32, #tpu.memory_space<vmem>>)
    %dma_wait3A_151 = arith.constant 2 : i32
    %dma_wait3A_152 = arith.constant 2 : i32
    %dma_wait3A_153 = arith.constant 0 : i32
    %dma_wait3A_154 = tpu.memref_slice %arg9[%dma_wait3A_152, %dma_wait3A_153] : memref<3x128xi32, #tpu.memory_space<vmem>> -> memref<1x128xi32, #tpu.memory_space<vmem>>
    %dma_wait3A_155 = tpu.memref_squeeze %dma_wait3A_154 : memref<1x128xi32, #tpu.memory_space<vmem>> -> memref<128xi32, #tpu.memory_space<vmem>>
    %dma_wait3A_156 = tpu.memref_slice %arg3[%dma_wait3A_151, %add3A_127] : memref<3x200000xi32, #tpu.memory_space<hbm>> -> memref<1x128xi32, #tpu.memory_space<hbm>>
    %dma_wait3A_157 = tpu.memref_squeeze %dma_wait3A_156 : memref<1x128xi32, #tpu.memory_space<hbm>> -> memref<128xi32, #tpu.memory_space<hbm>>
    %dma_wait3A_158 = arith.constant 0 : i32
    %dma_wait3A_159 = tpu.memref_slice %arg9[%dma_wait3A_152, %dma_wait3A_158] : memref<3x128xi32, #tpu.memory_space<vmem>> -> memref<1x128xi32, #tpu.memory_space<vmem>>
    %dma_wait3A_160 = tpu.memref_squeeze %dma_wait3A_159 : memref<1x128xi32, #tpu.memory_space<vmem>> -> memref<128xi32, #tpu.memory_space<vmem>>
    %dma_wait3A_161 = tpu.memref_slice %arg3[%dma_wait3A_151, %add3A_127] : memref<3x200000xi32, #tpu.memory_space<hbm>> -> memref<1x128xi32, #tpu.memory_space<hbm>>
    %dma_wait3A_162 = tpu.memref_squeeze %dma_wait3A_161 : memref<1x128xi32, #tpu.memory_space<hbm>> -> memref<128xi32, #tpu.memory_space<hbm>>
    tpu.wait_dma2 semaphore(%arg21 : memref<!tpu.dma_semaphore, #tpu.memory_space<semaphore_mem>>) src(%dma_wait3A_162 : memref<128xi32, #tpu.memory_space<hbm>>) dst(%dma_wait3A_160 : memref<128xi32, #tpu.memory_space<vmem>>)
    %dma_start3A_163 = arith.constant 0 : i32
    %dma_start3A_164 = arith.constant 0 : i32
    %dma_start3A_165 = tpu.memref_slice %arg9[%dma_start3A_163, %dma_start3A_164] : memref<3x128xi32, #tpu.memory_space<vmem>> -> memref<1x128xi32, #tpu.memory_space<vmem>>
    %dma_start3A_166 = tpu.memref_squeeze %dma_start3A_165 : memref<1x128xi32, #tpu.memory_space<vmem>> -> memref<128xi32, #tpu.memory_space<vmem>>
    %dma_start3A_167 = arith.constant 0 : i32
    %dma_start3A_168 = arith.constant 0 : i32
    %dma_start3A_169 = tpu.memref_slice %arg2[%dma_start3A_167, %dma_start3A_168] : memref<100000x128xf32, #tpu.memory_space<hbm>> -> memref<100000x128xf32, #tpu.memory_space<hbm>>
    tpu.enqueue_indirect_dma source(%dma_start3A_169 : memref<100000x128xf32, #tpu.memory_space<hbm>>) target(%arg5 : memref<128x128xf32, #tpu.memory_space<vmem>>) offsets(%dma_start3A_166 : memref<128xi32, #tpu.memory_space<vmem>>) semaphore(%arg13 : memref<!tpu.dma_semaphore, #tpu.memory_space<semaphore_mem>>)
    %add3A_170 = arith.constant 128 : i32
    %add3A_171 = arith.addi %add3A_7, %add3A_170 : i32
    %dma_wait3A_172 = arith.constant 0 : i32
    %dma_wait3A_173 = arith.constant 0 : i32
    %dma_wait3A_174 = arith.constant 0 : i32
    %dma_wait3A_175 = tpu.memref_slice %arg10[%dma_wait3A_173, %dma_wait3A_174] : memref<3x128xi32, #tpu.memory_space<vmem>> -> memref<1x128xi32, #tpu.memory_space<vmem>>
    %dma_wait3A_176 = tpu.memref_squeeze %dma_wait3A_175 : memref<1x128xi32, #tpu.memory_space<vmem>> -> memref<128xi32, #tpu.memory_space<vmem>>
    %dma_wait3A_177 = tpu.memref_slice %arg3[%dma_wait3A_172, %add3A_171] : memref<3x200000xi32, #tpu.memory_space<hbm>> -> memref<1x128xi32, #tpu.memory_space<hbm>>
    %dma_wait3A_178 = tpu.memref_squeeze %dma_wait3A_177 : memref<1x128xi32, #tpu.memory_space<hbm>> -> memref<128xi32, #tpu.memory_space<hbm>>
    %dma_wait3A_179 = arith.constant 0 : i32
    %dma_wait3A_180 = tpu.memref_slice %arg10[%dma_wait3A_173, %dma_wait3A_179] : memref<3x128xi32, #tpu.memory_space<vmem>> -> memref<1x128xi32, #tpu.memory_space<vmem>>
    %dma_wait3A_181 = tpu.memref_squeeze %dma_wait3A_180 : memref<1x128xi32, #tpu.memory_space<vmem>> -> memref<128xi32, #tpu.memory_space<vmem>>
    %dma_wait3A_182 = tpu.memref_slice %arg3[%dma_wait3A_172, %add3A_171] : memref<3x200000xi32, #tpu.memory_space<hbm>> -> memref<1x128xi32, #tpu.memory_space<hbm>>
    %dma_wait3A_183 = tpu.memref_squeeze %dma_wait3A_182 : memref<1x128xi32, #tpu.memory_space<hbm>> -> memref<128xi32, #tpu.memory_space<hbm>>
    tpu.wait_dma2 semaphore(%arg22 : memref<!tpu.dma_semaphore, #tpu.memory_space<semaphore_mem>>) src(%dma_wait3A_183 : memref<128xi32, #tpu.memory_space<hbm>>) dst(%dma_wait3A_181 : memref<128xi32, #tpu.memory_space<vmem>>)
    %dma_wait3A_184 = arith.constant 1 : i32
    %dma_wait3A_185 = arith.constant 1 : i32
    %dma_wait3A_186 = arith.constant 0 : i32
    %dma_wait3A_187 = tpu.memref_slice %arg10[%dma_wait3A_185, %dma_wait3A_186] : memref<3x128xi32, #tpu.memory_space<vmem>> -> memref<1x128xi32, #tpu.memory_space<vmem>>
    %dma_wait3A_188 = tpu.memref_squeeze %dma_wait3A_187 : memref<1x128xi32, #tpu.memory_space<vmem>> -> memref<128xi32, #tpu.memory_space<vmem>>
    %dma_wait3A_189 = tpu.memref_slice %arg3[%dma_wait3A_184, %add3A_171] : memref<3x200000xi32, #tpu.memory_space<hbm>> -> memref<1x128xi32, #tpu.memory_space<hbm>>
    %dma_wait3A_190 = tpu.memref_squeeze %dma_wait3A_189 : memref<1x128xi32, #tpu.memory_space<hbm>> -> memref<128xi32, #tpu.memory_space<hbm>>
    %dma_wait3A_191 = arith.constant 0 : i32
    %dma_wait3A_192 = tpu.memref_slice %arg10[%dma_wait3A_185, %dma_wait3A_191] : memref<3x128xi32, #tpu.memory_space<vmem>> -> memref<1x128xi32, #tpu.memory_space<vmem>>
    %dma_wait3A_193 = tpu.memref_squeeze %dma_wait3A_192 : memref<1x128xi32, #tpu.memory_space<vmem>> -> memref<128xi32, #tpu.memory_space<vmem>>
    %dma_wait3A_194 = tpu.memref_slice %arg3[%dma_wait3A_184, %add3A_171] : memref<3x200000xi32, #tpu.memory_space<hbm>> -> memref<1x128xi32, #tpu.memory_space<hbm>>
    %dma_wait3A_195 = tpu.memref_squeeze %dma_wait3A_194 : memref<1x128xi32, #tpu.memory_space<hbm>> -> memref<128xi32, #tpu.memory_space<hbm>>
    tpu.wait_dma2 semaphore(%arg22 : memref<!tpu.dma_semaphore, #tpu.memory_space<semaphore_mem>>) src(%dma_wait3A_195 : memref<128xi32, #tpu.memory_space<hbm>>) dst(%dma_wait3A_193 : memref<128xi32, #tpu.memory_space<vmem>>)
    %dma_wait3A_196 = arith.constant 2 : i32
    %dma_wait3A_197 = arith.constant 2 : i32
    %dma_wait3A_198 = arith.constant 0 : i32
    %dma_wait3A_199 = tpu.memref_slice %arg10[%dma_wait3A_197, %dma_wait3A_198] : memref<3x128xi32, #tpu.memory_space<vmem>> -> memref<1x128xi32, #tpu.memory_space<vmem>>
    %dma_wait3A_200 = tpu.memref_squeeze %dma_wait3A_199 : memref<1x128xi32, #tpu.memory_space<vmem>> -> memref<128xi32, #tpu.memory_space<vmem>>
    %dma_wait3A_201 = tpu.memref_slice %arg3[%dma_wait3A_196, %add3A_171] : memref<3x200000xi32, #tpu.memory_space<hbm>> -> memref<1x128xi32, #tpu.memory_space<hbm>>
    %dma_wait3A_202 = tpu.memref_squeeze %dma_wait3A_201 : memref<1x128xi32, #tpu.memory_space<hbm>> -> memref<128xi32, #tpu.memory_space<hbm>>
    %dma_wait3A_203 = arith.constant 0 : i32
    %dma_wait3A_204 = tpu.memref_slice %arg10[%dma_wait3A_197, %dma_wait3A_203] : memref<3x128xi32, #tpu.memory_space<vmem>> -> memref<1x128xi32, #tpu.memory_space<vmem>>
    %dma_wait3A_205 = tpu.memref_squeeze %dma_wait3A_204 : memref<1x128xi32, #tpu.memory_space<vmem>> -> memref<128xi32, #tpu.memory_space<vmem>>
    %dma_wait3A_206 = tpu.memref_slice %arg3[%dma_wait3A_196, %add3A_171] : memref<3x200000xi32, #tpu.memory_space<hbm>> -> memref<1x128xi32, #tpu.memory_space<hbm>>
    %dma_wait3A_207 = tpu.memref_squeeze %dma_wait3A_206 : memref<1x128xi32, #tpu.memory_space<hbm>> -> memref<128xi32, #tpu.memory_space<hbm>>
    tpu.wait_dma2 semaphore(%arg22 : memref<!tpu.dma_semaphore, #tpu.memory_space<semaphore_mem>>) src(%dma_wait3A_207 : memref<128xi32, #tpu.memory_space<hbm>>) dst(%dma_wait3A_205 : memref<128xi32, #tpu.memory_space<vmem>>)
    %dma_start3A_208 = arith.constant 0 : i32
    %dma_start3A_209 = arith.constant 0 : i32
    %dma_start3A_210 = tpu.memref_slice %arg10[%dma_start3A_208, %dma_start3A_209] : memref<3x128xi32, #tpu.memory_space<vmem>> -> memref<1x128xi32, #tpu.memory_space<vmem>>
    %dma_start3A_211 = tpu.memref_squeeze %dma_start3A_210 : memref<1x128xi32, #tpu.memory_space<vmem>> -> memref<128xi32, #tpu.memory_space<vmem>>
    %dma_start3A_212 = arith.constant 0 : i32
    %dma_start3A_213 = arith.constant 0 : i32
    %dma_start3A_214 = tpu.memref_slice %arg2[%dma_start3A_212, %dma_start3A_213] : memref<100000x128xf32, #tpu.memory_space<hbm>> -> memref<100000x128xf32, #tpu.memory_space<hbm>>
    tpu.enqueue_indirect_dma source(%dma_start3A_214 : memref<100000x128xf32, #tpu.memory_space<hbm>>) target(%arg6 : memref<128x128xf32, #tpu.memory_space<vmem>>) offsets(%dma_start3A_211 : memref<128xi32, #tpu.memory_space<vmem>>) semaphore(%arg15 : memref<!tpu.dma_semaphore, #tpu.memory_space<semaphore_mem>>)
    %add3A_215 = arith.constant 256 : i32
    %add3A_216 = arith.addi %add3A_7, %add3A_215 : i32
    %dma_wait3A_217 = arith.constant 0 : i32
    %dma_wait3A_218 = arith.constant 0 : i32
    %dma_wait3A_219 = arith.constant 0 : i32
    %dma_wait3A_220 = tpu.memref_slice %arg11[%dma_wait3A_218, %dma_wait3A_219] : memref<3x128xi32, #tpu.memory_space<vmem>> -> memref<1x128xi32, #tpu.memory_space<vmem>>
    %dma_wait3A_221 = tpu.memref_squeeze %dma_wait3A_220 : memref<1x128xi32, #tpu.memory_space<vmem>> -> memref<128xi32, #tpu.memory_space<vmem>>
    %dma_wait3A_222 = tpu.memref_slice %arg3[%dma_wait3A_217, %add3A_216] : memref<3x200000xi32, #tpu.memory_space<hbm>> -> memref<1x128xi32, #tpu.memory_space<hbm>>
    %dma_wait3A_223 = tpu.memref_squeeze %dma_wait3A_222 : memref<1x128xi32, #tpu.memory_space<hbm>> -> memref<128xi32, #tpu.memory_space<hbm>>
    %dma_wait3A_224 = arith.constant 0 : i32
    %dma_wait3A_225 = tpu.memref_slice %arg11[%dma_wait3A_218, %dma_wait3A_224] : memref<3x128xi32, #tpu.memory_space<vmem>> -> memref<1x128xi32, #tpu.memory_space<vmem>>
    %dma_wait3A_226 = tpu.memref_squeeze %dma_wait3A_225 : memref<1x128xi32, #tpu.memory_space<vmem>> -> memref<128xi32, #tpu.memory_space<vmem>>
    %dma_wait3A_227 = tpu.memref_slice %arg3[%dma_wait3A_217, %add3A_216] : memref<3x200000xi32, #tpu.memory_space<hbm>> -> memref<1x128xi32, #tpu.memory_space<hbm>>
    %dma_wait3A_228 = tpu.memref_squeeze %dma_wait3A_227 : memref<1x128xi32, #tpu.memory_space<hbm>> -> memref<128xi32, #tpu.memory_space<hbm>>
    tpu.wait_dma2 semaphore(%arg23 : memref<!tpu.dma_semaphore, #tpu.memory_space<semaphore_mem>>) src(%dma_wait3A_228 : memref<128xi32, #tpu.memory_space<hbm>>) dst(%dma_wait3A_226 : memref<128xi32, #tpu.memory_space<vmem>>)
    %dma_wait3A_229 = arith.constant 1 : i32
    %dma_wait3A_230 = arith.constant 1 : i32
    %dma_wait3A_231 = arith.constant 0 : i32
    %dma_wait3A_232 = tpu.memref_slice %arg11[%dma_wait3A_230, %dma_wait3A_231] : memref<3x128xi32, #tpu.memory_space<vmem>> -> memref<1x128xi32, #tpu.memory_space<vmem>>
    %dma_wait3A_233 = tpu.memref_squeeze %dma_wait3A_232 : memref<1x128xi32, #tpu.memory_space<vmem>> -> memref<128xi32, #tpu.memory_space<vmem>>
    %dma_wait3A_234 = tpu.memref_slice %arg3[%dma_wait3A_229, %add3A_216] : memref<3x200000xi32, #tpu.memory_space<hbm>> -> memref<1x128xi32, #tpu.memory_space<hbm>>
    %dma_wait3A_235 = tpu.memref_squeeze %dma_wait3A_234 : memref<1x128xi32, #tpu.memory_space<hbm>> -> memref<128xi32, #tpu.memory_space<hbm>>
    %dma_wait3A_236 = arith.constant 0 : i32
    %dma_wait3A_237 = tpu.memref_slice %arg11[%dma_wait3A_230, %dma_wait3A_236] : memref<3x128xi32, #tpu.memory_space<vmem>> -> memref<1x128xi32, #tpu.memory_space<vmem>>
    %dma_wait3A_238 = tpu.memref_squeeze %dma_wait3A_237 : memref<1x128xi32, #tpu.memory_space<vmem>> -> memref<128xi32, #tpu.memory_space<vmem>>
    %dma_wait3A_239 = tpu.memref_slice %arg3[%dma_wait3A_229, %add3A_216] : memref<3x200000xi32, #tpu.memory_space<hbm>> -> memref<1x128xi32, #tpu.memory_space<hbm>>
    %dma_wait3A_240 = tpu.memref_squeeze %dma_wait3A_239 : memref<1x128xi32, #tpu.memory_space<hbm>> -> memref<128xi32, #tpu.memory_space<hbm>>
    tpu.wait_dma2 semaphore(%arg23 : memref<!tpu.dma_semaphore, #tpu.memory_space<semaphore_mem>>) src(%dma_wait3A_240 : memref<128xi32, #tpu.memory_space<hbm>>) dst(%dma_wait3A_238 : memref<128xi32, #tpu.memory_space<vmem>>)
    %dma_wait3A_241 = arith.constant 2 : i32
    %dma_wait3A_242 = arith.constant 2 : i32
    %dma_wait3A_243 = arith.constant 0 : i32
    %dma_wait3A_244 = tpu.memref_slice %arg11[%dma_wait3A_242, %dma_wait3A_243] : memref<3x128xi32, #tpu.memory_space<vmem>> -> memref<1x128xi32, #tpu.memory_space<vmem>>
    %dma_wait3A_245 = tpu.memref_squeeze %dma_wait3A_244 : memref<1x128xi32, #tpu.memory_space<vmem>> -> memref<128xi32, #tpu.memory_space<vmem>>
    %dma_wait3A_246 = tpu.memref_slice %arg3[%dma_wait3A_241, %add3A_216] : memref<3x200000xi32, #tpu.memory_space<hbm>> -> memref<1x128xi32, #tpu.memory_space<hbm>>
    %dma_wait3A_247 = tpu.memref_squeeze %dma_wait3A_246 : memref<1x128xi32, #tpu.memory_space<hbm>> -> memref<128xi32, #tpu.memory_space<hbm>>
    %dma_wait3A_248 = arith.constant 0 : i32
    %dma_wait3A_249 = tpu.memref_slice %arg11[%dma_wait3A_242, %dma_wait3A_248] : memref<3x128xi32, #tpu.memory_space<vmem>> -> memref<1x128xi32, #tpu.memory_space<vmem>>
    %dma_wait3A_250 = tpu.memref_squeeze %dma_wait3A_249 : memref<1x128xi32, #tpu.memory_space<vmem>> -> memref<128xi32, #tpu.memory_space<vmem>>
    %dma_wait3A_251 = tpu.memref_slice %arg3[%dma_wait3A_241, %add3A_216] : memref<3x200000xi32, #tpu.memory_space<hbm>> -> memref<1x128xi32, #tpu.memory_space<hbm>>
    %dma_wait3A_252 = tpu.memref_squeeze %dma_wait3A_251 : memref<1x128xi32, #tpu.memory_space<hbm>> -> memref<128xi32, #tpu.memory_space<hbm>>
    tpu.wait_dma2 semaphore(%arg23 : memref<!tpu.dma_semaphore, #tpu.memory_space<semaphore_mem>>) src(%dma_wait3A_252 : memref<128xi32, #tpu.memory_space<hbm>>) dst(%dma_wait3A_250 : memref<128xi32, #tpu.memory_space<vmem>>)
    %dma_start3A_253 = arith.constant 0 : i32
    %dma_start3A_254 = arith.constant 0 : i32
    %dma_start3A_255 = tpu.memref_slice %arg11[%dma_start3A_253, %dma_start3A_254] : memref<3x128xi32, #tpu.memory_space<vmem>> -> memref<1x128xi32, #tpu.memory_space<vmem>>
    %dma_start3A_256 = tpu.memref_squeeze %dma_start3A_255 : memref<1x128xi32, #tpu.memory_space<vmem>> -> memref<128xi32, #tpu.memory_space<vmem>>
    %dma_start3A_257 = arith.constant 0 : i32
    %dma_start3A_258 = arith.constant 0 : i32
    %dma_start3A_259 = tpu.memref_slice %arg2[%dma_start3A_257, %dma_start3A_258] : memref<100000x128xf32, #tpu.memory_space<hbm>> -> memref<100000x128xf32, #tpu.memory_space<hbm>>
    tpu.enqueue_indirect_dma source(%dma_start3A_259 : memref<100000x128xf32, #tpu.memory_space<hbm>>) target(%arg7 : memref<128x128xf32, #tpu.memory_space<vmem>>) offsets(%dma_start3A_256 : memref<128xi32, #tpu.memory_space<vmem>>) semaphore(%arg17 : memref<!tpu.dma_semaphore, #tpu.memory_space<semaphore_mem>>)
    %add3A_260 = arith.constant 384 : i32
    %add3A_261 = arith.addi %add3A_7, %add3A_260 : i32
    %dma_start3A_262 = arith.constant 0 : i32
    %dma_start3A_263 = arith.constant 0 : i32
    %dma_start3A_264 = arith.constant 0 : i32
    %dma_start3A_265 = tpu.memref_slice %arg12[%dma_start3A_263, %dma_start3A_264] : memref<3x128xi32, #tpu.memory_space<vmem>> -> memref<1x128xi32, #tpu.memory_space<vmem>>
    %dma_start3A_266 = tpu.memref_squeeze %dma_start3A_265 : memref<1x128xi32, #tpu.memory_space<vmem>> -> memref<128xi32, #tpu.memory_space<vmem>>
    %dma_start3A_267 = tpu.memref_slice %arg3[%dma_start3A_262, %add3A_261] : memref<3x200000xi32, #tpu.memory_space<hbm>> -> memref<1x128xi32, #tpu.memory_space<hbm>>
    %dma_start3A_268 = tpu.memref_squeeze %dma_start3A_267 : memref<1x128xi32, #tpu.memory_space<hbm>> -> memref<128xi32, #tpu.memory_space<hbm>>
    %dma_start3A_269 = arith.constant 0 : i32
    %dma_start3A_270 = tpu.memref_slice %arg12[%dma_start3A_263, %dma_start3A_269] : memref<3x128xi32, #tpu.memory_space<vmem>> -> memref<1x128xi32, #tpu.memory_space<vmem>>
    %dma_start3A_271 = tpu.memref_squeeze %dma_start3A_270 : memref<1x128xi32, #tpu.memory_space<vmem>> -> memref<128xi32, #tpu.memory_space<vmem>>
    %dma_start3A_272 = tpu.memref_slice %arg3[%dma_start3A_262, %add3A_261] : memref<3x200000xi32, #tpu.memory_space<hbm>> -> memref<1x128xi32, #tpu.memory_space<hbm>>
    %dma_start3A_273 = tpu.memref_squeeze %dma_start3A_272 : memref<1x128xi32, #tpu.memory_space<hbm>> -> memref<128xi32, #tpu.memory_space<hbm>>
    tpu.enqueue_dma source(%dma_start3A_273 : memref<128xi32, #tpu.memory_space<hbm>>) target(%dma_start3A_271 : memref<128xi32, #tpu.memory_space<vmem>>) target_semaphore(%arg24 : memref<!tpu.dma_semaphore, #tpu.memory_space<semaphore_mem>>)
    %dma_start3A_274 = arith.constant 1 : i32
    %dma_start3A_275 = arith.constant 1 : i32
    %dma_start3A_276 = arith.constant 0 : i32
    %dma_start3A_277 = tpu.memref_slice %arg12[%dma_start3A_275, %dma_start3A_276] : memref<3x128xi32, #tpu.memory_space<vmem>> -> memref<1x128xi32, #tpu.memory_space<vmem>>
    %dma_start3A_278 = tpu.memref_squeeze %dma_start3A_277 : memref<1x128xi32, #tpu.memory_space<vmem>> -> memref<128xi32, #tpu.memory_space<vmem>>
    %dma_start3A_279 = tpu.memref_slice %arg3[%dma_start3A_274, %add3A_261] : memref<3x200000xi32, #tpu.memory_space<hbm>> -> memref<1x128xi32, #tpu.memory_space<hbm>>
    %dma_start3A_280 = tpu.memref_squeeze %dma_start3A_279 : memref<1x128xi32, #tpu.memory_space<hbm>> -> memref<128xi32, #tpu.memory_space<hbm>>
    %dma_start3A_281 = arith.constant 0 : i32
    %dma_start3A_282 = tpu.memref_slice %arg12[%dma_start3A_275, %dma_start3A_281] : memref<3x128xi32, #tpu.memory_space<vmem>> -> memref<1x128xi32, #tpu.memory_space<vmem>>
    %dma_start3A_283 = tpu.memref_squeeze %dma_start3A_282 : memref<1x128xi32, #tpu.memory_space<vmem>> -> memref<128xi32, #tpu.memory_space<vmem>>
    %dma_start3A_284 = tpu.memref_slice %arg3[%dma_start3A_274, %add3A_261] : memref<3x200000xi32, #tpu.memory_space<hbm>> -> memref<1x128xi32, #tpu.memory_space<hbm>>
    %dma_start3A_285 = tpu.memref_squeeze %dma_start3A_284 : memref<1x128xi32, #tpu.memory_space<hbm>> -> memref<128xi32, #tpu.memory_space<hbm>>
    tpu.enqueue_dma source(%dma_start3A_285 : memref<128xi32, #tpu.memory_space<hbm>>) target(%dma_start3A_283 : memref<128xi32, #tpu.memory_space<vmem>>) target_semaphore(%arg24 : memref<!tpu.dma_semaphore, #tpu.memory_space<semaphore_mem>>)
    %dma_start3A_286 = arith.constant 2 : i32
    %dma_start3A_287 = arith.constant 2 : i32
    %dma_start3A_288 = arith.constant 0 : i32
    %dma_start3A_289 = tpu.memref_slice %arg12[%dma_start3A_287, %dma_start3A_288] : memref<3x128xi32, #tpu.memory_space<vmem>> -> memref<1x128xi32, #tpu.memory_space<vmem>>
    %dma_start3A_290 = tpu.memref_squeeze %dma_start3A_289 : memref<1x128xi32, #tpu.memory_space<vmem>> -> memref<128xi32, #tpu.memory_space<vmem>>
    %dma_start3A_291 = tpu.memref_slice %arg3[%dma_start3A_286, %add3A_261] : memref<3x200000xi32, #tpu.memory_space<hbm>> -> memref<1x128xi32, #tpu.memory_space<hbm>>
    %dma_start3A_292 = tpu.memref_squeeze %dma_start3A_291 : memref<1x128xi32, #tpu.memory_space<hbm>> -> memref<128xi32, #tpu.memory_space<hbm>>
    %dma_start3A_293 = arith.constant 0 : i32
    %dma_start3A_294 = tpu.memref_slice %arg12[%dma_start3A_287, %dma_start3A_293] : memref<3x128xi32, #tpu.memory_space<vmem>> -> memref<1x128xi32, #tpu.memory_space<vmem>>
    %dma_start3A_295 = tpu.memref_squeeze %dma_start3A_294 : memref<1x128xi32, #tpu.memory_space<vmem>> -> memref<128xi32, #tpu.memory_space<vmem>>
    %dma_start3A_296 = tpu.memref_slice %arg3[%dma_start3A_286, %add3A_261] : memref<3x200000xi32, #tpu.memory_space<hbm>> -> memref<1x128xi32, #tpu.memory_space<hbm>>
    %dma_start3A_297 = tpu.memref_squeeze %dma_start3A_296 : memref<1x128xi32, #tpu.memory_space<hbm>> -> memref<128xi32, #tpu.memory_space<hbm>>
    tpu.enqueue_dma source(%dma_start3A_297 : memref<128xi32, #tpu.memory_space<hbm>>) target(%dma_start3A_295 : memref<128xi32, #tpu.memory_space<vmem>>) target_semaphore(%arg24 : memref<!tpu.dma_semaphore, #tpu.memory_space<semaphore_mem>>)
    %dma_wait3A_298 = arith.constant 0 : i32
    %dma_wait3A_299 = arith.constant 0 : i32
    %dma_wait3A_300 = tpu.memref_slice %arg9[%dma_wait3A_298, %dma_wait3A_299] : memref<3x128xi32, #tpu.memory_space<vmem>> -> memref<1x128xi32, #tpu.memory_space<vmem>>
    %dma_wait3A_301 = tpu.memref_squeeze %dma_wait3A_300 : memref<1x128xi32, #tpu.memory_space<vmem>> -> memref<128xi32, #tpu.memory_space<vmem>>
    %dma_wait3A_302 = arith.constant 0 : i32
    %dma_wait3A_303 = arith.constant 0 : i32
    %dma_wait3A_304 = tpu.memref_slice %arg2[%dma_wait3A_302, %dma_wait3A_303] : memref<100000x128xf32, #tpu.memory_space<hbm>> -> memref<100000x128xf32, #tpu.memory_space<hbm>>
    tpu.wait_indirect_dma semaphore(%arg13 : memref<!tpu.dma_semaphore, #tpu.memory_space<semaphore_mem>>) src(%dma_wait3A_304 : memref<100000x128xf32, #tpu.memory_space<hbm>>) dst(%arg5 : memref<128x128xf32, #tpu.memory_space<vmem>>)
    %dma_start3A_305 = arith.constant 1 : i32
    %dma_start3A_306 = arith.constant 0 : i32
    %dma_start3A_307 = tpu.memref_slice %arg9[%dma_start3A_305, %dma_start3A_306] : memref<3x128xi32, #tpu.memory_space<vmem>> -> memref<1x128xi32, #tpu.memory_space<vmem>>
    %dma_start3A_308 = tpu.memref_squeeze %dma_start3A_307 : memref<1x128xi32, #tpu.memory_space<vmem>> -> memref<128xi32, #tpu.memory_space<vmem>>
    %dma_start3A_309 = arith.constant 0 : i32
    %dma_start3A_310 = arith.constant 0 : i32
    %dma_start3A_311 = tpu.memref_slice %arg2[%dma_start3A_309, %dma_start3A_310] : memref<100000x128xf32, #tpu.memory_space<hbm>> -> memref<100000x128xf32, #tpu.memory_space<hbm>>
    tpu.enqueue_indirect_dma source(%dma_start3A_311 : memref<100000x128xf32, #tpu.memory_space<hbm>>) target(%arg5 : memref<128x128xf32, #tpu.memory_space<vmem>>) offsets(%dma_start3A_308 : memref<128xi32, #tpu.memory_space<vmem>>) semaphore(%arg13 : memref<!tpu.dma_semaphore, #tpu.memory_space<semaphore_mem>>) {add = true}
    %dma_start3A_312 = arith.constant 2 : i32
    %dma_start3A_313 = arith.constant 0 : i32
    %dma_start3A_314 = tpu.memref_slice %arg9[%dma_start3A_312, %dma_start3A_313] : memref<3x128xi32, #tpu.memory_space<vmem>> -> memref<1x128xi32, #tpu.memory_space<vmem>>
    %dma_start3A_315 = tpu.memref_squeeze %dma_start3A_314 : memref<1x128xi32, #tpu.memory_space<vmem>> -> memref<128xi32, #tpu.memory_space<vmem>>
    %dma_start3A_316 = arith.constant 0 : i32
    %dma_start3A_317 = arith.constant 0 : i32
    %dma_start3A_318 = tpu.memref_slice %arg2[%dma_start3A_316, %dma_start3A_317] : memref<100000x128xf32, #tpu.memory_space<hbm>> -> memref<100000x128xf32, #tpu.memory_space<hbm>>
    tpu.enqueue_indirect_dma source(%dma_start3A_318 : memref<100000x128xf32, #tpu.memory_space<hbm>>) target(%arg5 : memref<128x128xf32, #tpu.memory_space<vmem>>) offsets(%dma_start3A_315 : memref<128xi32, #tpu.memory_space<vmem>>) semaphore(%arg13 : memref<!tpu.dma_semaphore, #tpu.memory_space<semaphore_mem>>) {add = true}
    %dma_wait3A_319 = arith.constant 1 : i32
    %dma_wait3A_320 = arith.constant 0 : i32
    %dma_wait3A_321 = tpu.memref_slice %arg9[%dma_wait3A_319, %dma_wait3A_320] : memref<3x128xi32, #tpu.memory_space<vmem>> -> memref<1x128xi32, #tpu.memory_space<vmem>>
    %dma_wait3A_322 = tpu.memref_squeeze %dma_wait3A_321 : memref<1x128xi32, #tpu.memory_space<vmem>> -> memref<128xi32, #tpu.memory_space<vmem>>
    %dma_wait3A_323 = arith.constant 0 : i32
    %dma_wait3A_324 = arith.constant 0 : i32
    %dma_wait3A_325 = tpu.memref_slice %arg2[%dma_wait3A_323, %dma_wait3A_324] : memref<100000x128xf32, #tpu.memory_space<hbm>> -> memref<100000x128xf32, #tpu.memory_space<hbm>>
    tpu.wait_indirect_dma semaphore(%arg13 : memref<!tpu.dma_semaphore, #tpu.memory_space<semaphore_mem>>) src(%dma_wait3A_325 : memref<100000x128xf32, #tpu.memory_space<hbm>>) dst(%arg5 : memref<128x128xf32, #tpu.memory_space<vmem>>)
    %dma_wait3A_326 = arith.constant 2 : i32
    %dma_wait3A_327 = arith.constant 0 : i32
    %dma_wait3A_328 = tpu.memref_slice %arg9[%dma_wait3A_326, %dma_wait3A_327] : memref<3x128xi32, #tpu.memory_space<vmem>> -> memref<1x128xi32, #tpu.memory_space<vmem>>
    %dma_wait3A_329 = tpu.memref_squeeze %dma_wait3A_328 : memref<1x128xi32, #tpu.memory_space<vmem>> -> memref<128xi32, #tpu.memory_space<vmem>>
    %dma_wait3A_330 = arith.constant 0 : i32
    %dma_wait3A_331 = arith.constant 0 : i32
    %dma_wait3A_332 = tpu.memref_slice %arg2[%dma_wait3A_330, %dma_wait3A_331] : memref<100000x128xf32, #tpu.memory_space<hbm>> -> memref<100000x128xf32, #tpu.memory_space<hbm>>
    tpu.wait_indirect_dma semaphore(%arg13 : memref<!tpu.dma_semaphore, #tpu.memory_space<semaphore_mem>>) src(%dma_wait3A_332 : memref<100000x128xf32, #tpu.memory_space<hbm>>) dst(%arg5 : memref<128x128xf32, #tpu.memory_space<vmem>>)
    %add3A_333 = arith.constant 0 : i32
    %add3A_334 = arith.addi %add3A_7, %add3A_333 : i32
    %dma_start3A_335 = arith.constant 0 : i32
    %dma_start3A_336 = tpu.memref_slice %arg4[%add3A_334, %dma_start3A_335] : memref<200000x128xf32, #tpu.memory_space<hbm>> -> memref<128x128xf32, #tpu.memory_space<hbm>>
    %dma_start3A_337 = arith.constant 0 : i32
    %dma_start3A_338 = tpu.memref_slice %arg4[%add3A_334, %dma_start3A_337] : memref<200000x128xf32, #tpu.memory_space<hbm>> -> memref<128x128xf32, #tpu.memory_space<hbm>>
    tpu.enqueue_dma source(%arg5 : memref<128x128xf32, #tpu.memory_space<vmem>>) target(%dma_start3A_338 : memref<128x128xf32, #tpu.memory_space<hbm>>) target_semaphore(%arg14 : memref<!tpu.dma_semaphore, #tpu.memory_space<semaphore_mem>>)
    %add3A_339 = arith.constant 384 : i32
    %add3A_340 = arith.addi %add3A_7, %add3A_339 : i32
    %dma_wait3A_341 = arith.constant 0 : i32
    %dma_wait3A_342 = arith.constant 0 : i32
    %dma_wait3A_343 = arith.constant 0 : i32
    %dma_wait3A_344 = tpu.memref_slice %arg12[%dma_wait3A_342, %dma_wait3A_343] : memref<3x128xi32, #tpu.memory_space<vmem>> -> memref<1x128xi32, #tpu.memory_space<vmem>>
    %dma_wait3A_345 = tpu.memref_squeeze %dma_wait3A_344 : memref<1x128xi32, #tpu.memory_space<vmem>> -> memref<128xi32, #tpu.memory_space<vmem>>
    %dma_wait3A_346 = tpu.memref_slice %arg3[%dma_wait3A_341, %add3A_340] : memref<3x200000xi32, #tpu.memory_space<hbm>> -> memref<1x128xi32, #tpu.memory_space<hbm>>
    %dma_wait3A_347 = tpu.memref_squeeze %dma_wait3A_346 : memref<1x128xi32, #tpu.memory_space<hbm>> -> memref<128xi32, #tpu.memory_space<hbm>>
    %dma_wait3A_348 = arith.constant 0 : i32
    %dma_wait3A_349 = tpu.memref_slice %arg12[%dma_wait3A_342, %dma_wait3A_348] : memref<3x128xi32, #tpu.memory_space<vmem>> -> memref<1x128xi32, #tpu.memory_space<vmem>>
    %dma_wait3A_350 = tpu.memref_squeeze %dma_wait3A_349 : memref<1x128xi32, #tpu.memory_space<vmem>> -> memref<128xi32, #tpu.memory_space<vmem>>
    %dma_wait3A_351 = tpu.memref_slice %arg3[%dma_wait3A_341, %add3A_340] : memref<3x200000xi32, #tpu.memory_space<hbm>> -> memref<1x128xi32, #tpu.memory_space<hbm>>
    %dma_wait3A_352 = tpu.memref_squeeze %dma_wait3A_351 : memref<1x128xi32, #tpu.memory_space<hbm>> -> memref<128xi32, #tpu.memory_space<hbm>>
    tpu.wait_dma2 semaphore(%arg24 : memref<!tpu.dma_semaphore, #tpu.memory_space<semaphore_mem>>) src(%dma_wait3A_352 : memref<128xi32, #tpu.memory_space<hbm>>) dst(%dma_wait3A_350 : memref<128xi32, #tpu.memory_space<vmem>>)
    %dma_wait3A_353 = arith.constant 1 : i32
    %dma_wait3A_354 = arith.constant 1 : i32
    %dma_wait3A_355 = arith.constant 0 : i32
    %dma_wait3A_356 = tpu.memref_slice %arg12[%dma_wait3A_354, %dma_wait3A_355] : memref<3x128xi32, #tpu.memory_space<vmem>> -> memref<1x128xi32, #tpu.memory_space<vmem>>
    %dma_wait3A_357 = tpu.memref_squeeze %dma_wait3A_356 : memref<1x128xi32, #tpu.memory_space<vmem>> -> memref<128xi32, #tpu.memory_space<vmem>>
    %dma_wait3A_358 = tpu.memref_slice %arg3[%dma_wait3A_353, %add3A_340] : memref<3x200000xi32, #tpu.memory_space<hbm>> -> memref<1x128xi32, #tpu.memory_space<hbm>>
    %dma_wait3A_359 = tpu.memref_squeeze %dma_wait3A_358 : memref<1x128xi32, #tpu.memory_space<hbm>> -> memref<128xi32, #tpu.memory_space<hbm>>
    %dma_wait3A_360 = arith.constant 0 : i32
    %dma_wait3A_361 = tpu.memref_slice %arg12[%dma_wait3A_354, %dma_wait3A_360] : memref<3x128xi32, #tpu.memory_space<vmem>> -> memref<1x128xi32, #tpu.memory_space<vmem>>
    %dma_wait3A_362 = tpu.memref_squeeze %dma_wait3A_361 : memref<1x128xi32, #tpu.memory_space<vmem>> -> memref<128xi32, #tpu.memory_space<vmem>>
    %dma_wait3A_363 = tpu.memref_slice %arg3[%dma_wait3A_353, %add3A_340] : memref<3x200000xi32, #tpu.memory_space<hbm>> -> memref<1x128xi32, #tpu.memory_space<hbm>>
    %dma_wait3A_364 = tpu.memref_squeeze %dma_wait3A_363 : memref<1x128xi32, #tpu.memory_space<hbm>> -> memref<128xi32, #tpu.memory_space<hbm>>
    tpu.wait_dma2 semaphore(%arg24 : memref<!tpu.dma_semaphore, #tpu.memory_space<semaphore_mem>>) src(%dma_wait3A_364 : memref<128xi32, #tpu.memory_space<hbm>>) dst(%dma_wait3A_362 : memref<128xi32, #tpu.memory_space<vmem>>)
    %dma_wait3A_365 = arith.constant 2 : i32
    %dma_wait3A_366 = arith.constant 2 : i32
    %dma_wait3A_367 = arith.constant 0 : i32
    %dma_wait3A_368 = tpu.memref_slice %arg12[%dma_wait3A_366, %dma_wait3A_367] : memref<3x128xi32, #tpu.memory_space<vmem>> -> memref<1x128xi32, #tpu.memory_space<vmem>>
    %dma_wait3A_369 = tpu.memref_squeeze %dma_wait3A_368 : memref<1x128xi32, #tpu.memory_space<vmem>> -> memref<128xi32, #tpu.memory_space<vmem>>
    %dma_wait3A_370 = tpu.memref_slice %arg3[%dma_wait3A_365, %add3A_340] : memref<3x200000xi32, #tpu.memory_space<hbm>> -> memref<1x128xi32, #tpu.memory_space<hbm>>
    %dma_wait3A_371 = tpu.memref_squeeze %dma_wait3A_370 : memref<1x128xi32, #tpu.memory_space<hbm>> -> memref<128xi32, #tpu.memory_space<hbm>>
    %dma_wait3A_372 = arith.constant 0 : i32
    %dma_wait3A_373 = tpu.memref_slice %arg12[%dma_wait3A_366, %dma_wait3A_372] : memref<3x128xi32, #tpu.memory_space<vmem>> -> memref<1x128xi32, #tpu.memory_space<vmem>>
    %dma_wait3A_374 = tpu.memref_squeeze %dma_wait3A_373 : memref<1x128xi32, #tpu.memory_space<vmem>> -> memref<128xi32, #tpu.memory_space<vmem>>
    %dma_wait3A_375 = tpu.memref_slice %arg3[%dma_wait3A_365, %add3A_340] : memref<3x200000xi32, #tpu.memory_space<hbm>> -> memref<1x128xi32, #tpu.memory_space<hbm>>
    %dma_wait3A_376 = tpu.memref_squeeze %dma_wait3A_375 : memref<1x128xi32, #tpu.memory_space<hbm>> -> memref<128xi32, #tpu.memory_space<hbm>>
    tpu.wait_dma2 semaphore(%arg24 : memref<!tpu.dma_semaphore, #tpu.memory_space<semaphore_mem>>) src(%dma_wait3A_376 : memref<128xi32, #tpu.memory_space<hbm>>) dst(%dma_wait3A_374 : memref<128xi32, #tpu.memory_space<vmem>>)
    %dma_start3A_377 = arith.constant 0 : i32
    %dma_start3A_378 = arith.constant 0 : i32
    %dma_start3A_379 = tpu.memref_slice %arg12[%dma_start3A_377, %dma_start3A_378] : memref<3x128xi32, #tpu.memory_space<vmem>> -> memref<1x128xi32, #tpu.memory_space<vmem>>
    %dma_start3A_380 = tpu.memref_squeeze %dma_start3A_379 : memref<1x128xi32, #tpu.memory_space<vmem>> -> memref<128xi32, #tpu.memory_space<vmem>>
    %dma_start3A_381 = arith.constant 0 : i32
    %dma_start3A_382 = arith.constant 0 : i32
    %dma_start3A_383 = tpu.memref_slice %arg2[%dma_start3A_381, %dma_start3A_382] : memref<100000x128xf32, #tpu.memory_space<hbm>> -> memref<100000x128xf32, #tpu.memory_space<hbm>>
    tpu.enqueue_indirect_dma source(%dma_start3A_383 : memref<100000x128xf32, #tpu.memory_space<hbm>>) target(%arg8 : memref<128x128xf32, #tpu.memory_space<vmem>>) offsets(%dma_start3A_380 : memref<128xi32, #tpu.memory_space<vmem>>) semaphore(%arg19 : memref<!tpu.dma_semaphore, #tpu.memory_space<semaphore_mem>>)
    %add3A_384 = arith.constant 512 : i32
    %add3A_385 = arith.addi %add3A_7, %add3A_384 : i32
    %dma_start3A_386 = arith.constant 0 : i32
    %dma_start3A_387 = arith.constant 0 : i32
    %dma_start3A_388 = arith.constant 0 : i32
    %dma_start3A_389 = tpu.memref_slice %arg9[%dma_start3A_387, %dma_start3A_388] : memref<3x128xi32, #tpu.memory_space<vmem>> -> memref<1x128xi32, #tpu.memory_space<vmem>>
    %dma_start3A_390 = tpu.memref_squeeze %dma_start3A_389 : memref<1x128xi32, #tpu.memory_space<vmem>> -> memref<128xi32, #tpu.memory_space<vmem>>
    %dma_start3A_391 = tpu.memref_slice %arg3[%dma_start3A_386, %add3A_385] : memref<3x200000xi32, #tpu.memory_space<hbm>> -> memref<1x128xi32, #tpu.memory_space<hbm>>
    %dma_start3A_392 = tpu.memref_squeeze %dma_start3A_391 : memref<1x128xi32, #tpu.memory_space<hbm>> -> memref<128xi32, #tpu.memory_space<hbm>>
    %dma_start3A_393 = arith.constant 0 : i32
    %dma_start3A_394 = tpu.memref_slice %arg9[%dma_start3A_387, %dma_start3A_393] : memref<3x128xi32, #tpu.memory_space<vmem>> -> memref<1x128xi32, #tpu.memory_space<vmem>>
    %dma_start3A_395 = tpu.memref_squeeze %dma_start3A_394 : memref<1x128xi32, #tpu.memory_space<vmem>> -> memref<128xi32, #tpu.memory_space<vmem>>
    %dma_start3A_396 = tpu.memref_slice %arg3[%dma_start3A_386, %add3A_385] : memref<3x200000xi32, #tpu.memory_space<hbm>> -> memref<1x128xi32, #tpu.memory_space<hbm>>
    %dma_start3A_397 = tpu.memref_squeeze %dma_start3A_396 : memref<1x128xi32, #tpu.memory_space<hbm>> -> memref<128xi32, #tpu.memory_space<hbm>>
    tpu.enqueue_dma source(%dma_start3A_397 : memref<128xi32, #tpu.memory_space<hbm>>) target(%dma_start3A_395 : memref<128xi32, #tpu.memory_space<vmem>>) target_semaphore(%arg21 : memref<!tpu.dma_semaphore, #tpu.memory_space<semaphore_mem>>)
    %dma_start3A_398 = arith.constant 1 : i32
    %dma_start3A_399 = arith.constant 1 : i32
    %dma_start3A_400 = arith.constant 0 : i32
    %dma_start3A_401 = tpu.memref_slice %arg9[%dma_start3A_399, %dma_start3A_400] : memref<3x128xi32, #tpu.memory_space<vmem>> -> memref<1x128xi32, #tpu.memory_space<vmem>>
    %dma_start3A_402 = tpu.memref_squeeze %dma_start3A_401 : memref<1x128xi32, #tpu.memory_space<vmem>> -> memref<128xi32, #tpu.memory_space<vmem>>
    %dma_start3A_403 = tpu.memref_slice %arg3[%dma_start3A_398, %add3A_385] : memref<3x200000xi32, #tpu.memory_space<hbm>> -> memref<1x128xi32, #tpu.memory_space<hbm>>
    %dma_start3A_404 = tpu.memref_squeeze %dma_start3A_403 : memref<1x128xi32, #tpu.memory_space<hbm>> -> memref<128xi32, #tpu.memory_space<hbm>>
    %dma_start3A_405 = arith.constant 0 : i32
    %dma_start3A_406 = tpu.memref_slice %arg9[%dma_start3A_399, %dma_start3A_405] : memref<3x128xi32, #tpu.memory_space<vmem>> -> memref<1x128xi32, #tpu.memory_space<vmem>>
    %dma_start3A_407 = tpu.memref_squeeze %dma_start3A_406 : memref<1x128xi32, #tpu.memory_space<vmem>> -> memref<128xi32, #tpu.memory_space<vmem>>
    %dma_start3A_408 = tpu.memref_slice %arg3[%dma_start3A_398, %add3A_385] : memref<3x200000xi32, #tpu.memory_space<hbm>> -> memref<1x128xi32, #tpu.memory_space<hbm>>
    %dma_start3A_409 = tpu.memref_squeeze %dma_start3A_408 : memref<1x128xi32, #tpu.memory_space<hbm>> -> memref<128xi32, #tpu.memory_space<hbm>>
    tpu.enqueue_dma source(%dma_start3A_409 : memref<128xi32, #tpu.memory_space<hbm>>) target(%dma_start3A_407 : memref<128xi32, #tpu.memory_space<vmem>>) target_semaphore(%arg21 : memref<!tpu.dma_semaphore, #tpu.memory_space<semaphore_mem>>)
    %dma_start3A_410 = arith.constant 2 : i32
    %dma_start3A_411 = arith.constant 2 : i32
    %dma_start3A_412 = arith.constant 0 : i32
    %dma_start3A_413 = tpu.memref_slice %arg9[%dma_start3A_411, %dma_start3A_412] : memref<3x128xi32, #tpu.memory_space<vmem>> -> memref<1x128xi32, #tpu.memory_space<vmem>>
    %dma_start3A_414 = tpu.memref_squeeze %dma_start3A_413 : memref<1x128xi32, #tpu.memory_space<vmem>> -> memref<128xi32, #tpu.memory_space<vmem>>
    %dma_start3A_415 = tpu.memref_slice %arg3[%dma_start3A_410, %add3A_385] : memref<3x200000xi32, #tpu.memory_space<hbm>> -> memref<1x128xi32, #tpu.memory_space<hbm>>
    %dma_start3A_416 = tpu.memref_squeeze %dma_start3A_415 : memref<1x128xi32, #tpu.memory_space<hbm>> -> memref<128xi32, #tpu.memory_space<hbm>>
    %dma_start3A_417 = arith.constant 0 : i32
    %dma_start3A_418 = tpu.memref_slice %arg9[%dma_start3A_411, %dma_start3A_417] : memref<3x128xi32, #tpu.memory_space<vmem>> -> memref<1x128xi32, #tpu.memory_space<vmem>>
    %dma_start3A_419 = tpu.memref_squeeze %dma_start3A_418 : memref<1x128xi32, #tpu.memory_space<vmem>> -> memref<128xi32, #tpu.memory_space<vmem>>
    %dma_start3A_420 = tpu.memref_slice %arg3[%dma_start3A_410, %add3A_385] : memref<3x200000xi32, #tpu.memory_space<hbm>> -> memref<1x128xi32, #tpu.memory_space<hbm>>
    %dma_start3A_421 = tpu.memref_squeeze %dma_start3A_420 : memref<1x128xi32, #tpu.memory_space<hbm>> -> memref<128xi32, #tpu.memory_space<hbm>>
    tpu.enqueue_dma source(%dma_start3A_421 : memref<128xi32, #tpu.memory_space<hbm>>) target(%dma_start3A_419 : memref<128xi32, #tpu.memory_space<vmem>>) target_semaphore(%arg21 : memref<!tpu.dma_semaphore, #tpu.memory_space<semaphore_mem>>)
    %dma_wait3A_422 = arith.constant 0 : i32
    %dma_wait3A_423 = arith.constant 0 : i32
    %dma_wait3A_424 = tpu.memref_slice %arg10[%dma_wait3A_422, %dma_wait3A_423] : memref<3x128xi32, #tpu.memory_space<vmem>> -> memref<1x128xi32, #tpu.memory_space<vmem>>
    %dma_wait3A_425 = tpu.memref_squeeze %dma_wait3A_424 : memref<1x128xi32, #tpu.memory_space<vmem>> -> memref<128xi32, #tpu.memory_space<vmem>>
    %dma_wait3A_426 = arith.constant 0 : i32
    %dma_wait3A_427 = arith.constant 0 : i32
    %dma_wait3A_428 = tpu.memref_slice %arg2[%dma_wait3A_426, %dma_wait3A_427] : memref<100000x128xf32, #tpu.memory_space<hbm>> -> memref<100000x128xf32, #tpu.memory_space<hbm>>
    tpu.wait_indirect_dma semaphore(%arg15 : memref<!tpu.dma_semaphore, #tpu.memory_space<semaphore_mem>>) src(%dma_wait3A_428 : memref<100000x128xf32, #tpu.memory_space<hbm>>) dst(%arg6 : memref<128x128xf32, #tpu.memory_space<vmem>>)
    %dma_start3A_429 = arith.constant 1 : i32
    %dma_start3A_430 = arith.constant 0 : i32
    %dma_start3A_431 = tpu.memref_slice %arg10[%dma_start3A_429, %dma_start3A_430] : memref<3x128xi32, #tpu.memory_space<vmem>> -> memref<1x128xi32, #tpu.memory_space<vmem>>
    %dma_start3A_432 = tpu.memref_squeeze %dma_start3A_431 : memref<1x128xi32, #tpu.memory_space<vmem>> -> memref<128xi32, #tpu.memory_space<vmem>>
    %dma_start3A_433 = arith.constant 0 : i32
    %dma_start3A_434 = arith.constant 0 : i32
    %dma_start3A_435 = tpu.memref_slice %arg2[%dma_start3A_433, %dma_start3A_434] : memref<100000x128xf32, #tpu.memory_space<hbm>> -> memref<100000x128xf32, #tpu.memory_space<hbm>>
    tpu.enqueue_indirect_dma source(%dma_start3A_435 : memref<100000x128xf32, #tpu.memory_space<hbm>>) target(%arg6 : memref<128x128xf32, #tpu.memory_space<vmem>>) offsets(%dma_start3A_432 : memref<128xi32, #tpu.memory_space<vmem>>) semaphore(%arg15 : memref<!tpu.dma_semaphore, #tpu.memory_space<semaphore_mem>>) {add = true}
    %dma_start3A_436 = arith.constant 2 : i32
    %dma_start3A_437 = arith.constant 0 : i32
    %dma_start3A_438 = tpu.memref_slice %arg10[%dma_start3A_436, %dma_start3A_437] : memref<3x128xi32, #tpu.memory_space<vmem>> -> memref<1x128xi32, #tpu.memory_space<vmem>>
    %dma_start3A_439 = tpu.memref_squeeze %dma_start3A_438 : memref<1x128xi32, #tpu.memory_space<vmem>> -> memref<128xi32, #tpu.memory_space<vmem>>
    %dma_start3A_440 = arith.constant 0 : i32
    %dma_start3A_441 = arith.constant 0 : i32
    %dma_start3A_442 = tpu.memref_slice %arg2[%dma_start3A_440, %dma_start3A_441] : memref<100000x128xf32, #tpu.memory_space<hbm>> -> memref<100000x128xf32, #tpu.memory_space<hbm>>
    tpu.enqueue_indirect_dma source(%dma_start3A_442 : memref<100000x128xf32, #tpu.memory_space<hbm>>) target(%arg6 : memref<128x128xf32, #tpu.memory_space<vmem>>) offsets(%dma_start3A_439 : memref<128xi32, #tpu.memory_space<vmem>>) semaphore(%arg15 : memref<!tpu.dma_semaphore, #tpu.memory_space<semaphore_mem>>) {add = true}
    %dma_wait3A_443 = arith.constant 1 : i32
    %dma_wait3A_444 = arith.constant 0 : i32
    %dma_wait3A_445 = tpu.memref_slice %arg10[%dma_wait3A_443, %dma_wait3A_444] : memref<3x128xi32, #tpu.memory_space<vmem>> -> memref<1x128xi32, #tpu.memory_space<vmem>>
    %dma_wait3A_446 = tpu.memref_squeeze %dma_wait3A_445 : memref<1x128xi32, #tpu.memory_space<vmem>> -> memref<128xi32, #tpu.memory_space<vmem>>
    %dma_wait3A_447 = arith.constant 0 : i32
    %dma_wait3A_448 = arith.constant 0 : i32
    %dma_wait3A_449 = tpu.memref_slice %arg2[%dma_wait3A_447, %dma_wait3A_448] : memref<100000x128xf32, #tpu.memory_space<hbm>> -> memref<100000x128xf32, #tpu.memory_space<hbm>>
    tpu.wait_indirect_dma semaphore(%arg15 : memref<!tpu.dma_semaphore, #tpu.memory_space<semaphore_mem>>) src(%dma_wait3A_449 : memref<100000x128xf32, #tpu.memory_space<hbm>>) dst(%arg6 : memref<128x128xf32, #tpu.memory_space<vmem>>)
    %dma_wait3A_450 = arith.constant 2 : i32
    %dma_wait3A_451 = arith.constant 0 : i32
    %dma_wait3A_452 = tpu.memref_slice %arg10[%dma_wait3A_450, %dma_wait3A_451] : memref<3x128xi32, #tpu.memory_space<vmem>> -> memref<1x128xi32, #tpu.memory_space<vmem>>
    %dma_wait3A_453 = tpu.memref_squeeze %dma_wait3A_452 : memref<1x128xi32, #tpu.memory_space<vmem>> -> memref<128xi32, #tpu.memory_space<vmem>>
    %dma_wait3A_454 = arith.constant 0 : i32
    %dma_wait3A_455 = arith.constant 0 : i32
    %dma_wait3A_456 = tpu.memref_slice %arg2[%dma_wait3A_454, %dma_wait3A_455] : memref<100000x128xf32, #tpu.memory_space<hbm>> -> memref<100000x128xf32, #tpu.memory_space<hbm>>
    tpu.wait_indirect_dma semaphore(%arg15 : memref<!tpu.dma_semaphore, #tpu.memory_space<semaphore_mem>>) src(%dma_wait3A_456 : memref<100000x128xf32, #tpu.memory_space<hbm>>) dst(%arg6 : memref<128x128xf32, #tpu.memory_space<vmem>>)
    %add3A_457 = arith.constant 128 : i32
    %add3A_458 = arith.addi %add3A_7, %add3A_457 : i32
    %dma_start3A_459 = arith.constant 0 : i32
    %dma_start3A_460 = tpu.memref_slice %arg4[%add3A_458, %dma_start3A_459] : memref<200000x128xf32, #tpu.memory_space<hbm>> -> memref<128x128xf32, #tpu.memory_space<hbm>>
    %dma_start3A_461 = arith.constant 0 : i32
    %dma_start3A_462 = tpu.memref_slice %arg4[%add3A_458, %dma_start3A_461] : memref<200000x128xf32, #tpu.memory_space<hbm>> -> memref<128x128xf32, #tpu.memory_space<hbm>>
    tpu.enqueue_dma source(%arg6 : memref<128x128xf32, #tpu.memory_space<vmem>>) target(%dma_start3A_462 : memref<128x128xf32, #tpu.memory_space<hbm>>) target_semaphore(%arg16 : memref<!tpu.dma_semaphore, #tpu.memory_space<semaphore_mem>>)
    %add3A_463 = arith.constant 0 : i32
    %add3A_464 = arith.addi %add3A_7, %add3A_463 : i32
    %dma_wait3A_465 = arith.constant 0 : i32
    %dma_wait3A_466 = tpu.memref_slice %arg4[%add3A_464, %dma_wait3A_465] : memref<200000x128xf32, #tpu.memory_space<hbm>> -> memref<128x128xf32, #tpu.memory_space<hbm>>
    %dma_wait3A_467 = arith.constant 0 : i32
    %dma_wait3A_468 = tpu.memref_slice %arg4[%add3A_464, %dma_wait3A_467] : memref<200000x128xf32, #tpu.memory_space<hbm>> -> memref<128x128xf32, #tpu.memory_space<hbm>>
    tpu.wait_dma2 semaphore(%arg14 : memref<!tpu.dma_semaphore, #tpu.memory_space<semaphore_mem>>) src(%arg5 : memref<128x128xf32, #tpu.memory_space<vmem>>) dst(%dma_wait3A_468 : memref<128x128xf32, #tpu.memory_space<hbm>>)
    %add3A_469 = arith.constant 512 : i32
    %add3A_470 = arith.addi %add3A_7, %add3A_469 : i32
    %dma_wait3A_471 = arith.constant 0 : i32
    %dma_wait3A_472 = arith.constant 0 : i32
    %dma_wait3A_473 = arith.constant 0 : i32
    %dma_wait3A_474 = tpu.memref_slice %arg9[%dma_wait3A_472, %dma_wait3A_473] : memref<3x128xi32, #tpu.memory_space<vmem>> -> memref<1x128xi32, #tpu.memory_space<vmem>>
    %dma_wait3A_475 = tpu.memref_squeeze %dma_wait3A_474 : memref<1x128xi32, #tpu.memory_space<vmem>> -> memref<128xi32, #tpu.memory_space<vmem>>
    %dma_wait3A_476 = tpu.memref_slice %arg3[%dma_wait3A_471, %add3A_470] : memref<3x200000xi32, #tpu.memory_space<hbm>> -> memref<1x128xi32, #tpu.memory_space<hbm>>
    %dma_wait3A_477 = tpu.memref_squeeze %dma_wait3A_476 : memref<1x128xi32, #tpu.memory_space<hbm>> -> memref<128xi32, #tpu.memory_space<hbm>>
    %dma_wait3A_478 = arith.constant 0 : i32
    %dma_wait3A_479 = tpu.memref_slice %arg9[%dma_wait3A_472, %dma_wait3A_478] : memref<3x128xi32, #tpu.memory_space<vmem>> -> memref<1x128xi32, #tpu.memory_space<vmem>>
    %dma_wait3A_480 = tpu.memref_squeeze %dma_wait3A_479 : memref<1x128xi32, #tpu.memory_space<vmem>> -> memref<128xi32, #tpu.memory_space<vmem>>
    %dma_wait3A_481 = tpu.memref_slice %arg3[%dma_wait3A_471, %add3A_470] : memref<3x200000xi32, #tpu.memory_space<hbm>> -> memref<1x128xi32, #tpu.memory_space<hbm>>
    %dma_wait3A_482 = tpu.memref_squeeze %dma_wait3A_481 : memref<1x128xi32, #tpu.memory_space<hbm>> -> memref<128xi32, #tpu.memory_space<hbm>>
    tpu.wait_dma2 semaphore(%arg21 : memref<!tpu.dma_semaphore, #tpu.memory_space<semaphore_mem>>) src(%dma_wait3A_482 : memref<128xi32, #tpu.memory_space<hbm>>) dst(%dma_wait3A_480 : memref<128xi32, #tpu.memory_space<vmem>>)
    %dma_wait3A_483 = arith.constant 1 : i32
    %dma_wait3A_484 = arith.constant 1 : i32
    %dma_wait3A_485 = arith.constant 0 : i32
    %dma_wait3A_486 = tpu.memref_slice %arg9[%dma_wait3A_484, %dma_wait3A_485] : memref<3x128xi32, #tpu.memory_space<vmem>> -> memref<1x128xi32, #tpu.memory_space<vmem>>
    %dma_wait3A_487 = tpu.memref_squeeze %dma_wait3A_486 : memref<1x128xi32, #tpu.memory_space<vmem>> -> memref<128xi32, #tpu.memory_space<vmem>>
    %dma_wait3A_488 = tpu.memref_slice %arg3[%dma_wait3A_483, %add3A_470] : memref<3x200000xi32, #tpu.memory_space<hbm>> -> memref<1x128xi32, #tpu.memory_space<hbm>>
    %dma_wait3A_489 = tpu.memref_squeeze %dma_wait3A_488 : memref<1x128xi32, #tpu.memory_space<hbm>> -> memref<128xi32, #tpu.memory_space<hbm>>
    %dma_wait3A_490 = arith.constant 0 : i32
    %dma_wait3A_491 = tpu.memref_slice %arg9[%dma_wait3A_484, %dma_wait3A_490] : memref<3x128xi32, #tpu.memory_space<vmem>> -> memref<1x128xi32, #tpu.memory_space<vmem>>
    %dma_wait3A_492 = tpu.memref_squeeze %dma_wait3A_491 : memref<1x128xi32, #tpu.memory_space<vmem>> -> memref<128xi32, #tpu.memory_space<vmem>>
    %dma_wait3A_493 = tpu.memref_slice %arg3[%dma_wait3A_483, %add3A_470] : memref<3x200000xi32, #tpu.memory_space<hbm>> -> memref<1x128xi32, #tpu.memory_space<hbm>>
    %dma_wait3A_494 = tpu.memref_squeeze %dma_wait3A_493 : memref<1x128xi32, #tpu.memory_space<hbm>> -> memref<128xi32, #tpu.memory_space<hbm>>
    tpu.wait_dma2 semaphore(%arg21 : memref<!tpu.dma_semaphore, #tpu.memory_space<semaphore_mem>>) src(%dma_wait3A_494 : memref<128xi32, #tpu.memory_space<hbm>>) dst(%dma_wait3A_492 : memref<128xi32, #tpu.memory_space<vmem>>)
    %dma_wait3A_495 = arith.constant 2 : i32
    %dma_wait3A_496 = arith.constant 2 : i32
    %dma_wait3A_497 = arith.constant 0 : i32
    %dma_wait3A_498 = tpu.memref_slice %arg9[%dma_wait3A_496, %dma_wait3A_497] : memref<3x128xi32, #tpu.memory_space<vmem>> -> memref<1x128xi32, #tpu.memory_space<vmem>>
    %dma_wait3A_499 = tpu.memref_squeeze %dma_wait3A_498 : memref<1x128xi32, #tpu.memory_space<vmem>> -> memref<128xi32, #tpu.memory_space<vmem>>
    %dma_wait3A_500 = tpu.memref_slice %arg3[%dma_wait3A_495, %add3A_470] : memref<3x200000xi32, #tpu.memory_space<hbm>> -> memref<1x128xi32, #tpu.memory_space<hbm>>
    %dma_wait3A_501 = tpu.memref_squeeze %dma_wait3A_500 : memref<1x128xi32, #tpu.memory_space<hbm>> -> memref<128xi32, #tpu.memory_space<hbm>>
    %dma_wait3A_502 = arith.constant 0 : i32
    %dma_wait3A_503 = tpu.memref_slice %arg9[%dma_wait3A_496, %dma_wait3A_502] : memref<3x128xi32, #tpu.memory_space<vmem>> -> memref<1x128xi32, #tpu.memory_space<vmem>>
    %dma_wait3A_504 = tpu.memref_squeeze %dma_wait3A_503 : memref<1x128xi32, #tpu.memory_space<vmem>> -> memref<128xi32, #tpu.memory_space<vmem>>
    %dma_wait3A_505 = tpu.memref_slice %arg3[%dma_wait3A_495, %add3A_470] : memref<3x200000xi32, #tpu.memory_space<hbm>> -> memref<1x128xi32, #tpu.memory_space<hbm>>
    %dma_wait3A_506 = tpu.memref_squeeze %dma_wait3A_505 : memref<1x128xi32, #tpu.memory_space<hbm>> -> memref<128xi32, #tpu.memory_space<hbm>>
    tpu.wait_dma2 semaphore(%arg21 : memref<!tpu.dma_semaphore, #tpu.memory_space<semaphore_mem>>) src(%dma_wait3A_506 : memref<128xi32, #tpu.memory_space<hbm>>) dst(%dma_wait3A_504 : memref<128xi32, #tpu.memory_space<vmem>>)
    %dma_start3A_507 = arith.constant 0 : i32
    %dma_start3A_508 = arith.constant 0 : i32
    %dma_start3A_509 = tpu.memref_slice %arg9[%dma_start3A_507, %dma_start3A_508] : memref<3x128xi32, #tpu.memory_space<vmem>> -> memref<1x128xi32, #tpu.memory_space<vmem>>
    %dma_start3A_510 = tpu.memref_squeeze %dma_start3A_509 : memref<1x128xi32, #tpu.memory_space<vmem>> -> memref<128xi32, #tpu.memory_space<vmem>>
    %dma_start3A_511 = arith.constant 0 : i32
    %dma_start3A_512 = arith.constant 0 : i32
    %dma_start3A_513 = tpu.memref_slice %arg2[%dma_start3A_511, %dma_start3A_512] : memref<100000x128xf32, #tpu.memory_space<hbm>> -> memref<100000x128xf32, #tpu.memory_space<hbm>>
    tpu.enqueue_indirect_dma source(%dma_start3A_513 : memref<100000x128xf32, #tpu.memory_space<hbm>>) target(%arg5 : memref<128x128xf32, #tpu.memory_space<vmem>>) offsets(%dma_start3A_510 : memref<128xi32, #tpu.memory_space<vmem>>) semaphore(%arg13 : memref<!tpu.dma_semaphore, #tpu.memory_space<semaphore_mem>>)
    %add3A_514 = arith.constant 640 : i32
    %add3A_515 = arith.addi %add3A_7, %add3A_514 : i32
    %dma_start3A_516 = arith.constant 0 : i32
    %dma_start3A_517 = arith.constant 0 : i32
    %dma_start3A_518 = arith.constant 0 : i32
    %dma_start3A_519 = tpu.memref_slice %arg10[%dma_start3A_517, %dma_start3A_518] : memref<3x128xi32, #tpu.memory_space<vmem>> -> memref<1x128xi32, #tpu.memory_space<vmem>>
    %dma_start3A_520 = tpu.memref_squeeze %dma_start3A_519 : memref<1x128xi32, #tpu.memory_space<vmem>> -> memref<128xi32, #tpu.memory_space<vmem>>
    %dma_start3A_521 = tpu.memref_slice %arg3[%dma_start3A_516, %add3A_515] : memref<3x200000xi32, #tpu.memory_space<hbm>> -> memref<1x128xi32, #tpu.memory_space<hbm>>
    %dma_start3A_522 = tpu.memref_squeeze %dma_start3A_521 : memref<1x128xi32, #tpu.memory_space<hbm>> -> memref<128xi32, #tpu.memory_space<hbm>>
    %dma_start3A_523 = arith.constant 0 : i32
    %dma_start3A_524 = tpu.memref_slice %arg10[%dma_start3A_517, %dma_start3A_523] : memref<3x128xi32, #tpu.memory_space<vmem>> -> memref<1x128xi32, #tpu.memory_space<vmem>>
    %dma_start3A_525 = tpu.memref_squeeze %dma_start3A_524 : memref<1x128xi32, #tpu.memory_space<vmem>> -> memref<128xi32, #tpu.memory_space<vmem>>
    %dma_start3A_526 = tpu.memref_slice %arg3[%dma_start3A_516, %add3A_515] : memref<3x200000xi32, #tpu.memory_space<hbm>> -> memref<1x128xi32, #tpu.memory_space<hbm>>
    %dma_start3A_527 = tpu.memref_squeeze %dma_start3A_526 : memref<1x128xi32, #tpu.memory_space<hbm>> -> memref<128xi32, #tpu.memory_space<hbm>>
    tpu.enqueue_dma source(%dma_start3A_527 : memref<128xi32, #tpu.memory_space<hbm>>) target(%dma_start3A_525 : memref<128xi32, #tpu.memory_space<vmem>>) target_semaphore(%arg22 : memref<!tpu.dma_semaphore, #tpu.memory_space<semaphore_mem>>)
    %dma_start3A_528 = arith.constant 1 : i32
    %dma_start3A_529 = arith.constant 1 : i32
    %dma_start3A_530 = arith.constant 0 : i32
    %dma_start3A_531 = tpu.memref_slice %arg10[%dma_start3A_529, %dma_start3A_530] : memref<3x128xi32, #tpu.memory_space<vmem>> -> memref<1x128xi32, #tpu.memory_space<vmem>>
    %dma_start3A_532 = tpu.memref_squeeze %dma_start3A_531 : memref<1x128xi32, #tpu.memory_space<vmem>> -> memref<128xi32, #tpu.memory_space<vmem>>
    %dma_start3A_533 = tpu.memref_slice %arg3[%dma_start3A_528, %add3A_515] : memref<3x200000xi32, #tpu.memory_space<hbm>> -> memref<1x128xi32, #tpu.memory_space<hbm>>
    %dma_start3A_534 = tpu.memref_squeeze %dma_start3A_533 : memref<1x128xi32, #tpu.memory_space<hbm>> -> memref<128xi32, #tpu.memory_space<hbm>>
    %dma_start3A_535 = arith.constant 0 : i32
    %dma_start3A_536 = tpu.memref_slice %arg10[%dma_start3A_529, %dma_start3A_535] : memref<3x128xi32, #tpu.memory_space<vmem>> -> memref<1x128xi32, #tpu.memory_space<vmem>>
    %dma_start3A_537 = tpu.memref_squeeze %dma_start3A_536 : memref<1x128xi32, #tpu.memory_space<vmem>> -> memref<128xi32, #tpu.memory_space<vmem>>
    %dma_start3A_538 = tpu.memref_slice %arg3[%dma_start3A_528, %add3A_515] : memref<3x200000xi32, #tpu.memory_space<hbm>> -> memref<1x128xi32, #tpu.memory_space<hbm>>
    %dma_start3A_539 = tpu.memref_squeeze %dma_start3A_538 : memref<1x128xi32, #tpu.memory_space<hbm>> -> memref<128xi32, #tpu.memory_space<hbm>>
    tpu.enqueue_dma source(%dma_start3A_539 : memref<128xi32, #tpu.memory_space<hbm>>) target(%dma_start3A_537 : memref<128xi32, #tpu.memory_space<vmem>>) target_semaphore(%arg22 : memref<!tpu.dma_semaphore, #tpu.memory_space<semaphore_mem>>)
    %dma_start3A_540 = arith.constant 2 : i32
    %dma_start3A_541 = arith.constant 2 : i32
    %dma_start3A_542 = arith.constant 0 : i32
    %dma_start3A_543 = tpu.memref_slice %arg10[%dma_start3A_541, %dma_start3A_542] : memref<3x128xi32, #tpu.memory_space<vmem>> -> memref<1x128xi32, #tpu.memory_space<vmem>>
    %dma_start3A_544 = tpu.memref_squeeze %dma_start3A_543 : memref<1x128xi32, #tpu.memory_space<vmem>> -> memref<128xi32, #tpu.memory_space<vmem>>
    %dma_start3A_545 = tpu.memref_slice %arg3[%dma_start3A_540, %add3A_515] : memref<3x200000xi32, #tpu.memory_space<hbm>> -> memref<1x128xi32, #tpu.memory_space<hbm>>
    %dma_start3A_546 = tpu.memref_squeeze %dma_start3A_545 : memref<1x128xi32, #tpu.memory_space<hbm>> -> memref<128xi32, #tpu.memory_space<hbm>>
    %dma_start3A_547 = arith.constant 0 : i32
    %dma_start3A_548 = tpu.memref_slice %arg10[%dma_start3A_541, %dma_start3A_547] : memref<3x128xi32, #tpu.memory_space<vmem>> -> memref<1x128xi32, #tpu.memory_space<vmem>>
    %dma_start3A_549 = tpu.memref_squeeze %dma_start3A_548 : memref<1x128xi32, #tpu.memory_space<vmem>> -> memref<128xi32, #tpu.memory_space<vmem>>
    %dma_start3A_550 = tpu.memref_slice %arg3[%dma_start3A_540, %add3A_515] : memref<3x200000xi32, #tpu.memory_space<hbm>> -> memref<1x128xi32, #tpu.memory_space<hbm>>
    %dma_start3A_551 = tpu.memref_squeeze %dma_start3A_550 : memref<1x128xi32, #tpu.memory_space<hbm>> -> memref<128xi32, #tpu.memory_space<hbm>>
    tpu.enqueue_dma source(%dma_start3A_551 : memref<128xi32, #tpu.memory_space<hbm>>) target(%dma_start3A_549 : memref<128xi32, #tpu.memory_space<vmem>>) target_semaphore(%arg22 : memref<!tpu.dma_semaphore, #tpu.memory_space<semaphore_mem>>)
    %dma_wait3A_552 = arith.constant 0 : i32
    %dma_wait3A_553 = arith.constant 0 : i32
    %dma_wait3A_554 = tpu.memref_slice %arg11[%dma_wait3A_552, %dma_wait3A_553] : memref<3x128xi32, #tpu.memory_space<vmem>> -> memref<1x128xi32, #tpu.memory_space<vmem>>
    %dma_wait3A_555 = tpu.memref_squeeze %dma_wait3A_554 : memref<1x128xi32, #tpu.memory_space<vmem>> -> memref<128xi32, #tpu.memory_space<vmem>>
    %dma_wait3A_556 = arith.constant 0 : i32
    %dma_wait3A_557 = arith.constant 0 : i32
    %dma_wait3A_558 = tpu.memref_slice %arg2[%dma_wait3A_556, %dma_wait3A_557] : memref<100000x128xf32, #tpu.memory_space<hbm>> -> memref<100000x128xf32, #tpu.memory_space<hbm>>
    tpu.wait_indirect_dma semaphore(%arg17 : memref<!tpu.dma_semaphore, #tpu.memory_space<semaphore_mem>>) src(%dma_wait3A_558 : memref<100000x128xf32, #tpu.memory_space<hbm>>) dst(%arg7 : memref<128x128xf32, #tpu.memory_space<vmem>>)
    %dma_start3A_559 = arith.constant 1 : i32
    %dma_start3A_560 = arith.constant 0 : i32
    %dma_start3A_561 = tpu.memref_slice %arg11[%dma_start3A_559, %dma_start3A_560] : memref<3x128xi32, #tpu.memory_space<vmem>> -> memref<1x128xi32, #tpu.memory_space<vmem>>
    %dma_start3A_562 = tpu.memref_squeeze %dma_start3A_561 : memref<1x128xi32, #tpu.memory_space<vmem>> -> memref<128xi32, #tpu.memory_space<vmem>>
    %dma_start3A_563 = arith.constant 0 : i32
    %dma_start3A_564 = arith.constant 0 : i32
    %dma_start3A_565 = tpu.memref_slice %arg2[%dma_start3A_563, %dma_start3A_564] : memref<100000x128xf32, #tpu.memory_space<hbm>> -> memref<100000x128xf32, #tpu.memory_space<hbm>>
    tpu.enqueue_indirect_dma source(%dma_start3A_565 : memref<100000x128xf32, #tpu.memory_space<hbm>>) target(%arg7 : memref<128x128xf32, #tpu.memory_space<vmem>>) offsets(%dma_start3A_562 : memref<128xi32, #tpu.memory_space<vmem>>) semaphore(%arg17 : memref<!tpu.dma_semaphore, #tpu.memory_space<semaphore_mem>>) {add = true}
    %dma_start3A_566 = arith.constant 2 : i32
    %dma_start3A_567 = arith.constant 0 : i32
    %dma_start3A_568 = tpu.memref_slice %arg11[%dma_start3A_566, %dma_start3A_567] : memref<3x128xi32, #tpu.memory_space<vmem>> -> memref<1x128xi32, #tpu.memory_space<vmem>>
    %dma_start3A_569 = tpu.memref_squeeze %dma_start3A_568 : memref<1x128xi32, #tpu.memory_space<vmem>> -> memref<128xi32, #tpu.memory_space<vmem>>
    %dma_start3A_570 = arith.constant 0 : i32
    %dma_start3A_571 = arith.constant 0 : i32
    %dma_start3A_572 = tpu.memref_slice %arg2[%dma_start3A_570, %dma_start3A_571] : memref<100000x128xf32, #tpu.memory_space<hbm>> -> memref<100000x128xf32, #tpu.memory_space<hbm>>
    tpu.enqueue_indirect_dma source(%dma_start3A_572 : memref<100000x128xf32, #tpu.memory_space<hbm>>) target(%arg7 : memref<128x128xf32, #tpu.memory_space<vmem>>) offsets(%dma_start3A_569 : memref<128xi32, #tpu.memory_space<vmem>>) semaphore(%arg17 : memref<!tpu.dma_semaphore, #tpu.memory_space<semaphore_mem>>) {add = true}
    %scan3A = arith.constant 0 : i32
    %scan3A_573 = arith.constant 0 : i32
    %scan3A_574 = arith.constant 10 : i32
    %scan3A_575 = arith.addi %scan3A_573, %scan3A_574 : i32
    %scan3A_576 = arith.constant 1 : i32
    scf.for %scan3A_1197 = %scan3A_573 to %scan3A_575 step %scan3A_576  : i32 {
      %mul3A_1198 = arith.constant 4 : i32
      %mul3A_1199 = arith.muli %mul3A_1198, %scan3A_1197 : i32
      %add3A_1200 = arith.constant 3 : i32
      %add3A_1201 = arith.addi %add3A_1200, %mul3A_1199 : i32
      %add3A_1202 = arith.constant 0 : i32
      %add3A_1203 = arith.addi %add3A_1201, %add3A_1202 : i32
      %dma_wait3A_1204 = arith.constant 1 : i32
      %dma_wait3A_1205 = arith.constant 0 : i32
      %dma_wait3A_1206 = tpu.memref_slice %arg11[%dma_wait3A_1204, %dma_wait3A_1205] : memref<3x128xi32, #tpu.memory_space<vmem>> -> memref<1x128xi32, #tpu.memory_space<vmem>>
      %dma_wait3A_1207 = tpu.memref_squeeze %dma_wait3A_1206 : memref<1x128xi32, #tpu.memory_space<vmem>> -> memref<128xi32, #tpu.memory_space<vmem>>
      %dma_wait3A_1208 = arith.constant 0 : i32
      %dma_wait3A_1209 = arith.constant 0 : i32
      %dma_wait3A_1210 = tpu.memref_slice %arg2[%dma_wait3A_1208, %dma_wait3A_1209] : memref<100000x128xf32, #tpu.memory_space<hbm>> -> memref<100000x128xf32, #tpu.memory_space<hbm>>
      tpu.wait_indirect_dma semaphore(%arg17 : memref<!tpu.dma_semaphore, #tpu.memory_space<semaphore_mem>>) src(%dma_wait3A_1210 : memref<100000x128xf32, #tpu.memory_space<hbm>>) dst(%arg7 : memref<128x128xf32, #tpu.memory_space<vmem>>)
      %dma_wait3A_1211 = arith.constant 2 : i32
      %dma_wait3A_1212 = arith.constant 0 : i32
      %dma_wait3A_1213 = tpu.memref_slice %arg11[%dma_wait3A_1211, %dma_wait3A_1212] : memref<3x128xi32, #tpu.memory_space<vmem>> -> memref<1x128xi32, #tpu.memory_space<vmem>>
      %dma_wait3A_1214 = tpu.memref_squeeze %dma_wait3A_1213 : memref<1x128xi32, #tpu.memory_space<vmem>> -> memref<128xi32, #tpu.memory_space<vmem>>
      %dma_wait3A_1215 = arith.constant 0 : i32
      %dma_wait3A_1216 = arith.constant 0 : i32
      %dma_wait3A_1217 = tpu.memref_slice %arg2[%dma_wait3A_1215, %dma_wait3A_1216] : memref<100000x128xf32, #tpu.memory_space<hbm>> -> memref<100000x128xf32, #tpu.memory_space<hbm>>
      tpu.wait_indirect_dma semaphore(%arg17 : memref<!tpu.dma_semaphore, #tpu.memory_space<semaphore_mem>>) src(%dma_wait3A_1217 : memref<100000x128xf32, #tpu.memory_space<hbm>>) dst(%arg7 : memref<128x128xf32, #tpu.memory_space<vmem>>)
      %sub3A_1218 = arith.constant 1 : i32
      %sub3A_1219 = arith.subi %add3A_1203, %sub3A_1218 : i32
      %mul3A_1220 = arith.constant 128 : i32
      %mul3A_1221 = arith.muli %sub3A_1219, %mul3A_1220 : i32
      %add3A_1222 = arith.addi %add3A_7, %mul3A_1221 : i32
      %dma_start3A_1223 = arith.constant 0 : i32
      %dma_start3A_1224 = tpu.memref_slice %arg4[%add3A_1222, %dma_start3A_1223] : memref<200000x128xf32, #tpu.memory_space<hbm>> -> memref<128x128xf32, #tpu.memory_space<hbm>>
      %dma_start3A_1225 = arith.constant 0 : i32
      %dma_start3A_1226 = tpu.memref_slice %arg4[%add3A_1222, %dma_start3A_1225] : memref<200000x128xf32, #tpu.memory_space<hbm>> -> memref<128x128xf32, #tpu.memory_space<hbm>>
      tpu.enqueue_dma source(%arg7 : memref<128x128xf32, #tpu.memory_space<vmem>>) target(%dma_start3A_1226 : memref<128x128xf32, #tpu.memory_space<hbm>>) target_semaphore(%arg18 : memref<!tpu.dma_semaphore, #tpu.memory_space<semaphore_mem>>)
      %sub3A_1227 = arith.constant 2 : i32
      %sub3A_1228 = arith.subi %add3A_1203, %sub3A_1227 : i32
      %mul3A_1229 = arith.constant 128 : i32
      %mul3A_1230 = arith.muli %sub3A_1228, %mul3A_1229 : i32
      %add3A_1231 = arith.addi %add3A_7, %mul3A_1230 : i32
      %dma_wait3A_1232 = arith.constant 0 : i32
      %dma_wait3A_1233 = tpu.memref_slice %arg4[%add3A_1231, %dma_wait3A_1232] : memref<200000x128xf32, #tpu.memory_space<hbm>> -> memref<128x128xf32, #tpu.memory_space<hbm>>
      %dma_wait3A_1234 = arith.constant 0 : i32
      %dma_wait3A_1235 = tpu.memref_slice %arg4[%add3A_1231, %dma_wait3A_1234] : memref<200000x128xf32, #tpu.memory_space<hbm>> -> memref<128x128xf32, #tpu.memory_space<hbm>>
      tpu.wait_dma2 semaphore(%arg16 : memref<!tpu.dma_semaphore, #tpu.memory_space<semaphore_mem>>) src(%arg6 : memref<128x128xf32, #tpu.memory_space<vmem>>) dst(%dma_wait3A_1235 : memref<128x128xf32, #tpu.memory_space<hbm>>)
      %add3A_1236 = arith.constant 2 : i32
      %add3A_1237 = arith.addi %add3A_1203, %add3A_1236 : i32
      %mul3A_1238 = arith.constant 128 : i32
      %mul3A_1239 = arith.muli %add3A_1237, %mul3A_1238 : i32
      %add3A_1240 = arith.addi %add3A_7, %mul3A_1239 : i32
      %dma_wait3A_1241 = arith.constant 0 : i32
      %dma_wait3A_1242 = arith.constant 0 : i32
      %dma_wait3A_1243 = arith.constant 0 : i32
      %dma_wait3A_1244 = tpu.memref_slice %arg10[%dma_wait3A_1242, %dma_wait3A_1243] : memref<3x128xi32, #tpu.memory_space<vmem>> -> memref<1x128xi32, #tpu.memory_space<vmem>>
      %dma_wait3A_1245 = tpu.memref_squeeze %dma_wait3A_1244 : memref<1x128xi32, #tpu.memory_space<vmem>> -> memref<128xi32, #tpu.memory_space<vmem>>
      %dma_wait3A_1246 = tpu.memref_slice %arg3[%dma_wait3A_1241, %add3A_1240] : memref<3x200000xi32, #tpu.memory_space<hbm>> -> memref<1x128xi32, #tpu.memory_space<hbm>>
      %dma_wait3A_1247 = tpu.memref_squeeze %dma_wait3A_1246 : memref<1x128xi32, #tpu.memory_space<hbm>> -> memref<128xi32, #tpu.memory_space<hbm>>
      %dma_wait3A_1248 = arith.constant 0 : i32
      %dma_wait3A_1249 = tpu.memref_slice %arg10[%dma_wait3A_1242, %dma_wait3A_1248] : memref<3x128xi32, #tpu.memory_space<vmem>> -> memref<1x128xi32, #tpu.memory_space<vmem>>
      %dma_wait3A_1250 = tpu.memref_squeeze %dma_wait3A_1249 : memref<1x128xi32, #tpu.memory_space<vmem>> -> memref<128xi32, #tpu.memory_space<vmem>>
      %dma_wait3A_1251 = tpu.memref_slice %arg3[%dma_wait3A_1241, %add3A_1240] : memref<3x200000xi32, #tpu.memory_space<hbm>> -> memref<1x128xi32, #tpu.memory_space<hbm>>
      %dma_wait3A_1252 = tpu.memref_squeeze %dma_wait3A_1251 : memref<1x128xi32, #tpu.memory_space<hbm>> -> memref<128xi32, #tpu.memory_space<hbm>>
      tpu.wait_dma2 semaphore(%arg22 : memref<!tpu.dma_semaphore, #tpu.memory_space<semaphore_mem>>) src(%dma_wait3A_1252 : memref<128xi32, #tpu.memory_space<hbm>>) dst(%dma_wait3A_1250 : memref<128xi32, #tpu.memory_space<vmem>>)
      %dma_wait3A_1253 = arith.constant 1 : i32
      %dma_wait3A_1254 = arith.constant 1 : i32
      %dma_wait3A_1255 = arith.constant 0 : i32
      %dma_wait3A_1256 = tpu.memref_slice %arg10[%dma_wait3A_1254, %dma_wait3A_1255] : memref<3x128xi32, #tpu.memory_space<vmem>> -> memref<1x128xi32, #tpu.memory_space<vmem>>
      %dma_wait3A_1257 = tpu.memref_squeeze %dma_wait3A_1256 : memref<1x128xi32, #tpu.memory_space<vmem>> -> memref<128xi32, #tpu.memory_space<vmem>>
      %dma_wait3A_1258 = tpu.memref_slice %arg3[%dma_wait3A_1253, %add3A_1240] : memref<3x200000xi32, #tpu.memory_space<hbm>> -> memref<1x128xi32, #tpu.memory_space<hbm>>
      %dma_wait3A_1259 = tpu.memref_squeeze %dma_wait3A_1258 : memref<1x128xi32, #tpu.memory_space<hbm>> -> memref<128xi32, #tpu.memory_space<hbm>>
      %dma_wait3A_1260 = arith.constant 0 : i32
      %dma_wait3A_1261 = tpu.memref_slice %arg10[%dma_wait3A_1254, %dma_wait3A_1260] : memref<3x128xi32, #tpu.memory_space<vmem>> -> memref<1x128xi32, #tpu.memory_space<vmem>>
      %dma_wait3A_1262 = tpu.memref_squeeze %dma_wait3A_1261 : memref<1x128xi32, #tpu.memory_space<vmem>> -> memref<128xi32, #tpu.memory_space<vmem>>
      %dma_wait3A_1263 = tpu.memref_slice %arg3[%dma_wait3A_1253, %add3A_1240] : memref<3x200000xi32, #tpu.memory_space<hbm>> -> memref<1x128xi32, #tpu.memory_space<hbm>>
      %dma_wait3A_1264 = tpu.memref_squeeze %dma_wait3A_1263 : memref<1x128xi32, #tpu.memory_space<hbm>> -> memref<128xi32, #tpu.memory_space<hbm>>
      tpu.wait_dma2 semaphore(%arg22 : memref<!tpu.dma_semaphore, #tpu.memory_space<semaphore_mem>>) src(%dma_wait3A_1264 : memref<128xi32, #tpu.memory_space<hbm>>) dst(%dma_wait3A_1262 : memref<128xi32, #tpu.memory_space<vmem>>)
      %dma_wait3A_1265 = arith.constant 2 : i32
      %dma_wait3A_1266 = arith.constant 2 : i32
      %dma_wait3A_1267 = arith.constant 0 : i32
      %dma_wait3A_1268 = tpu.memref_slice %arg10[%dma_wait3A_1266, %dma_wait3A_1267] : memref<3x128xi32, #tpu.memory_space<vmem>> -> memref<1x128xi32, #tpu.memory_space<vmem>>
      %dma_wait3A_1269 = tpu.memref_squeeze %dma_wait3A_1268 : memref<1x128xi32, #tpu.memory_space<vmem>> -> memref<128xi32, #tpu.memory_space<vmem>>
      %dma_wait3A_1270 = tpu.memref_slice %arg3[%dma_wait3A_1265, %add3A_1240] : memref<3x200000xi32, #tpu.memory_space<hbm>> -> memref<1x128xi32, #tpu.memory_space<hbm>>
      %dma_wait3A_1271 = tpu.memref_squeeze %dma_wait3A_1270 : memref<1x128xi32, #tpu.memory_space<hbm>> -> memref<128xi32, #tpu.memory_space<hbm>>
      %dma_wait3A_1272 = arith.constant 0 : i32
      %dma_wait3A_1273 = tpu.memref_slice %arg10[%dma_wait3A_1266, %dma_wait3A_1272] : memref<3x128xi32, #tpu.memory_space<vmem>> -> memref<1x128xi32, #tpu.memory_space<vmem>>
      %dma_wait3A_1274 = tpu.memref_squeeze %dma_wait3A_1273 : memref<1x128xi32, #tpu.memory_space<vmem>> -> memref<128xi32, #tpu.memory_space<vmem>>
      %dma_wait3A_1275 = tpu.memref_slice %arg3[%dma_wait3A_1265, %add3A_1240] : memref<3x200000xi32, #tpu.memory_space<hbm>> -> memref<1x128xi32, #tpu.memory_space<hbm>>
      %dma_wait3A_1276 = tpu.memref_squeeze %dma_wait3A_1275 : memref<1x128xi32, #tpu.memory_space<hbm>> -> memref<128xi32, #tpu.memory_space<hbm>>
      tpu.wait_dma2 semaphore(%arg22 : memref<!tpu.dma_semaphore, #tpu.memory_space<semaphore_mem>>) src(%dma_wait3A_1276 : memref<128xi32, #tpu.memory_space<hbm>>) dst(%dma_wait3A_1274 : memref<128xi32, #tpu.memory_space<vmem>>)
      %dma_start3A_1277 = arith.constant 0 : i32
      %dma_start3A_1278 = arith.constant 0 : i32
      %dma_start3A_1279 = tpu.memref_slice %arg10[%dma_start3A_1277, %dma_start3A_1278] : memref<3x128xi32, #tpu.memory_space<vmem>> -> memref<1x128xi32, #tpu.memory_space<vmem>>
      %dma_start3A_1280 = tpu.memref_squeeze %dma_start3A_1279 : memref<1x128xi32, #tpu.memory_space<vmem>> -> memref<128xi32, #tpu.memory_space<vmem>>
      %dma_start3A_1281 = arith.constant 0 : i32
      %dma_start3A_1282 = arith.constant 0 : i32
      %dma_start3A_1283 = tpu.memref_slice %arg2[%dma_start3A_1281, %dma_start3A_1282] : memref<100000x128xf32, #tpu.memory_space<hbm>> -> memref<100000x128xf32, #tpu.memory_space<hbm>>
      tpu.enqueue_indirect_dma source(%dma_start3A_1283 : memref<100000x128xf32, #tpu.memory_space<hbm>>) target(%arg6 : memref<128x128xf32, #tpu.memory_space<vmem>>) offsets(%dma_start3A_1280 : memref<128xi32, #tpu.memory_space<vmem>>) semaphore(%arg15 : memref<!tpu.dma_semaphore, #tpu.memory_space<semaphore_mem>>)
      %add3A_1284 = arith.constant 3 : i32
      %add3A_1285 = arith.addi %add3A_1203, %add3A_1284 : i32
      %mul3A_1286 = arith.constant 128 : i32
      %mul3A_1287 = arith.muli %add3A_1285, %mul3A_1286 : i32
      %add3A_1288 = arith.addi %add3A_7, %mul3A_1287 : i32
      %dma_start3A_1289 = arith.constant 0 : i32
      %dma_start3A_1290 = arith.constant 0 : i32
      %dma_start3A_1291 = arith.constant 0 : i32
      %dma_start3A_1292 = tpu.memref_slice %arg11[%dma_start3A_1290, %dma_start3A_1291] : memref<3x128xi32, #tpu.memory_space<vmem>> -> memref<1x128xi32, #tpu.memory_space<vmem>>
      %dma_start3A_1293 = tpu.memref_squeeze %dma_start3A_1292 : memref<1x128xi32, #tpu.memory_space<vmem>> -> memref<128xi32, #tpu.memory_space<vmem>>
      %dma_start3A_1294 = tpu.memref_slice %arg3[%dma_start3A_1289, %add3A_1288] : memref<3x200000xi32, #tpu.memory_space<hbm>> -> memref<1x128xi32, #tpu.memory_space<hbm>>
      %dma_start3A_1295 = tpu.memref_squeeze %dma_start3A_1294 : memref<1x128xi32, #tpu.memory_space<hbm>> -> memref<128xi32, #tpu.memory_space<hbm>>
      %dma_start3A_1296 = arith.constant 0 : i32
      %dma_start3A_1297 = tpu.memref_slice %arg11[%dma_start3A_1290, %dma_start3A_1296] : memref<3x128xi32, #tpu.memory_space<vmem>> -> memref<1x128xi32, #tpu.memory_space<vmem>>
      %dma_start3A_1298 = tpu.memref_squeeze %dma_start3A_1297 : memref<1x128xi32, #tpu.memory_space<vmem>> -> memref<128xi32, #tpu.memory_space<vmem>>
      %dma_start3A_1299 = tpu.memref_slice %arg3[%dma_start3A_1289, %add3A_1288] : memref<3x200000xi32, #tpu.memory_space<hbm>> -> memref<1x128xi32, #tpu.memory_space<hbm>>
      %dma_start3A_1300 = tpu.memref_squeeze %dma_start3A_1299 : memref<1x128xi32, #tpu.memory_space<hbm>> -> memref<128xi32, #tpu.memory_space<hbm>>
      tpu.enqueue_dma source(%dma_start3A_1300 : memref<128xi32, #tpu.memory_space<hbm>>) target(%dma_start3A_1298 : memref<128xi32, #tpu.memory_space<vmem>>) target_semaphore(%arg23 : memref<!tpu.dma_semaphore, #tpu.memory_space<semaphore_mem>>)
      %dma_start3A_1301 = arith.constant 1 : i32
      %dma_start3A_1302 = arith.constant 1 : i32
      %dma_start3A_1303 = arith.constant 0 : i32
      %dma_start3A_1304 = tpu.memref_slice %arg11[%dma_start3A_1302, %dma_start3A_1303] : memref<3x128xi32, #tpu.memory_space<vmem>> -> memref<1x128xi32, #tpu.memory_space<vmem>>
      %dma_start3A_1305 = tpu.memref_squeeze %dma_start3A_1304 : memref<1x128xi32, #tpu.memory_space<vmem>> -> memref<128xi32, #tpu.memory_space<vmem>>
      %dma_start3A_1306 = tpu.memref_slice %arg3[%dma_start3A_1301, %add3A_1288] : memref<3x200000xi32, #tpu.memory_space<hbm>> -> memref<1x128xi32, #tpu.memory_space<hbm>>
      %dma_start3A_1307 = tpu.memref_squeeze %dma_start3A_1306 : memref<1x128xi32, #tpu.memory_space<hbm>> -> memref<128xi32, #tpu.memory_space<hbm>>
      %dma_start3A_1308 = arith.constant 0 : i32
      %dma_start3A_1309 = tpu.memref_slice %arg11[%dma_start3A_1302, %dma_start3A_1308] : memref<3x128xi32, #tpu.memory_space<vmem>> -> memref<1x128xi32, #tpu.memory_space<vmem>>
      %dma_start3A_1310 = tpu.memref_squeeze %dma_start3A_1309 : memref<1x128xi32, #tpu.memory_space<vmem>> -> memref<128xi32, #tpu.memory_space<vmem>>
      %dma_start3A_1311 = tpu.memref_slice %arg3[%dma_start3A_1301, %add3A_1288] : memref<3x200000xi32, #tpu.memory_space<hbm>> -> memref<1x128xi32, #tpu.memory_space<hbm>>
      %dma_start3A_1312 = tpu.memref_squeeze %dma_start3A_1311 : memref<1x128xi32, #tpu.memory_space<hbm>> -> memref<128xi32, #tpu.memory_space<hbm>>
      tpu.enqueue_dma source(%dma_start3A_1312 : memref<128xi32, #tpu.memory_space<hbm>>) target(%dma_start3A_1310 : memref<128xi32, #tpu.memory_space<vmem>>) target_semaphore(%arg23 : memref<!tpu.dma_semaphore, #tpu.memory_space<semaphore_mem>>)
      %dma_start3A_1313 = arith.constant 2 : i32
      %dma_start3A_1314 = arith.constant 2 : i32
      %dma_start3A_1315 = arith.constant 0 : i32
      %dma_start3A_1316 = tpu.memref_slice %arg11[%dma_start3A_1314, %dma_start3A_1315] : memref<3x128xi32, #tpu.memory_space<vmem>> -> memref<1x128xi32, #tpu.memory_space<vmem>>
      %dma_start3A_1317 = tpu.memref_squeeze %dma_start3A_1316 : memref<1x128xi32, #tpu.memory_space<vmem>> -> memref<128xi32, #tpu.memory_space<vmem>>
      %dma_start3A_1318 = tpu.memref_slice %arg3[%dma_start3A_1313, %add3A_1288] : memref<3x200000xi32, #tpu.memory_space<hbm>> -> memref<1x128xi32, #tpu.memory_space<hbm>>
      %dma_start3A_1319 = tpu.memref_squeeze %dma_start3A_1318 : memref<1x128xi32, #tpu.memory_space<hbm>> -> memref<128xi32, #tpu.memory_space<hbm>>
      %dma_start3A_1320 = arith.constant 0 : i32
      %dma_start3A_1321 = tpu.memref_slice %arg11[%dma_start3A_1314, %dma_start3A_1320] : memref<3x128xi32, #tpu.memory_space<vmem>> -> memref<1x128xi32, #tpu.memory_space<vmem>>
      %dma_start3A_1322 = tpu.memref_squeeze %dma_start3A_1321 : memref<1x128xi32, #tpu.memory_space<vmem>> -> memref<128xi32, #tpu.memory_space<vmem>>
      %dma_start3A_1323 = tpu.memref_slice %arg3[%dma_start3A_1313, %add3A_1288] : memref<3x200000xi32, #tpu.memory_space<hbm>> -> memref<1x128xi32, #tpu.memory_space<hbm>>
      %dma_start3A_1324 = tpu.memref_squeeze %dma_start3A_1323 : memref<1x128xi32, #tpu.memory_space<hbm>> -> memref<128xi32, #tpu.memory_space<hbm>>
      tpu.enqueue_dma source(%dma_start3A_1324 : memref<128xi32, #tpu.memory_space<hbm>>) target(%dma_start3A_1322 : memref<128xi32, #tpu.memory_space<vmem>>) target_semaphore(%arg23 : memref<!tpu.dma_semaphore, #tpu.memory_space<semaphore_mem>>)
      %dma_wait3A_1325 = arith.constant 0 : i32
      %dma_wait3A_1326 = arith.constant 0 : i32
      %dma_wait3A_1327 = tpu.memref_slice %arg12[%dma_wait3A_1325, %dma_wait3A_1326] : memref<3x128xi32, #tpu.memory_space<vmem>> -> memref<1x128xi32, #tpu.memory_space<vmem>>
      %dma_wait3A_1328 = tpu.memref_squeeze %dma_wait3A_1327 : memref<1x128xi32, #tpu.memory_space<vmem>> -> memref<128xi32, #tpu.memory_space<vmem>>
      %dma_wait3A_1329 = arith.constant 0 : i32
      %dma_wait3A_1330 = arith.constant 0 : i32
      %dma_wait3A_1331 = tpu.memref_slice %arg2[%dma_wait3A_1329, %dma_wait3A_1330] : memref<100000x128xf32, #tpu.memory_space<hbm>> -> memref<100000x128xf32, #tpu.memory_space<hbm>>
      tpu.wait_indirect_dma semaphore(%arg19 : memref<!tpu.dma_semaphore, #tpu.memory_space<semaphore_mem>>) src(%dma_wait3A_1331 : memref<100000x128xf32, #tpu.memory_space<hbm>>) dst(%arg8 : memref<128x128xf32, #tpu.memory_space<vmem>>)
      %dma_start3A_1332 = arith.constant 1 : i32
      %dma_start3A_1333 = arith.constant 0 : i32
      %dma_start3A_1334 = tpu.memref_slice %arg12[%dma_start3A_1332, %dma_start3A_1333] : memref<3x128xi32, #tpu.memory_space<vmem>> -> memref<1x128xi32, #tpu.memory_space<vmem>>
      %dma_start3A_1335 = tpu.memref_squeeze %dma_start3A_1334 : memref<1x128xi32, #tpu.memory_space<vmem>> -> memref<128xi32, #tpu.memory_space<vmem>>
      %dma_start3A_1336 = arith.constant 0 : i32
      %dma_start3A_1337 = arith.constant 0 : i32
      %dma_start3A_1338 = tpu.memref_slice %arg2[%dma_start3A_1336, %dma_start3A_1337] : memref<100000x128xf32, #tpu.memory_space<hbm>> -> memref<100000x128xf32, #tpu.memory_space<hbm>>
      tpu.enqueue_indirect_dma source(%dma_start3A_1338 : memref<100000x128xf32, #tpu.memory_space<hbm>>) target(%arg8 : memref<128x128xf32, #tpu.memory_space<vmem>>) offsets(%dma_start3A_1335 : memref<128xi32, #tpu.memory_space<vmem>>) semaphore(%arg19 : memref<!tpu.dma_semaphore, #tpu.memory_space<semaphore_mem>>) {add = true}
      %dma_start3A_1339 = arith.constant 2 : i32
      %dma_start3A_1340 = arith.constant 0 : i32
      %dma_start3A_1341 = tpu.memref_slice %arg12[%dma_start3A_1339, %dma_start3A_1340] : memref<3x128xi32, #tpu.memory_space<vmem>> -> memref<1x128xi32, #tpu.memory_space<vmem>>
      %dma_start3A_1342 = tpu.memref_squeeze %dma_start3A_1341 : memref<1x128xi32, #tpu.memory_space<vmem>> -> memref<128xi32, #tpu.memory_space<vmem>>
      %dma_start3A_1343 = arith.constant 0 : i32
      %dma_start3A_1344 = arith.constant 0 : i32
      %dma_start3A_1345 = tpu.memref_slice %arg2[%dma_start3A_1343, %dma_start3A_1344] : memref<100000x128xf32, #tpu.memory_space<hbm>> -> memref<100000x128xf32, #tpu.memory_space<hbm>>
      tpu.enqueue_indirect_dma source(%dma_start3A_1345 : memref<100000x128xf32, #tpu.memory_space<hbm>>) target(%arg8 : memref<128x128xf32, #tpu.memory_space<vmem>>) offsets(%dma_start3A_1342 : memref<128xi32, #tpu.memory_space<vmem>>) semaphore(%arg19 : memref<!tpu.dma_semaphore, #tpu.memory_space<semaphore_mem>>) {add = true}
      %mul3A_1346 = arith.constant 4 : i32
      %mul3A_1347 = arith.muli %mul3A_1346, %scan3A_1197 : i32
      %add3A_1348 = arith.constant 3 : i32
      %add3A_1349 = arith.addi %add3A_1348, %mul3A_1347 : i32
      %add3A_1350 = arith.constant 1 : i32
      %add3A_1351 = arith.addi %add3A_1349, %add3A_1350 : i32
      %dma_wait3A_1352 = arith.constant 1 : i32
      %dma_wait3A_1353 = arith.constant 0 : i32
      %dma_wait3A_1354 = tpu.memref_slice %arg12[%dma_wait3A_1352, %dma_wait3A_1353] : memref<3x128xi32, #tpu.memory_space<vmem>> -> memref<1x128xi32, #tpu.memory_space<vmem>>
      %dma_wait3A_1355 = tpu.memref_squeeze %dma_wait3A_1354 : memref<1x128xi32, #tpu.memory_space<vmem>> -> memref<128xi32, #tpu.memory_space<vmem>>
      %dma_wait3A_1356 = arith.constant 0 : i32
      %dma_wait3A_1357 = arith.constant 0 : i32
      %dma_wait3A_1358 = tpu.memref_slice %arg2[%dma_wait3A_1356, %dma_wait3A_1357] : memref<100000x128xf32, #tpu.memory_space<hbm>> -> memref<100000x128xf32, #tpu.memory_space<hbm>>
      tpu.wait_indirect_dma semaphore(%arg19 : memref<!tpu.dma_semaphore, #tpu.memory_space<semaphore_mem>>) src(%dma_wait3A_1358 : memref<100000x128xf32, #tpu.memory_space<hbm>>) dst(%arg8 : memref<128x128xf32, #tpu.memory_space<vmem>>)
      %dma_wait3A_1359 = arith.constant 2 : i32
      %dma_wait3A_1360 = arith.constant 0 : i32
      %dma_wait3A_1361 = tpu.memref_slice %arg12[%dma_wait3A_1359, %dma_wait3A_1360] : memref<3x128xi32, #tpu.memory_space<vmem>> -> memref<1x128xi32, #tpu.memory_space<vmem>>
      %dma_wait3A_1362 = tpu.memref_squeeze %dma_wait3A_1361 : memref<1x128xi32, #tpu.memory_space<vmem>> -> memref<128xi32, #tpu.memory_space<vmem>>
      %dma_wait3A_1363 = arith.constant 0 : i32
      %dma_wait3A_1364 = arith.constant 0 : i32
      %dma_wait3A_1365 = tpu.memref_slice %arg2[%dma_wait3A_1363, %dma_wait3A_1364] : memref<100000x128xf32, #tpu.memory_space<hbm>> -> memref<100000x128xf32, #tpu.memory_space<hbm>>
      tpu.wait_indirect_dma semaphore(%arg19 : memref<!tpu.dma_semaphore, #tpu.memory_space<semaphore_mem>>) src(%dma_wait3A_1365 : memref<100000x128xf32, #tpu.memory_space<hbm>>) dst(%arg8 : memref<128x128xf32, #tpu.memory_space<vmem>>)
      %sub3A_1366 = arith.constant 1 : i32
      %sub3A_1367 = arith.subi %add3A_1351, %sub3A_1366 : i32
      %mul3A_1368 = arith.constant 128 : i32
      %mul3A_1369 = arith.muli %sub3A_1367, %mul3A_1368 : i32
      %add3A_1370 = arith.addi %add3A_7, %mul3A_1369 : i32
      %dma_start3A_1371 = arith.constant 0 : i32
      %dma_start3A_1372 = tpu.memref_slice %arg4[%add3A_1370, %dma_start3A_1371] : memref<200000x128xf32, #tpu.memory_space<hbm>> -> memref<128x128xf32, #tpu.memory_space<hbm>>
      %dma_start3A_1373 = arith.constant 0 : i32
      %dma_start3A_1374 = tpu.memref_slice %arg4[%add3A_1370, %dma_start3A_1373] : memref<200000x128xf32, #tpu.memory_space<hbm>> -> memref<128x128xf32, #tpu.memory_space<hbm>>
      tpu.enqueue_dma source(%arg8 : memref<128x128xf32, #tpu.memory_space<vmem>>) target(%dma_start3A_1374 : memref<128x128xf32, #tpu.memory_space<hbm>>) target_semaphore(%arg20 : memref<!tpu.dma_semaphore, #tpu.memory_space<semaphore_mem>>)
      %sub3A_1375 = arith.constant 2 : i32
      %sub3A_1376 = arith.subi %add3A_1351, %sub3A_1375 : i32
      %mul3A_1377 = arith.constant 128 : i32
      %mul3A_1378 = arith.muli %sub3A_1376, %mul3A_1377 : i32
      %add3A_1379 = arith.addi %add3A_7, %mul3A_1378 : i32
      %dma_wait3A_1380 = arith.constant 0 : i32
      %dma_wait3A_1381 = tpu.memref_slice %arg4[%add3A_1379, %dma_wait3A_1380] : memref<200000x128xf32, #tpu.memory_space<hbm>> -> memref<128x128xf32, #tpu.memory_space<hbm>>
      %dma_wait3A_1382 = arith.constant 0 : i32
      %dma_wait3A_1383 = tpu.memref_slice %arg4[%add3A_1379, %dma_wait3A_1382] : memref<200000x128xf32, #tpu.memory_space<hbm>> -> memref<128x128xf32, #tpu.memory_space<hbm>>
      tpu.wait_dma2 semaphore(%arg18 : memref<!tpu.dma_semaphore, #tpu.memory_space<semaphore_mem>>) src(%arg7 : memref<128x128xf32, #tpu.memory_space<vmem>>) dst(%dma_wait3A_1383 : memref<128x128xf32, #tpu.memory_space<hbm>>)
      %add3A_1384 = arith.constant 2 : i32
      %add3A_1385 = arith.addi %add3A_1351, %add3A_1384 : i32
      %mul3A_1386 = arith.constant 128 : i32
      %mul3A_1387 = arith.muli %add3A_1385, %mul3A_1386 : i32
      %add3A_1388 = arith.addi %add3A_7, %mul3A_1387 : i32
      %dma_wait3A_1389 = arith.constant 0 : i32
      %dma_wait3A_1390 = arith.constant 0 : i32
      %dma_wait3A_1391 = arith.constant 0 : i32
      %dma_wait3A_1392 = tpu.memref_slice %arg11[%dma_wait3A_1390, %dma_wait3A_1391] : memref<3x128xi32, #tpu.memory_space<vmem>> -> memref<1x128xi32, #tpu.memory_space<vmem>>
      %dma_wait3A_1393 = tpu.memref_squeeze %dma_wait3A_1392 : memref<1x128xi32, #tpu.memory_space<vmem>> -> memref<128xi32, #tpu.memory_space<vmem>>
      %dma_wait3A_1394 = tpu.memref_slice %arg3[%dma_wait3A_1389, %add3A_1388] : memref<3x200000xi32, #tpu.memory_space<hbm>> -> memref<1x128xi32, #tpu.memory_space<hbm>>
      %dma_wait3A_1395 = tpu.memref_squeeze %dma_wait3A_1394 : memref<1x128xi32, #tpu.memory_space<hbm>> -> memref<128xi32, #tpu.memory_space<hbm>>
      %dma_wait3A_1396 = arith.constant 0 : i32
      %dma_wait3A_1397 = tpu.memref_slice %arg11[%dma_wait3A_1390, %dma_wait3A_1396] : memref<3x128xi32, #tpu.memory_space<vmem>> -> memref<1x128xi32, #tpu.memory_space<vmem>>
      %dma_wait3A_1398 = tpu.memref_squeeze %dma_wait3A_1397 : memref<1x128xi32, #tpu.memory_space<vmem>> -> memref<128xi32, #tpu.memory_space<vmem>>
      %dma_wait3A_1399 = tpu.memref_slice %arg3[%dma_wait3A_1389, %add3A_1388] : memref<3x200000xi32, #tpu.memory_space<hbm>> -> memref<1x128xi32, #tpu.memory_space<hbm>>
      %dma_wait3A_1400 = tpu.memref_squeeze %dma_wait3A_1399 : memref<1x128xi32, #tpu.memory_space<hbm>> -> memref<128xi32, #tpu.memory_space<hbm>>
      tpu.wait_dma2 semaphore(%arg23 : memref<!tpu.dma_semaphore, #tpu.memory_space<semaphore_mem>>) src(%dma_wait3A_1400 : memref<128xi32, #tpu.memory_space<hbm>>) dst(%dma_wait3A_1398 : memref<128xi32, #tpu.memory_space<vmem>>)
      %dma_wait3A_1401 = arith.constant 1 : i32
      %dma_wait3A_1402 = arith.constant 1 : i32
      %dma_wait3A_1403 = arith.constant 0 : i32
      %dma_wait3A_1404 = tpu.memref_slice %arg11[%dma_wait3A_1402, %dma_wait3A_1403] : memref<3x128xi32, #tpu.memory_space<vmem>> -> memref<1x128xi32, #tpu.memory_space<vmem>>
      %dma_wait3A_1405 = tpu.memref_squeeze %dma_wait3A_1404 : memref<1x128xi32, #tpu.memory_space<vmem>> -> memref<128xi32, #tpu.memory_space<vmem>>
      %dma_wait3A_1406 = tpu.memref_slice %arg3[%dma_wait3A_1401, %add3A_1388] : memref<3x200000xi32, #tpu.memory_space<hbm>> -> memref<1x128xi32, #tpu.memory_space<hbm>>
      %dma_wait3A_1407 = tpu.memref_squeeze %dma_wait3A_1406 : memref<1x128xi32, #tpu.memory_space<hbm>> -> memref<128xi32, #tpu.memory_space<hbm>>
      %dma_wait3A_1408 = arith.constant 0 : i32
      %dma_wait3A_1409 = tpu.memref_slice %arg11[%dma_wait3A_1402, %dma_wait3A_1408] : memref<3x128xi32, #tpu.memory_space<vmem>> -> memref<1x128xi32, #tpu.memory_space<vmem>>
      %dma_wait3A_1410 = tpu.memref_squeeze %dma_wait3A_1409 : memref<1x128xi32, #tpu.memory_space<vmem>> -> memref<128xi32, #tpu.memory_space<vmem>>
      %dma_wait3A_1411 = tpu.memref_slice %arg3[%dma_wait3A_1401, %add3A_1388] : memref<3x200000xi32, #tpu.memory_space<hbm>> -> memref<1x128xi32, #tpu.memory_space<hbm>>
      %dma_wait3A_1412 = tpu.memref_squeeze %dma_wait3A_1411 : memref<1x128xi32, #tpu.memory_space<hbm>> -> memref<128xi32, #tpu.memory_space<hbm>>
      tpu.wait_dma2 semaphore(%arg23 : memref<!tpu.dma_semaphore, #tpu.memory_space<semaphore_mem>>) src(%dma_wait3A_1412 : memref<128xi32, #tpu.memory_space<hbm>>) dst(%dma_wait3A_1410 : memref<128xi32, #tpu.memory_space<vmem>>)
      %dma_wait3A_1413 = arith.constant 2 : i32
      %dma_wait3A_1414 = arith.constant 2 : i32
      %dma_wait3A_1415 = arith.constant 0 : i32
      %dma_wait3A_1416 = tpu.memref_slice %arg11[%dma_wait3A_1414, %dma_wait3A_1415] : memref<3x128xi32, #tpu.memory_space<vmem>> -> memref<1x128xi32, #tpu.memory_space<vmem>>
      %dma_wait3A_1417 = tpu.memref_squeeze %dma_wait3A_1416 : memref<1x128xi32, #tpu.memory_space<vmem>> -> memref<128xi32, #tpu.memory_space<vmem>>
      %dma_wait3A_1418 = tpu.memref_slice %arg3[%dma_wait3A_1413, %add3A_1388] : memref<3x200000xi32, #tpu.memory_space<hbm>> -> memref<1x128xi32, #tpu.memory_space<hbm>>
      %dma_wait3A_1419 = tpu.memref_squeeze %dma_wait3A_1418 : memref<1x128xi32, #tpu.memory_space<hbm>> -> memref<128xi32, #tpu.memory_space<hbm>>
      %dma_wait3A_1420 = arith.constant 0 : i32
      %dma_wait3A_1421 = tpu.memref_slice %arg11[%dma_wait3A_1414, %dma_wait3A_1420] : memref<3x128xi32, #tpu.memory_space<vmem>> -> memref<1x128xi32, #tpu.memory_space<vmem>>
      %dma_wait3A_1422 = tpu.memref_squeeze %dma_wait3A_1421 : memref<1x128xi32, #tpu.memory_space<vmem>> -> memref<128xi32, #tpu.memory_space<vmem>>
      %dma_wait3A_1423 = tpu.memref_slice %arg3[%dma_wait3A_1413, %add3A_1388] : memref<3x200000xi32, #tpu.memory_space<hbm>> -> memref<1x128xi32, #tpu.memory_space<hbm>>
      %dma_wait3A_1424 = tpu.memref_squeeze %dma_wait3A_1423 : memref<1x128xi32, #tpu.memory_space<hbm>> -> memref<128xi32, #tpu.memory_space<hbm>>
      tpu.wait_dma2 semaphore(%arg23 : memref<!tpu.dma_semaphore, #tpu.memory_space<semaphore_mem>>) src(%dma_wait3A_1424 : memref<128xi32, #tpu.memory_space<hbm>>) dst(%dma_wait3A_1422 : memref<128xi32, #tpu.memory_space<vmem>>)
      %dma_start3A_1425 = arith.constant 0 : i32
      %dma_start3A_1426 = arith.constant 0 : i32
      %dma_start3A_1427 = tpu.memref_slice %arg11[%dma_start3A_1425, %dma_start3A_1426] : memref<3x128xi32, #tpu.memory_space<vmem>> -> memref<1x128xi32, #tpu.memory_space<vmem>>
      %dma_start3A_1428 = tpu.memref_squeeze %dma_start3A_1427 : memref<1x128xi32, #tpu.memory_space<vmem>> -> memref<128xi32, #tpu.memory_space<vmem>>
      %dma_start3A_1429 = arith.constant 0 : i32
      %dma_start3A_1430 = arith.constant 0 : i32
      %dma_start3A_1431 = tpu.memref_slice %arg2[%dma_start3A_1429, %dma_start3A_1430] : memref<100000x128xf32, #tpu.memory_space<hbm>> -> memref<100000x128xf32, #tpu.memory_space<hbm>>
      tpu.enqueue_indirect_dma source(%dma_start3A_1431 : memref<100000x128xf32, #tpu.memory_space<hbm>>) target(%arg7 : memref<128x128xf32, #tpu.memory_space<vmem>>) offsets(%dma_start3A_1428 : memref<128xi32, #tpu.memory_space<vmem>>) semaphore(%arg17 : memref<!tpu.dma_semaphore, #tpu.memory_space<semaphore_mem>>)
      %add3A_1432 = arith.constant 3 : i32
      %add3A_1433 = arith.addi %add3A_1351, %add3A_1432 : i32
      %mul3A_1434 = arith.constant 128 : i32
      %mul3A_1435 = arith.muli %add3A_1433, %mul3A_1434 : i32
      %add3A_1436 = arith.addi %add3A_7, %mul3A_1435 : i32
      %dma_start3A_1437 = arith.constant 0 : i32
      %dma_start3A_1438 = arith.constant 0 : i32
      %dma_start3A_1439 = arith.constant 0 : i32
      %dma_start3A_1440 = tpu.memref_slice %arg12[%dma_start3A_1438, %dma_start3A_1439] : memref<3x128xi32, #tpu.memory_space<vmem>> -> memref<1x128xi32, #tpu.memory_space<vmem>>
      %dma_start3A_1441 = tpu.memref_squeeze %dma_start3A_1440 : memref<1x128xi32, #tpu.memory_space<vmem>> -> memref<128xi32, #tpu.memory_space<vmem>>
      %dma_start3A_1442 = tpu.memref_slice %arg3[%dma_start3A_1437, %add3A_1436] : memref<3x200000xi32, #tpu.memory_space<hbm>> -> memref<1x128xi32, #tpu.memory_space<hbm>>
      %dma_start3A_1443 = tpu.memref_squeeze %dma_start3A_1442 : memref<1x128xi32, #tpu.memory_space<hbm>> -> memref<128xi32, #tpu.memory_space<hbm>>
      %dma_start3A_1444 = arith.constant 0 : i32
      %dma_start3A_1445 = tpu.memref_slice %arg12[%dma_start3A_1438, %dma_start3A_1444] : memref<3x128xi32, #tpu.memory_space<vmem>> -> memref<1x128xi32, #tpu.memory_space<vmem>>
      %dma_start3A_1446 = tpu.memref_squeeze %dma_start3A_1445 : memref<1x128xi32, #tpu.memory_space<vmem>> -> memref<128xi32, #tpu.memory_space<vmem>>
      %dma_start3A_1447 = tpu.memref_slice %arg3[%dma_start3A_1437, %add3A_1436] : memref<3x200000xi32, #tpu.memory_space<hbm>> -> memref<1x128xi32, #tpu.memory_space<hbm>>
      %dma_start3A_1448 = tpu.memref_squeeze %dma_start3A_1447 : memref<1x128xi32, #tpu.memory_space<hbm>> -> memref<128xi32, #tpu.memory_space<hbm>>
      tpu.enqueue_dma source(%dma_start3A_1448 : memref<128xi32, #tpu.memory_space<hbm>>) target(%dma_start3A_1446 : memref<128xi32, #tpu.memory_space<vmem>>) target_semaphore(%arg24 : memref<!tpu.dma_semaphore, #tpu.memory_space<semaphore_mem>>)
      %dma_start3A_1449 = arith.constant 1 : i32
      %dma_start3A_1450 = arith.constant 1 : i32
      %dma_start3A_1451 = arith.constant 0 : i32
      %dma_start3A_1452 = tpu.memref_slice %arg12[%dma_start3A_1450, %dma_start3A_1451] : memref<3x128xi32, #tpu.memory_space<vmem>> -> memref<1x128xi32, #tpu.memory_space<vmem>>
      %dma_start3A_1453 = tpu.memref_squeeze %dma_start3A_1452 : memref<1x128xi32, #tpu.memory_space<vmem>> -> memref<128xi32, #tpu.memory_space<vmem>>
      %dma_start3A_1454 = tpu.memref_slice %arg3[%dma_start3A_1449, %add3A_1436] : memref<3x200000xi32, #tpu.memory_space<hbm>> -> memref<1x128xi32, #tpu.memory_space<hbm>>
      %dma_start3A_1455 = tpu.memref_squeeze %dma_start3A_1454 : memref<1x128xi32, #tpu.memory_space<hbm>> -> memref<128xi32, #tpu.memory_space<hbm>>
      %dma_start3A_1456 = arith.constant 0 : i32
      %dma_start3A_1457 = tpu.memref_slice %arg12[%dma_start3A_1450, %dma_start3A_1456] : memref<3x128xi32, #tpu.memory_space<vmem>> -> memref<1x128xi32, #tpu.memory_space<vmem>>
      %dma_start3A_1458 = tpu.memref_squeeze %dma_start3A_1457 : memref<1x128xi32, #tpu.memory_space<vmem>> -> memref<128xi32, #tpu.memory_space<vmem>>
      %dma_start3A_1459 = tpu.memref_slice %arg3[%dma_start3A_1449, %add3A_1436] : memref<3x200000xi32, #tpu.memory_space<hbm>> -> memref<1x128xi32, #tpu.memory_space<hbm>>
      %dma_start3A_1460 = tpu.memref_squeeze %dma_start3A_1459 : memref<1x128xi32, #tpu.memory_space<hbm>> -> memref<128xi32, #tpu.memory_space<hbm>>
      tpu.enqueue_dma source(%dma_start3A_1460 : memref<128xi32, #tpu.memory_space<hbm>>) target(%dma_start3A_1458 : memref<128xi32, #tpu.memory_space<vmem>>) target_semaphore(%arg24 : memref<!tpu.dma_semaphore, #tpu.memory_space<semaphore_mem>>)
      %dma_start3A_1461 = arith.constant 2 : i32
      %dma_start3A_1462 = arith.constant 2 : i32
      %dma_start3A_1463 = arith.constant 0 : i32
      %dma_start3A_1464 = tpu.memref_slice %arg12[%dma_start3A_1462, %dma_start3A_1463] : memref<3x128xi32, #tpu.memory_space<vmem>> -> memref<1x128xi32, #tpu.memory_space<vmem>>
      %dma_start3A_1465 = tpu.memref_squeeze %dma_start3A_1464 : memref<1x128xi32, #tpu.memory_space<vmem>> -> memref<128xi32, #tpu.memory_space<vmem>>
      %dma_start3A_1466 = tpu.memref_slice %arg3[%dma_start3A_1461, %add3A_1436] : memref<3x200000xi32, #tpu.memory_space<hbm>> -> memref<1x128xi32, #tpu.memory_space<hbm>>
      %dma_start3A_1467 = tpu.memref_squeeze %dma_start3A_1466 : memref<1x128xi32, #tpu.memory_space<hbm>> -> memref<128xi32, #tpu.memory_space<hbm>>
      %dma_start3A_1468 = arith.constant 0 : i32
      %dma_start3A_1469 = tpu.memref_slice %arg12[%dma_start3A_1462, %dma_start3A_1468] : memref<3x128xi32, #tpu.memory_space<vmem>> -> memref<1x128xi32, #tpu.memory_space<vmem>>
      %dma_start3A_1470 = tpu.memref_squeeze %dma_start3A_1469 : memref<1x128xi32, #tpu.memory_space<vmem>> -> memref<128xi32, #tpu.memory_space<vmem>>
      %dma_start3A_1471 = tpu.memref_slice %arg3[%dma_start3A_1461, %add3A_1436] : memref<3x200000xi32, #tpu.memory_space<hbm>> -> memref<1x128xi32, #tpu.memory_space<hbm>>
      %dma_start3A_1472 = tpu.memref_squeeze %dma_start3A_1471 : memref<1x128xi32, #tpu.memory_space<hbm>> -> memref<128xi32, #tpu.memory_space<hbm>>
      tpu.enqueue_dma source(%dma_start3A_1472 : memref<128xi32, #tpu.memory_space<hbm>>) target(%dma_start3A_1470 : memref<128xi32, #tpu.memory_space<vmem>>) target_semaphore(%arg24 : memref<!tpu.dma_semaphore, #tpu.memory_space<semaphore_mem>>)
      %dma_wait3A_1473 = arith.constant 0 : i32
      %dma_wait3A_1474 = arith.constant 0 : i32
      %dma_wait3A_1475 = tpu.memref_slice %arg9[%dma_wait3A_1473, %dma_wait3A_1474] : memref<3x128xi32, #tpu.memory_space<vmem>> -> memref<1x128xi32, #tpu.memory_space<vmem>>
      %dma_wait3A_1476 = tpu.memref_squeeze %dma_wait3A_1475 : memref<1x128xi32, #tpu.memory_space<vmem>> -> memref<128xi32, #tpu.memory_space<vmem>>
      %dma_wait3A_1477 = arith.constant 0 : i32
      %dma_wait3A_1478 = arith.constant 0 : i32
      %dma_wait3A_1479 = tpu.memref_slice %arg2[%dma_wait3A_1477, %dma_wait3A_1478] : memref<100000x128xf32, #tpu.memory_space<hbm>> -> memref<100000x128xf32, #tpu.memory_space<hbm>>
      tpu.wait_indirect_dma semaphore(%arg13 : memref<!tpu.dma_semaphore, #tpu.memory_space<semaphore_mem>>) src(%dma_wait3A_1479 : memref<100000x128xf32, #tpu.memory_space<hbm>>) dst(%arg5 : memref<128x128xf32, #tpu.memory_space<vmem>>)
      %dma_start3A_1480 = arith.constant 1 : i32
      %dma_start3A_1481 = arith.constant 0 : i32
      %dma_start3A_1482 = tpu.memref_slice %arg9[%dma_start3A_1480, %dma_start3A_1481] : memref<3x128xi32, #tpu.memory_space<vmem>> -> memref<1x128xi32, #tpu.memory_space<vmem>>
      %dma_start3A_1483 = tpu.memref_squeeze %dma_start3A_1482 : memref<1x128xi32, #tpu.memory_space<vmem>> -> memref<128xi32, #tpu.memory_space<vmem>>
      %dma_start3A_1484 = arith.constant 0 : i32
      %dma_start3A_1485 = arith.constant 0 : i32
      %dma_start3A_1486 = tpu.memref_slice %arg2[%dma_start3A_1484, %dma_start3A_1485] : memref<100000x128xf32, #tpu.memory_space<hbm>> -> memref<100000x128xf32, #tpu.memory_space<hbm>>
      tpu.enqueue_indirect_dma source(%dma_start3A_1486 : memref<100000x128xf32, #tpu.memory_space<hbm>>) target(%arg5 : memref<128x128xf32, #tpu.memory_space<vmem>>) offsets(%dma_start3A_1483 : memref<128xi32, #tpu.memory_space<vmem>>) semaphore(%arg13 : memref<!tpu.dma_semaphore, #tpu.memory_space<semaphore_mem>>) {add = true}
      %dma_start3A_1487 = arith.constant 2 : i32
      %dma_start3A_1488 = arith.constant 0 : i32
      %dma_start3A_1489 = tpu.memref_slice %arg9[%dma_start3A_1487, %dma_start3A_1488] : memref<3x128xi32, #tpu.memory_space<vmem>> -> memref<1x128xi32, #tpu.memory_space<vmem>>
      %dma_start3A_1490 = tpu.memref_squeeze %dma_start3A_1489 : memref<1x128xi32, #tpu.memory_space<vmem>> -> memref<128xi32, #tpu.memory_space<vmem>>
      %dma_start3A_1491 = arith.constant 0 : i32
      %dma_start3A_1492 = arith.constant 0 : i32
      %dma_start3A_1493 = tpu.memref_slice %arg2[%dma_start3A_1491, %dma_start3A_1492] : memref<100000x128xf32, #tpu.memory_space<hbm>> -> memref<100000x128xf32, #tpu.memory_space<hbm>>
      tpu.enqueue_indirect_dma source(%dma_start3A_1493 : memref<100000x128xf32, #tpu.memory_space<hbm>>) target(%arg5 : memref<128x128xf32, #tpu.memory_space<vmem>>) offsets(%dma_start3A_1490 : memref<128xi32, #tpu.memory_space<vmem>>) semaphore(%arg13 : memref<!tpu.dma_semaphore, #tpu.memory_space<semaphore_mem>>) {add = true}
      %mul3A_1494 = arith.constant 4 : i32
      %mul3A_1495 = arith.muli %mul3A_1494, %scan3A_1197 : i32
      %add3A_1496 = arith.constant 3 : i32
      %add3A_1497 = arith.addi %add3A_1496, %mul3A_1495 : i32
      %add3A_1498 = arith.constant 2 : i32
      %add3A_1499 = arith.addi %add3A_1497, %add3A_1498 : i32
      %dma_wait3A_1500 = arith.constant 1 : i32
      %dma_wait3A_1501 = arith.constant 0 : i32
      %dma_wait3A_1502 = tpu.memref_slice %arg9[%dma_wait3A_1500, %dma_wait3A_1501] : memref<3x128xi32, #tpu.memory_space<vmem>> -> memref<1x128xi32, #tpu.memory_space<vmem>>
      %dma_wait3A_1503 = tpu.memref_squeeze %dma_wait3A_1502 : memref<1x128xi32, #tpu.memory_space<vmem>> -> memref<128xi32, #tpu.memory_space<vmem>>
      %dma_wait3A_1504 = arith.constant 0 : i32
      %dma_wait3A_1505 = arith.constant 0 : i32
      %dma_wait3A_1506 = tpu.memref_slice %arg2[%dma_wait3A_1504, %dma_wait3A_1505] : memref<100000x128xf32, #tpu.memory_space<hbm>> -> memref<100000x128xf32, #tpu.memory_space<hbm>>
      tpu.wait_indirect_dma semaphore(%arg13 : memref<!tpu.dma_semaphore, #tpu.memory_space<semaphore_mem>>) src(%dma_wait3A_1506 : memref<100000x128xf32, #tpu.memory_space<hbm>>) dst(%arg5 : memref<128x128xf32, #tpu.memory_space<vmem>>)
      %dma_wait3A_1507 = arith.constant 2 : i32
      %dma_wait3A_1508 = arith.constant 0 : i32
      %dma_wait3A_1509 = tpu.memref_slice %arg9[%dma_wait3A_1507, %dma_wait3A_1508] : memref<3x128xi32, #tpu.memory_space<vmem>> -> memref<1x128xi32, #tpu.memory_space<vmem>>
      %dma_wait3A_1510 = tpu.memref_squeeze %dma_wait3A_1509 : memref<1x128xi32, #tpu.memory_space<vmem>> -> memref<128xi32, #tpu.memory_space<vmem>>
      %dma_wait3A_1511 = arith.constant 0 : i32
      %dma_wait3A_1512 = arith.constant 0 : i32
      %dma_wait3A_1513 = tpu.memref_slice %arg2[%dma_wait3A_1511, %dma_wait3A_1512] : memref<100000x128xf32, #tpu.memory_space<hbm>> -> memref<100000x128xf32, #tpu.memory_space<hbm>>
      tpu.wait_indirect_dma semaphore(%arg13 : memref<!tpu.dma_semaphore, #tpu.memory_space<semaphore_mem>>) src(%dma_wait3A_1513 : memref<100000x128xf32, #tpu.memory_space<hbm>>) dst(%arg5 : memref<128x128xf32, #tpu.memory_space<vmem>>)
      %sub3A_1514 = arith.constant 1 : i32
      %sub3A_1515 = arith.subi %add3A_1499, %sub3A_1514 : i32
      %mul3A_1516 = arith.constant 128 : i32
      %mul3A_1517 = arith.muli %sub3A_1515, %mul3A_1516 : i32
      %add3A_1518 = arith.addi %add3A_7, %mul3A_1517 : i32
      %dma_start3A_1519 = arith.constant 0 : i32
      %dma_start3A_1520 = tpu.memref_slice %arg4[%add3A_1518, %dma_start3A_1519] : memref<200000x128xf32, #tpu.memory_space<hbm>> -> memref<128x128xf32, #tpu.memory_space<hbm>>
      %dma_start3A_1521 = arith.constant 0 : i32
      %dma_start3A_1522 = tpu.memref_slice %arg4[%add3A_1518, %dma_start3A_1521] : memref<200000x128xf32, #tpu.memory_space<hbm>> -> memref<128x128xf32, #tpu.memory_space<hbm>>
      tpu.enqueue_dma source(%arg5 : memref<128x128xf32, #tpu.memory_space<vmem>>) target(%dma_start3A_1522 : memref<128x128xf32, #tpu.memory_space<hbm>>) target_semaphore(%arg14 : memref<!tpu.dma_semaphore, #tpu.memory_space<semaphore_mem>>)
      %sub3A_1523 = arith.constant 2 : i32
      %sub3A_1524 = arith.subi %add3A_1499, %sub3A_1523 : i32
      %mul3A_1525 = arith.constant 128 : i32
      %mul3A_1526 = arith.muli %sub3A_1524, %mul3A_1525 : i32
      %add3A_1527 = arith.addi %add3A_7, %mul3A_1526 : i32
      %dma_wait3A_1528 = arith.constant 0 : i32
      %dma_wait3A_1529 = tpu.memref_slice %arg4[%add3A_1527, %dma_wait3A_1528] : memref<200000x128xf32, #tpu.memory_space<hbm>> -> memref<128x128xf32, #tpu.memory_space<hbm>>
      %dma_wait3A_1530 = arith.constant 0 : i32
      %dma_wait3A_1531 = tpu.memref_slice %arg4[%add3A_1527, %dma_wait3A_1530] : memref<200000x128xf32, #tpu.memory_space<hbm>> -> memref<128x128xf32, #tpu.memory_space<hbm>>
      tpu.wait_dma2 semaphore(%arg20 : memref<!tpu.dma_semaphore, #tpu.memory_space<semaphore_mem>>) src(%arg8 : memref<128x128xf32, #tpu.memory_space<vmem>>) dst(%dma_wait3A_1531 : memref<128x128xf32, #tpu.memory_space<hbm>>)
      %add3A_1532 = arith.constant 2 : i32
      %add3A_1533 = arith.addi %add3A_1499, %add3A_1532 : i32
      %mul3A_1534 = arith.constant 128 : i32
      %mul3A_1535 = arith.muli %add3A_1533, %mul3A_1534 : i32
      %add3A_1536 = arith.addi %add3A_7, %mul3A_1535 : i32
      %dma_wait3A_1537 = arith.constant 0 : i32
      %dma_wait3A_1538 = arith.constant 0 : i32
      %dma_wait3A_1539 = arith.constant 0 : i32
      %dma_wait3A_1540 = tpu.memref_slice %arg12[%dma_wait3A_1538, %dma_wait3A_1539] : memref<3x128xi32, #tpu.memory_space<vmem>> -> memref<1x128xi32, #tpu.memory_space<vmem>>
      %dma_wait3A_1541 = tpu.memref_squeeze %dma_wait3A_1540 : memref<1x128xi32, #tpu.memory_space<vmem>> -> memref<128xi32, #tpu.memory_space<vmem>>
      %dma_wait3A_1542 = tpu.memref_slice %arg3[%dma_wait3A_1537, %add3A_1536] : memref<3x200000xi32, #tpu.memory_space<hbm>> -> memref<1x128xi32, #tpu.memory_space<hbm>>
      %dma_wait3A_1543 = tpu.memref_squeeze %dma_wait3A_1542 : memref<1x128xi32, #tpu.memory_space<hbm>> -> memref<128xi32, #tpu.memory_space<hbm>>
      %dma_wait3A_1544 = arith.constant 0 : i32
      %dma_wait3A_1545 = tpu.memref_slice %arg12[%dma_wait3A_1538, %dma_wait3A_1544] : memref<3x128xi32, #tpu.memory_space<vmem>> -> memref<1x128xi32, #tpu.memory_space<vmem>>
      %dma_wait3A_1546 = tpu.memref_squeeze %dma_wait3A_1545 : memref<1x128xi32, #tpu.memory_space<vmem>> -> memref<128xi32, #tpu.memory_space<vmem>>
      %dma_wait3A_1547 = tpu.memref_slice %arg3[%dma_wait3A_1537, %add3A_1536] : memref<3x200000xi32, #tpu.memory_space<hbm>> -> memref<1x128xi32, #tpu.memory_space<hbm>>
      %dma_wait3A_1548 = tpu.memref_squeeze %dma_wait3A_1547 : memref<1x128xi32, #tpu.memory_space<hbm>> -> memref<128xi32, #tpu.memory_space<hbm>>
      tpu.wait_dma2 semaphore(%arg24 : memref<!tpu.dma_semaphore, #tpu.memory_space<semaphore_mem>>) src(%dma_wait3A_1548 : memref<128xi32, #tpu.memory_space<hbm>>) dst(%dma_wait3A_1546 : memref<128xi32, #tpu.memory_space<vmem>>)
      %dma_wait3A_1549 = arith.constant 1 : i32
      %dma_wait3A_1550 = arith.constant 1 : i32
      %dma_wait3A_1551 = arith.constant 0 : i32
      %dma_wait3A_1552 = tpu.memref_slice %arg12[%dma_wait3A_1550, %dma_wait3A_1551] : memref<3x128xi32, #tpu.memory_space<vmem>> -> memref<1x128xi32, #tpu.memory_space<vmem>>
      %dma_wait3A_1553 = tpu.memref_squeeze %dma_wait3A_1552 : memref<1x128xi32, #tpu.memory_space<vmem>> -> memref<128xi32, #tpu.memory_space<vmem>>
      %dma_wait3A_1554 = tpu.memref_slice %arg3[%dma_wait3A_1549, %add3A_1536] : memref<3x200000xi32, #tpu.memory_space<hbm>> -> memref<1x128xi32, #tpu.memory_space<hbm>>
      %dma_wait3A_1555 = tpu.memref_squeeze %dma_wait3A_1554 : memref<1x128xi32, #tpu.memory_space<hbm>> -> memref<128xi32, #tpu.memory_space<hbm>>
      %dma_wait3A_1556 = arith.constant 0 : i32
      %dma_wait3A_1557 = tpu.memref_slice %arg12[%dma_wait3A_1550, %dma_wait3A_1556] : memref<3x128xi32, #tpu.memory_space<vmem>> -> memref<1x128xi32, #tpu.memory_space<vmem>>
      %dma_wait3A_1558 = tpu.memref_squeeze %dma_wait3A_1557 : memref<1x128xi32, #tpu.memory_space<vmem>> -> memref<128xi32, #tpu.memory_space<vmem>>
      %dma_wait3A_1559 = tpu.memref_slice %arg3[%dma_wait3A_1549, %add3A_1536] : memref<3x200000xi32, #tpu.memory_space<hbm>> -> memref<1x128xi32, #tpu.memory_space<hbm>>
      %dma_wait3A_1560 = tpu.memref_squeeze %dma_wait3A_1559 : memref<1x128xi32, #tpu.memory_space<hbm>> -> memref<128xi32, #tpu.memory_space<hbm>>
      tpu.wait_dma2 semaphore(%arg24 : memref<!tpu.dma_semaphore, #tpu.memory_space<semaphore_mem>>) src(%dma_wait3A_1560 : memref<128xi32, #tpu.memory_space<hbm>>) dst(%dma_wait3A_1558 : memref<128xi32, #tpu.memory_space<vmem>>)
      %dma_wait3A_1561 = arith.constant 2 : i32
      %dma_wait3A_1562 = arith.constant 2 : i32
      %dma_wait3A_1563 = arith.constant 0 : i32
      %dma_wait3A_1564 = tpu.memref_slice %arg12[%dma_wait3A_1562, %dma_wait3A_1563] : memref<3x128xi32, #tpu.memory_space<vmem>> -> memref<1x128xi32, #tpu.memory_space<vmem>>
      %dma_wait3A_1565 = tpu.memref_squeeze %dma_wait3A_1564 : memref<1x128xi32, #tpu.memory_space<vmem>> -> memref<128xi32, #tpu.memory_space<vmem>>
      %dma_wait3A_1566 = tpu.memref_slice %arg3[%dma_wait3A_1561, %add3A_1536] : memref<3x200000xi32, #tpu.memory_space<hbm>> -> memref<1x128xi32, #tpu.memory_space<hbm>>
      %dma_wait3A_1567 = tpu.memref_squeeze %dma_wait3A_1566 : memref<1x128xi32, #tpu.memory_space<hbm>> -> memref<128xi32, #tpu.memory_space<hbm>>
      %dma_wait3A_1568 = arith.constant 0 : i32
      %dma_wait3A_1569 = tpu.memref_slice %arg12[%dma_wait3A_1562, %dma_wait3A_1568] : memref<3x128xi32, #tpu.memory_space<vmem>> -> memref<1x128xi32, #tpu.memory_space<vmem>>
      %dma_wait3A_1570 = tpu.memref_squeeze %dma_wait3A_1569 : memref<1x128xi32, #tpu.memory_space<vmem>> -> memref<128xi32, #tpu.memory_space<vmem>>
      %dma_wait3A_1571 = tpu.memref_slice %arg3[%dma_wait3A_1561, %add3A_1536] : memref<3x200000xi32, #tpu.memory_space<hbm>> -> memref<1x128xi32, #tpu.memory_space<hbm>>
      %dma_wait3A_1572 = tpu.memref_squeeze %dma_wait3A_1571 : memref<1x128xi32, #tpu.memory_space<hbm>> -> memref<128xi32, #tpu.memory_space<hbm>>
      tpu.wait_dma2 semaphore(%arg24 : memref<!tpu.dma_semaphore, #tpu.memory_space<semaphore_mem>>) src(%dma_wait3A_1572 : memref<128xi32, #tpu.memory_space<hbm>>) dst(%dma_wait3A_1570 : memref<128xi32, #tpu.memory_space<vmem>>)
      %dma_start3A_1573 = arith.constant 0 : i32
      %dma_start3A_1574 = arith.constant 0 : i32
      %dma_start3A_1575 = tpu.memref_slice %arg12[%dma_start3A_1573, %dma_start3A_1574] : memref<3x128xi32, #tpu.memory_space<vmem>> -> memref<1x128xi32, #tpu.memory_space<vmem>>
      %dma_start3A_1576 = tpu.memref_squeeze %dma_start3A_1575 : memref<1x128xi32, #tpu.memory_space<vmem>> -> memref<128xi32, #tpu.memory_space<vmem>>
      %dma_start3A_1577 = arith.constant 0 : i32
      %dma_start3A_1578 = arith.constant 0 : i32
      %dma_start3A_1579 = tpu.memref_slice %arg2[%dma_start3A_1577, %dma_start3A_1578] : memref<100000x128xf32, #tpu.memory_space<hbm>> -> memref<100000x128xf32, #tpu.memory_space<hbm>>
      tpu.enqueue_indirect_dma source(%dma_start3A_1579 : memref<100000x128xf32, #tpu.memory_space<hbm>>) target(%arg8 : memref<128x128xf32, #tpu.memory_space<vmem>>) offsets(%dma_start3A_1576 : memref<128xi32, #tpu.memory_space<vmem>>) semaphore(%arg19 : memref<!tpu.dma_semaphore, #tpu.memory_space<semaphore_mem>>)
      %add3A_1580 = arith.constant 3 : i32
      %add3A_1581 = arith.addi %add3A_1499, %add3A_1580 : i32
      %mul3A_1582 = arith.constant 128 : i32
      %mul3A_1583 = arith.muli %add3A_1581, %mul3A_1582 : i32
      %add3A_1584 = arith.addi %add3A_7, %mul3A_1583 : i32
      %dma_start3A_1585 = arith.constant 0 : i32
      %dma_start3A_1586 = arith.constant 0 : i32
      %dma_start3A_1587 = arith.constant 0 : i32
      %dma_start3A_1588 = tpu.memref_slice %arg9[%dma_start3A_1586, %dma_start3A_1587] : memref<3x128xi32, #tpu.memory_space<vmem>> -> memref<1x128xi32, #tpu.memory_space<vmem>>
      %dma_start3A_1589 = tpu.memref_squeeze %dma_start3A_1588 : memref<1x128xi32, #tpu.memory_space<vmem>> -> memref<128xi32, #tpu.memory_space<vmem>>
      %dma_start3A_1590 = tpu.memref_slice %arg3[%dma_start3A_1585, %add3A_1584] : memref<3x200000xi32, #tpu.memory_space<hbm>> -> memref<1x128xi32, #tpu.memory_space<hbm>>
      %dma_start3A_1591 = tpu.memref_squeeze %dma_start3A_1590 : memref<1x128xi32, #tpu.memory_space<hbm>> -> memref<128xi32, #tpu.memory_space<hbm>>
      %dma_start3A_1592 = arith.constant 0 : i32
      %dma_start3A_1593 = tpu.memref_slice %arg9[%dma_start3A_1586, %dma_start3A_1592] : memref<3x128xi32, #tpu.memory_space<vmem>> -> memref<1x128xi32, #tpu.memory_space<vmem>>
      %dma_start3A_1594 = tpu.memref_squeeze %dma_start3A_1593 : memref<1x128xi32, #tpu.memory_space<vmem>> -> memref<128xi32, #tpu.memory_space<vmem>>
      %dma_start3A_1595 = tpu.memref_slice %arg3[%dma_start3A_1585, %add3A_1584] : memref<3x200000xi32, #tpu.memory_space<hbm>> -> memref<1x128xi32, #tpu.memory_space<hbm>>
      %dma_start3A_1596 = tpu.memref_squeeze %dma_start3A_1595 : memref<1x128xi32, #tpu.memory_space<hbm>> -> memref<128xi32, #tpu.memory_space<hbm>>
      tpu.enqueue_dma source(%dma_start3A_1596 : memref<128xi32, #tpu.memory_space<hbm>>) target(%dma_start3A_1594 : memref<128xi32, #tpu.memory_space<vmem>>) target_semaphore(%arg21 : memref<!tpu.dma_semaphore, #tpu.memory_space<semaphore_mem>>)
      %dma_start3A_1597 = arith.constant 1 : i32
      %dma_start3A_1598 = arith.constant 1 : i32
      %dma_start3A_1599 = arith.constant 0 : i32
      %dma_start3A_1600 = tpu.memref_slice %arg9[%dma_start3A_1598, %dma_start3A_1599] : memref<3x128xi32, #tpu.memory_space<vmem>> -> memref<1x128xi32, #tpu.memory_space<vmem>>
      %dma_start3A_1601 = tpu.memref_squeeze %dma_start3A_1600 : memref<1x128xi32, #tpu.memory_space<vmem>> -> memref<128xi32, #tpu.memory_space<vmem>>
      %dma_start3A_1602 = tpu.memref_slice %arg3[%dma_start3A_1597, %add3A_1584] : memref<3x200000xi32, #tpu.memory_space<hbm>> -> memref<1x128xi32, #tpu.memory_space<hbm>>
      %dma_start3A_1603 = tpu.memref_squeeze %dma_start3A_1602 : memref<1x128xi32, #tpu.memory_space<hbm>> -> memref<128xi32, #tpu.memory_space<hbm>>
      %dma_start3A_1604 = arith.constant 0 : i32
      %dma_start3A_1605 = tpu.memref_slice %arg9[%dma_start3A_1598, %dma_start3A_1604] : memref<3x128xi32, #tpu.memory_space<vmem>> -> memref<1x128xi32, #tpu.memory_space<vmem>>
      %dma_start3A_1606 = tpu.memref_squeeze %dma_start3A_1605 : memref<1x128xi32, #tpu.memory_space<vmem>> -> memref<128xi32, #tpu.memory_space<vmem>>
      %dma_start3A_1607 = tpu.memref_slice %arg3[%dma_start3A_1597, %add3A_1584] : memref<3x200000xi32, #tpu.memory_space<hbm>> -> memref<1x128xi32, #tpu.memory_space<hbm>>
      %dma_start3A_1608 = tpu.memref_squeeze %dma_start3A_1607 : memref<1x128xi32, #tpu.memory_space<hbm>> -> memref<128xi32, #tpu.memory_space<hbm>>
      tpu.enqueue_dma source(%dma_start3A_1608 : memref<128xi32, #tpu.memory_space<hbm>>) target(%dma_start3A_1606 : memref<128xi32, #tpu.memory_space<vmem>>) target_semaphore(%arg21 : memref<!tpu.dma_semaphore, #tpu.memory_space<semaphore_mem>>)
      %dma_start3A_1609 = arith.constant 2 : i32
      %dma_start3A_1610 = arith.constant 2 : i32
      %dma_start3A_1611 = arith.constant 0 : i32
      %dma_start3A_1612 = tpu.memref_slice %arg9[%dma_start3A_1610, %dma_start3A_1611] : memref<3x128xi32, #tpu.memory_space<vmem>> -> memref<1x128xi32, #tpu.memory_space<vmem>>
      %dma_start3A_1613 = tpu.memref_squeeze %dma_start3A_1612 : memref<1x128xi32, #tpu.memory_space<vmem>> -> memref<128xi32, #tpu.memory_space<vmem>>
      %dma_start3A_1614 = tpu.memref_slice %arg3[%dma_start3A_1609, %add3A_1584] : memref<3x200000xi32, #tpu.memory_space<hbm>> -> memref<1x128xi32, #tpu.memory_space<hbm>>
      %dma_start3A_1615 = tpu.memref_squeeze %dma_start3A_1614 : memref<1x128xi32, #tpu.memory_space<hbm>> -> memref<128xi32, #tpu.memory_space<hbm>>
      %dma_start3A_1616 = arith.constant 0 : i32
      %dma_start3A_1617 = tpu.memref_slice %arg9[%dma_start3A_1610, %dma_start3A_1616] : memref<3x128xi32, #tpu.memory_space<vmem>> -> memref<1x128xi32, #tpu.memory_space<vmem>>
      %dma_start3A_1618 = tpu.memref_squeeze %dma_start3A_1617 : memref<1x128xi32, #tpu.memory_space<vmem>> -> memref<128xi32, #tpu.memory_space<vmem>>
      %dma_start3A_1619 = tpu.memref_slice %arg3[%dma_start3A_1609, %add3A_1584] : memref<3x200000xi32, #tpu.memory_space<hbm>> -> memref<1x128xi32, #tpu.memory_space<hbm>>
      %dma_start3A_1620 = tpu.memref_squeeze %dma_start3A_1619 : memref<1x128xi32, #tpu.memory_space<hbm>> -> memref<128xi32, #tpu.memory_space<hbm>>
      tpu.enqueue_dma source(%dma_start3A_1620 : memref<128xi32, #tpu.memory_space<hbm>>) target(%dma_start3A_1618 : memref<128xi32, #tpu.memory_space<vmem>>) target_semaphore(%arg21 : memref<!tpu.dma_semaphore, #tpu.memory_space<semaphore_mem>>)
      %dma_wait3A_1621 = arith.constant 0 : i32
      %dma_wait3A_1622 = arith.constant 0 : i32
      %dma_wait3A_1623 = tpu.memref_slice %arg10[%dma_wait3A_1621, %dma_wait3A_1622] : memref<3x128xi32, #tpu.memory_space<vmem>> -> memref<1x128xi32, #tpu.memory_space<vmem>>
      %dma_wait3A_1624 = tpu.memref_squeeze %dma_wait3A_1623 : memref<1x128xi32, #tpu.memory_space<vmem>> -> memref<128xi32, #tpu.memory_space<vmem>>
      %dma_wait3A_1625 = arith.constant 0 : i32
      %dma_wait3A_1626 = arith.constant 0 : i32
      %dma_wait3A_1627 = tpu.memref_slice %arg2[%dma_wait3A_1625, %dma_wait3A_1626] : memref<100000x128xf32, #tpu.memory_space<hbm>> -> memref<100000x128xf32, #tpu.memory_space<hbm>>
      tpu.wait_indirect_dma semaphore(%arg15 : memref<!tpu.dma_semaphore, #tpu.memory_space<semaphore_mem>>) src(%dma_wait3A_1627 : memref<100000x128xf32, #tpu.memory_space<hbm>>) dst(%arg6 : memref<128x128xf32, #tpu.memory_space<vmem>>)
      %dma_start3A_1628 = arith.constant 1 : i32
      %dma_start3A_1629 = arith.constant 0 : i32
      %dma_start3A_1630 = tpu.memref_slice %arg10[%dma_start3A_1628, %dma_start3A_1629] : memref<3x128xi32, #tpu.memory_space<vmem>> -> memref<1x128xi32, #tpu.memory_space<vmem>>
      %dma_start3A_1631 = tpu.memref_squeeze %dma_start3A_1630 : memref<1x128xi32, #tpu.memory_space<vmem>> -> memref<128xi32, #tpu.memory_space<vmem>>
      %dma_start3A_1632 = arith.constant 0 : i32
      %dma_start3A_1633 = arith.constant 0 : i32
      %dma_start3A_1634 = tpu.memref_slice %arg2[%dma_start3A_1632, %dma_start3A_1633] : memref<100000x128xf32, #tpu.memory_space<hbm>> -> memref<100000x128xf32, #tpu.memory_space<hbm>>
      tpu.enqueue_indirect_dma source(%dma_start3A_1634 : memref<100000x128xf32, #tpu.memory_space<hbm>>) target(%arg6 : memref<128x128xf32, #tpu.memory_space<vmem>>) offsets(%dma_start3A_1631 : memref<128xi32, #tpu.memory_space<vmem>>) semaphore(%arg15 : memref<!tpu.dma_semaphore, #tpu.memory_space<semaphore_mem>>) {add = true}
      %dma_start3A_1635 = arith.constant 2 : i32
      %dma_start3A_1636 = arith.constant 0 : i32
      %dma_start3A_1637 = tpu.memref_slice %arg10[%dma_start3A_1635, %dma_start3A_1636] : memref<3x128xi32, #tpu.memory_space<vmem>> -> memref<1x128xi32, #tpu.memory_space<vmem>>
      %dma_start3A_1638 = tpu.memref_squeeze %dma_start3A_1637 : memref<1x128xi32, #tpu.memory_space<vmem>> -> memref<128xi32, #tpu.memory_space<vmem>>
      %dma_start3A_1639 = arith.constant 0 : i32
      %dma_start3A_1640 = arith.constant 0 : i32
      %dma_start3A_1641 = tpu.memref_slice %arg2[%dma_start3A_1639, %dma_start3A_1640] : memref<100000x128xf32, #tpu.memory_space<hbm>> -> memref<100000x128xf32, #tpu.memory_space<hbm>>
      tpu.enqueue_indirect_dma source(%dma_start3A_1641 : memref<100000x128xf32, #tpu.memory_space<hbm>>) target(%arg6 : memref<128x128xf32, #tpu.memory_space<vmem>>) offsets(%dma_start3A_1638 : memref<128xi32, #tpu.memory_space<vmem>>) semaphore(%arg15 : memref<!tpu.dma_semaphore, #tpu.memory_space<semaphore_mem>>) {add = true}
      %mul3A_1642 = arith.constant 4 : i32
      %mul3A_1643 = arith.muli %mul3A_1642, %scan3A_1197 : i32
      %add3A_1644 = arith.constant 3 : i32
      %add3A_1645 = arith.addi %add3A_1644, %mul3A_1643 : i32
      %add3A_1646 = arith.constant 3 : i32
      %add3A_1647 = arith.addi %add3A_1645, %add3A_1646 : i32
      %dma_wait3A_1648 = arith.constant 1 : i32
      %dma_wait3A_1649 = arith.constant 0 : i32
      %dma_wait3A_1650 = tpu.memref_slice %arg10[%dma_wait3A_1648, %dma_wait3A_1649] : memref<3x128xi32, #tpu.memory_space<vmem>> -> memref<1x128xi32, #tpu.memory_space<vmem>>
      %dma_wait3A_1651 = tpu.memref_squeeze %dma_wait3A_1650 : memref<1x128xi32, #tpu.memory_space<vmem>> -> memref<128xi32, #tpu.memory_space<vmem>>
      %dma_wait3A_1652 = arith.constant 0 : i32
      %dma_wait3A_1653 = arith.constant 0 : i32
      %dma_wait3A_1654 = tpu.memref_slice %arg2[%dma_wait3A_1652, %dma_wait3A_1653] : memref<100000x128xf32, #tpu.memory_space<hbm>> -> memref<100000x128xf32, #tpu.memory_space<hbm>>
      tpu.wait_indirect_dma semaphore(%arg15 : memref<!tpu.dma_semaphore, #tpu.memory_space<semaphore_mem>>) src(%dma_wait3A_1654 : memref<100000x128xf32, #tpu.memory_space<hbm>>) dst(%arg6 : memref<128x128xf32, #tpu.memory_space<vmem>>)
      %dma_wait3A_1655 = arith.constant 2 : i32
      %dma_wait3A_1656 = arith.constant 0 : i32
      %dma_wait3A_1657 = tpu.memref_slice %arg10[%dma_wait3A_1655, %dma_wait3A_1656] : memref<3x128xi32, #tpu.memory_space<vmem>> -> memref<1x128xi32, #tpu.memory_space<vmem>>
      %dma_wait3A_1658 = tpu.memref_squeeze %dma_wait3A_1657 : memref<1x128xi32, #tpu.memory_space<vmem>> -> memref<128xi32, #tpu.memory_space<vmem>>
      %dma_wait3A_1659 = arith.constant 0 : i32
      %dma_wait3A_1660 = arith.constant 0 : i32
      %dma_wait3A_1661 = tpu.memref_slice %arg2[%dma_wait3A_1659, %dma_wait3A_1660] : memref<100000x128xf32, #tpu.memory_space<hbm>> -> memref<100000x128xf32, #tpu.memory_space<hbm>>
      tpu.wait_indirect_dma semaphore(%arg15 : memref<!tpu.dma_semaphore, #tpu.memory_space<semaphore_mem>>) src(%dma_wait3A_1661 : memref<100000x128xf32, #tpu.memory_space<hbm>>) dst(%arg6 : memref<128x128xf32, #tpu.memory_space<vmem>>)
      %sub3A_1662 = arith.constant 1 : i32
      %sub3A_1663 = arith.subi %add3A_1647, %sub3A_1662 : i32
      %mul3A_1664 = arith.constant 128 : i32
      %mul3A_1665 = arith.muli %sub3A_1663, %mul3A_1664 : i32
      %add3A_1666 = arith.addi %add3A_7, %mul3A_1665 : i32
      %dma_start3A_1667 = arith.constant 0 : i32
      %dma_start3A_1668 = tpu.memref_slice %arg4[%add3A_1666, %dma_start3A_1667] : memref<200000x128xf32, #tpu.memory_space<hbm>> -> memref<128x128xf32, #tpu.memory_space<hbm>>
      %dma_start3A_1669 = arith.constant 0 : i32
      %dma_start3A_1670 = tpu.memref_slice %arg4[%add3A_1666, %dma_start3A_1669] : memref<200000x128xf32, #tpu.memory_space<hbm>> -> memref<128x128xf32, #tpu.memory_space<hbm>>
      tpu.enqueue_dma source(%arg6 : memref<128x128xf32, #tpu.memory_space<vmem>>) target(%dma_start3A_1670 : memref<128x128xf32, #tpu.memory_space<hbm>>) target_semaphore(%arg16 : memref<!tpu.dma_semaphore, #tpu.memory_space<semaphore_mem>>)
      %sub3A_1671 = arith.constant 2 : i32
      %sub3A_1672 = arith.subi %add3A_1647, %sub3A_1671 : i32
      %mul3A_1673 = arith.constant 128 : i32
      %mul3A_1674 = arith.muli %sub3A_1672, %mul3A_1673 : i32
      %add3A_1675 = arith.addi %add3A_7, %mul3A_1674 : i32
      %dma_wait3A_1676 = arith.constant 0 : i32
      %dma_wait3A_1677 = tpu.memref_slice %arg4[%add3A_1675, %dma_wait3A_1676] : memref<200000x128xf32, #tpu.memory_space<hbm>> -> memref<128x128xf32, #tpu.memory_space<hbm>>
      %dma_wait3A_1678 = arith.constant 0 : i32
      %dma_wait3A_1679 = tpu.memref_slice %arg4[%add3A_1675, %dma_wait3A_1678] : memref<200000x128xf32, #tpu.memory_space<hbm>> -> memref<128x128xf32, #tpu.memory_space<hbm>>
      tpu.wait_dma2 semaphore(%arg14 : memref<!tpu.dma_semaphore, #tpu.memory_space<semaphore_mem>>) src(%arg5 : memref<128x128xf32, #tpu.memory_space<vmem>>) dst(%dma_wait3A_1679 : memref<128x128xf32, #tpu.memory_space<hbm>>)
      %add3A_1680 = arith.constant 2 : i32
      %add3A_1681 = arith.addi %add3A_1647, %add3A_1680 : i32
      %mul3A_1682 = arith.constant 128 : i32
      %mul3A_1683 = arith.muli %add3A_1681, %mul3A_1682 : i32
      %add3A_1684 = arith.addi %add3A_7, %mul3A_1683 : i32
      %dma_wait3A_1685 = arith.constant 0 : i32
      %dma_wait3A_1686 = arith.constant 0 : i32
      %dma_wait3A_1687 = arith.constant 0 : i32
      %dma_wait3A_1688 = tpu.memref_slice %arg9[%dma_wait3A_1686, %dma_wait3A_1687] : memref<3x128xi32, #tpu.memory_space<vmem>> -> memref<1x128xi32, #tpu.memory_space<vmem>>
      %dma_wait3A_1689 = tpu.memref_squeeze %dma_wait3A_1688 : memref<1x128xi32, #tpu.memory_space<vmem>> -> memref<128xi32, #tpu.memory_space<vmem>>
      %dma_wait3A_1690 = tpu.memref_slice %arg3[%dma_wait3A_1685, %add3A_1684] : memref<3x200000xi32, #tpu.memory_space<hbm>> -> memref<1x128xi32, #tpu.memory_space<hbm>>
      %dma_wait3A_1691 = tpu.memref_squeeze %dma_wait3A_1690 : memref<1x128xi32, #tpu.memory_space<hbm>> -> memref<128xi32, #tpu.memory_space<hbm>>
      %dma_wait3A_1692 = arith.constant 0 : i32
      %dma_wait3A_1693 = tpu.memref_slice %arg9[%dma_wait3A_1686, %dma_wait3A_1692] : memref<3x128xi32, #tpu.memory_space<vmem>> -> memref<1x128xi32, #tpu.memory_space<vmem>>
      %dma_wait3A_1694 = tpu.memref_squeeze %dma_wait3A_1693 : memref<1x128xi32, #tpu.memory_space<vmem>> -> memref<128xi32, #tpu.memory_space<vmem>>
      %dma_wait3A_1695 = tpu.memref_slice %arg3[%dma_wait3A_1685, %add3A_1684] : memref<3x200000xi32, #tpu.memory_space<hbm>> -> memref<1x128xi32, #tpu.memory_space<hbm>>
      %dma_wait3A_1696 = tpu.memref_squeeze %dma_wait3A_1695 : memref<1x128xi32, #tpu.memory_space<hbm>> -> memref<128xi32, #tpu.memory_space<hbm>>
      tpu.wait_dma2 semaphore(%arg21 : memref<!tpu.dma_semaphore, #tpu.memory_space<semaphore_mem>>) src(%dma_wait3A_1696 : memref<128xi32, #tpu.memory_space<hbm>>) dst(%dma_wait3A_1694 : memref<128xi32, #tpu.memory_space<vmem>>)
      %dma_wait3A_1697 = arith.constant 1 : i32
      %dma_wait3A_1698 = arith.constant 1 : i32
      %dma_wait3A_1699 = arith.constant 0 : i32
      %dma_wait3A_1700 = tpu.memref_slice %arg9[%dma_wait3A_1698, %dma_wait3A_1699] : memref<3x128xi32, #tpu.memory_space<vmem>> -> memref<1x128xi32, #tpu.memory_space<vmem>>
      %dma_wait3A_1701 = tpu.memref_squeeze %dma_wait3A_1700 : memref<1x128xi32, #tpu.memory_space<vmem>> -> memref<128xi32, #tpu.memory_space<vmem>>
      %dma_wait3A_1702 = tpu.memref_slice %arg3[%dma_wait3A_1697, %add3A_1684] : memref<3x200000xi32, #tpu.memory_space<hbm>> -> memref<1x128xi32, #tpu.memory_space<hbm>>
      %dma_wait3A_1703 = tpu.memref_squeeze %dma_wait3A_1702 : memref<1x128xi32, #tpu.memory_space<hbm>> -> memref<128xi32, #tpu.memory_space<hbm>>
      %dma_wait3A_1704 = arith.constant 0 : i32
      %dma_wait3A_1705 = tpu.memref_slice %arg9[%dma_wait3A_1698, %dma_wait3A_1704] : memref<3x128xi32, #tpu.memory_space<vmem>> -> memref<1x128xi32, #tpu.memory_space<vmem>>
      %dma_wait3A_1706 = tpu.memref_squeeze %dma_wait3A_1705 : memref<1x128xi32, #tpu.memory_space<vmem>> -> memref<128xi32, #tpu.memory_space<vmem>>
      %dma_wait3A_1707 = tpu.memref_slice %arg3[%dma_wait3A_1697, %add3A_1684] : memref<3x200000xi32, #tpu.memory_space<hbm>> -> memref<1x128xi32, #tpu.memory_space<hbm>>
      %dma_wait3A_1708 = tpu.memref_squeeze %dma_wait3A_1707 : memref<1x128xi32, #tpu.memory_space<hbm>> -> memref<128xi32, #tpu.memory_space<hbm>>
      tpu.wait_dma2 semaphore(%arg21 : memref<!tpu.dma_semaphore, #tpu.memory_space<semaphore_mem>>) src(%dma_wait3A_1708 : memref<128xi32, #tpu.memory_space<hbm>>) dst(%dma_wait3A_1706 : memref<128xi32, #tpu.memory_space<vmem>>)
      %dma_wait3A_1709 = arith.constant 2 : i32
      %dma_wait3A_1710 = arith.constant 2 : i32
      %dma_wait3A_1711 = arith.constant 0 : i32
      %dma_wait3A_1712 = tpu.memref_slice %arg9[%dma_wait3A_1710, %dma_wait3A_1711] : memref<3x128xi32, #tpu.memory_space<vmem>> -> memref<1x128xi32, #tpu.memory_space<vmem>>
      %dma_wait3A_1713 = tpu.memref_squeeze %dma_wait3A_1712 : memref<1x128xi32, #tpu.memory_space<vmem>> -> memref<128xi32, #tpu.memory_space<vmem>>
      %dma_wait3A_1714 = tpu.memref_slice %arg3[%dma_wait3A_1709, %add3A_1684] : memref<3x200000xi32, #tpu.memory_space<hbm>> -> memref<1x128xi32, #tpu.memory_space<hbm>>
      %dma_wait3A_1715 = tpu.memref_squeeze %dma_wait3A_1714 : memref<1x128xi32, #tpu.memory_space<hbm>> -> memref<128xi32, #tpu.memory_space<hbm>>
      %dma_wait3A_1716 = arith.constant 0 : i32
      %dma_wait3A_1717 = tpu.memref_slice %arg9[%dma_wait3A_1710, %dma_wait3A_1716] : memref<3x128xi32, #tpu.memory_space<vmem>> -> memref<1x128xi32, #tpu.memory_space<vmem>>
      %dma_wait3A_1718 = tpu.memref_squeeze %dma_wait3A_1717 : memref<1x128xi32, #tpu.memory_space<vmem>> -> memref<128xi32, #tpu.memory_space<vmem>>
      %dma_wait3A_1719 = tpu.memref_slice %arg3[%dma_wait3A_1709, %add3A_1684] : memref<3x200000xi32, #tpu.memory_space<hbm>> -> memref<1x128xi32, #tpu.memory_space<hbm>>
      %dma_wait3A_1720 = tpu.memref_squeeze %dma_wait3A_1719 : memref<1x128xi32, #tpu.memory_space<hbm>> -> memref<128xi32, #tpu.memory_space<hbm>>
      tpu.wait_dma2 semaphore(%arg21 : memref<!tpu.dma_semaphore, #tpu.memory_space<semaphore_mem>>) src(%dma_wait3A_1720 : memref<128xi32, #tpu.memory_space<hbm>>) dst(%dma_wait3A_1718 : memref<128xi32, #tpu.memory_space<vmem>>)
      %dma_start3A_1721 = arith.constant 0 : i32
      %dma_start3A_1722 = arith.constant 0 : i32
      %dma_start3A_1723 = tpu.memref_slice %arg9[%dma_start3A_1721, %dma_start3A_1722] : memref<3x128xi32, #tpu.memory_space<vmem>> -> memref<1x128xi32, #tpu.memory_space<vmem>>
      %dma_start3A_1724 = tpu.memref_squeeze %dma_start3A_1723 : memref<1x128xi32, #tpu.memory_space<vmem>> -> memref<128xi32, #tpu.memory_space<vmem>>
      %dma_start3A_1725 = arith.constant 0 : i32
      %dma_start3A_1726 = arith.constant 0 : i32
      %dma_start3A_1727 = tpu.memref_slice %arg2[%dma_start3A_1725, %dma_start3A_1726] : memref<100000x128xf32, #tpu.memory_space<hbm>> -> memref<100000x128xf32, #tpu.memory_space<hbm>>
      tpu.enqueue_indirect_dma source(%dma_start3A_1727 : memref<100000x128xf32, #tpu.memory_space<hbm>>) target(%arg5 : memref<128x128xf32, #tpu.memory_space<vmem>>) offsets(%dma_start3A_1724 : memref<128xi32, #tpu.memory_space<vmem>>) semaphore(%arg13 : memref<!tpu.dma_semaphore, #tpu.memory_space<semaphore_mem>>)
      %add3A_1728 = arith.constant 3 : i32
      %add3A_1729 = arith.addi %add3A_1647, %add3A_1728 : i32
      %mul3A_1730 = arith.constant 128 : i32
      %mul3A_1731 = arith.muli %add3A_1729, %mul3A_1730 : i32
      %add3A_1732 = arith.addi %add3A_7, %mul3A_1731 : i32
      %dma_start3A_1733 = arith.constant 0 : i32
      %dma_start3A_1734 = arith.constant 0 : i32
      %dma_start3A_1735 = arith.constant 0 : i32
      %dma_start3A_1736 = tpu.memref_slice %arg10[%dma_start3A_1734, %dma_start3A_1735] : memref<3x128xi32, #tpu.memory_space<vmem>> -> memref<1x128xi32, #tpu.memory_space<vmem>>
      %dma_start3A_1737 = tpu.memref_squeeze %dma_start3A_1736 : memref<1x128xi32, #tpu.memory_space<vmem>> -> memref<128xi32, #tpu.memory_space<vmem>>
      %dma_start3A_1738 = tpu.memref_slice %arg3[%dma_start3A_1733, %add3A_1732] : memref<3x200000xi32, #tpu.memory_space<hbm>> -> memref<1x128xi32, #tpu.memory_space<hbm>>
      %dma_start3A_1739 = tpu.memref_squeeze %dma_start3A_1738 : memref<1x128xi32, #tpu.memory_space<hbm>> -> memref<128xi32, #tpu.memory_space<hbm>>
      %dma_start3A_1740 = arith.constant 0 : i32
      %dma_start3A_1741 = tpu.memref_slice %arg10[%dma_start3A_1734, %dma_start3A_1740] : memref<3x128xi32, #tpu.memory_space<vmem>> -> memref<1x128xi32, #tpu.memory_space<vmem>>
      %dma_start3A_1742 = tpu.memref_squeeze %dma_start3A_1741 : memref<1x128xi32, #tpu.memory_space<vmem>> -> memref<128xi32, #tpu.memory_space<vmem>>
      %dma_start3A_1743 = tpu.memref_slice %arg3[%dma_start3A_1733, %add3A_1732] : memref<3x200000xi32, #tpu.memory_space<hbm>> -> memref<1x128xi32, #tpu.memory_space<hbm>>
      %dma_start3A_1744 = tpu.memref_squeeze %dma_start3A_1743 : memref<1x128xi32, #tpu.memory_space<hbm>> -> memref<128xi32, #tpu.memory_space<hbm>>
      tpu.enqueue_dma source(%dma_start3A_1744 : memref<128xi32, #tpu.memory_space<hbm>>) target(%dma_start3A_1742 : memref<128xi32, #tpu.memory_space<vmem>>) target_semaphore(%arg22 : memref<!tpu.dma_semaphore, #tpu.memory_space<semaphore_mem>>)
      %dma_start3A_1745 = arith.constant 1 : i32
      %dma_start3A_1746 = arith.constant 1 : i32
      %dma_start3A_1747 = arith.constant 0 : i32
      %dma_start3A_1748 = tpu.memref_slice %arg10[%dma_start3A_1746, %dma_start3A_1747] : memref<3x128xi32, #tpu.memory_space<vmem>> -> memref<1x128xi32, #tpu.memory_space<vmem>>
      %dma_start3A_1749 = tpu.memref_squeeze %dma_start3A_1748 : memref<1x128xi32, #tpu.memory_space<vmem>> -> memref<128xi32, #tpu.memory_space<vmem>>
      %dma_start3A_1750 = tpu.memref_slice %arg3[%dma_start3A_1745, %add3A_1732] : memref<3x200000xi32, #tpu.memory_space<hbm>> -> memref<1x128xi32, #tpu.memory_space<hbm>>
      %dma_start3A_1751 = tpu.memref_squeeze %dma_start3A_1750 : memref<1x128xi32, #tpu.memory_space<hbm>> -> memref<128xi32, #tpu.memory_space<hbm>>
      %dma_start3A_1752 = arith.constant 0 : i32
      %dma_start3A_1753 = tpu.memref_slice %arg10[%dma_start3A_1746, %dma_start3A_1752] : memref<3x128xi32, #tpu.memory_space<vmem>> -> memref<1x128xi32, #tpu.memory_space<vmem>>
      %dma_start3A_1754 = tpu.memref_squeeze %dma_start3A_1753 : memref<1x128xi32, #tpu.memory_space<vmem>> -> memref<128xi32, #tpu.memory_space<vmem>>
      %dma_start3A_1755 = tpu.memref_slice %arg3[%dma_start3A_1745, %add3A_1732] : memref<3x200000xi32, #tpu.memory_space<hbm>> -> memref<1x128xi32, #tpu.memory_space<hbm>>
      %dma_start3A_1756 = tpu.memref_squeeze %dma_start3A_1755 : memref<1x128xi32, #tpu.memory_space<hbm>> -> memref<128xi32, #tpu.memory_space<hbm>>
      tpu.enqueue_dma source(%dma_start3A_1756 : memref<128xi32, #tpu.memory_space<hbm>>) target(%dma_start3A_1754 : memref<128xi32, #tpu.memory_space<vmem>>) target_semaphore(%arg22 : memref<!tpu.dma_semaphore, #tpu.memory_space<semaphore_mem>>)
      %dma_start3A_1757 = arith.constant 2 : i32
      %dma_start3A_1758 = arith.constant 2 : i32
      %dma_start3A_1759 = arith.constant 0 : i32
      %dma_start3A_1760 = tpu.memref_slice %arg10[%dma_start3A_1758, %dma_start3A_1759] : memref<3x128xi32, #tpu.memory_space<vmem>> -> memref<1x128xi32, #tpu.memory_space<vmem>>
      %dma_start3A_1761 = tpu.memref_squeeze %dma_start3A_1760 : memref<1x128xi32, #tpu.memory_space<vmem>> -> memref<128xi32, #tpu.memory_space<vmem>>
      %dma_start3A_1762 = tpu.memref_slice %arg3[%dma_start3A_1757, %add3A_1732] : memref<3x200000xi32, #tpu.memory_space<hbm>> -> memref<1x128xi32, #tpu.memory_space<hbm>>
      %dma_start3A_1763 = tpu.memref_squeeze %dma_start3A_1762 : memref<1x128xi32, #tpu.memory_space<hbm>> -> memref<128xi32, #tpu.memory_space<hbm>>
      %dma_start3A_1764 = arith.constant 0 : i32
      %dma_start3A_1765 = tpu.memref_slice %arg10[%dma_start3A_1758, %dma_start3A_1764] : memref<3x128xi32, #tpu.memory_space<vmem>> -> memref<1x128xi32, #tpu.memory_space<vmem>>
      %dma_start3A_1766 = tpu.memref_squeeze %dma_start3A_1765 : memref<1x128xi32, #tpu.memory_space<vmem>> -> memref<128xi32, #tpu.memory_space<vmem>>
      %dma_start3A_1767 = tpu.memref_slice %arg3[%dma_start3A_1757, %add3A_1732] : memref<3x200000xi32, #tpu.memory_space<hbm>> -> memref<1x128xi32, #tpu.memory_space<hbm>>
      %dma_start3A_1768 = tpu.memref_squeeze %dma_start3A_1767 : memref<1x128xi32, #tpu.memory_space<hbm>> -> memref<128xi32, #tpu.memory_space<hbm>>
      tpu.enqueue_dma source(%dma_start3A_1768 : memref<128xi32, #tpu.memory_space<hbm>>) target(%dma_start3A_1766 : memref<128xi32, #tpu.memory_space<vmem>>) target_semaphore(%arg22 : memref<!tpu.dma_semaphore, #tpu.memory_space<semaphore_mem>>)
      %dma_wait3A_1769 = arith.constant 0 : i32
      %dma_wait3A_1770 = arith.constant 0 : i32
      %dma_wait3A_1771 = tpu.memref_slice %arg11[%dma_wait3A_1769, %dma_wait3A_1770] : memref<3x128xi32, #tpu.memory_space<vmem>> -> memref<1x128xi32, #tpu.memory_space<vmem>>
      %dma_wait3A_1772 = tpu.memref_squeeze %dma_wait3A_1771 : memref<1x128xi32, #tpu.memory_space<vmem>> -> memref<128xi32, #tpu.memory_space<vmem>>
      %dma_wait3A_1773 = arith.constant 0 : i32
      %dma_wait3A_1774 = arith.constant 0 : i32
      %dma_wait3A_1775 = tpu.memref_slice %arg2[%dma_wait3A_1773, %dma_wait3A_1774] : memref<100000x128xf32, #tpu.memory_space<hbm>> -> memref<100000x128xf32, #tpu.memory_space<hbm>>
      tpu.wait_indirect_dma semaphore(%arg17 : memref<!tpu.dma_semaphore, #tpu.memory_space<semaphore_mem>>) src(%dma_wait3A_1775 : memref<100000x128xf32, #tpu.memory_space<hbm>>) dst(%arg7 : memref<128x128xf32, #tpu.memory_space<vmem>>)
      %dma_start3A_1776 = arith.constant 1 : i32
      %dma_start3A_1777 = arith.constant 0 : i32
      %dma_start3A_1778 = tpu.memref_slice %arg11[%dma_start3A_1776, %dma_start3A_1777] : memref<3x128xi32, #tpu.memory_space<vmem>> -> memref<1x128xi32, #tpu.memory_space<vmem>>
      %dma_start3A_1779 = tpu.memref_squeeze %dma_start3A_1778 : memref<1x128xi32, #tpu.memory_space<vmem>> -> memref<128xi32, #tpu.memory_space<vmem>>
      %dma_start3A_1780 = arith.constant 0 : i32
      %dma_start3A_1781 = arith.constant 0 : i32
      %dma_start3A_1782 = tpu.memref_slice %arg2[%dma_start3A_1780, %dma_start3A_1781] : memref<100000x128xf32, #tpu.memory_space<hbm>> -> memref<100000x128xf32, #tpu.memory_space<hbm>>
      tpu.enqueue_indirect_dma source(%dma_start3A_1782 : memref<100000x128xf32, #tpu.memory_space<hbm>>) target(%arg7 : memref<128x128xf32, #tpu.memory_space<vmem>>) offsets(%dma_start3A_1779 : memref<128xi32, #tpu.memory_space<vmem>>) semaphore(%arg17 : memref<!tpu.dma_semaphore, #tpu.memory_space<semaphore_mem>>) {add = true}
      %dma_start3A_1783 = arith.constant 2 : i32
      %dma_start3A_1784 = arith.constant 0 : i32
      %dma_start3A_1785 = tpu.memref_slice %arg11[%dma_start3A_1783, %dma_start3A_1784] : memref<3x128xi32, #tpu.memory_space<vmem>> -> memref<1x128xi32, #tpu.memory_space<vmem>>
      %dma_start3A_1786 = tpu.memref_squeeze %dma_start3A_1785 : memref<1x128xi32, #tpu.memory_space<vmem>> -> memref<128xi32, #tpu.memory_space<vmem>>
      %dma_start3A_1787 = arith.constant 0 : i32
      %dma_start3A_1788 = arith.constant 0 : i32
      %dma_start3A_1789 = tpu.memref_slice %arg2[%dma_start3A_1787, %dma_start3A_1788] : memref<100000x128xf32, #tpu.memory_space<hbm>> -> memref<100000x128xf32, #tpu.memory_space<hbm>>
      tpu.enqueue_indirect_dma source(%dma_start3A_1789 : memref<100000x128xf32, #tpu.memory_space<hbm>>) target(%arg7 : memref<128x128xf32, #tpu.memory_space<vmem>>) offsets(%dma_start3A_1786 : memref<128xi32, #tpu.memory_space<vmem>>) semaphore(%arg17 : memref<!tpu.dma_semaphore, #tpu.memory_space<semaphore_mem>>) {add = true}
    }
    %scan3A_577 = arith.constant 10 : i32
    %dma_wait3A_578 = arith.constant 1 : i32
    %dma_wait3A_579 = arith.constant 0 : i32
    %dma_wait3A_580 = tpu.memref_slice %arg11[%dma_wait3A_578, %dma_wait3A_579] : memref<3x128xi32, #tpu.memory_space<vmem>> -> memref<1x128xi32, #tpu.memory_space<vmem>>
    %dma_wait3A_581 = tpu.memref_squeeze %dma_wait3A_580 : memref<1x128xi32, #tpu.memory_space<vmem>> -> memref<128xi32, #tpu.memory_space<vmem>>
    %dma_wait3A_582 = arith.constant 0 : i32
    %dma_wait3A_583 = arith.constant 0 : i32
    %dma_wait3A_584 = tpu.memref_slice %arg2[%dma_wait3A_582, %dma_wait3A_583] : memref<100000x128xf32, #tpu.memory_space<hbm>> -> memref<100000x128xf32, #tpu.memory_space<hbm>>
    tpu.wait_indirect_dma semaphore(%arg17 : memref<!tpu.dma_semaphore, #tpu.memory_space<semaphore_mem>>) src(%dma_wait3A_584 : memref<100000x128xf32, #tpu.memory_space<hbm>>) dst(%arg7 : memref<128x128xf32, #tpu.memory_space<vmem>>)
    %dma_wait3A_585 = arith.constant 2 : i32
    %dma_wait3A_586 = arith.constant 0 : i32
    %dma_wait3A_587 = tpu.memref_slice %arg11[%dma_wait3A_585, %dma_wait3A_586] : memref<3x128xi32, #tpu.memory_space<vmem>> -> memref<1x128xi32, #tpu.memory_space<vmem>>
    %dma_wait3A_588 = tpu.memref_squeeze %dma_wait3A_587 : memref<1x128xi32, #tpu.memory_space<vmem>> -> memref<128xi32, #tpu.memory_space<vmem>>
    %dma_wait3A_589 = arith.constant 0 : i32
    %dma_wait3A_590 = arith.constant 0 : i32
    %dma_wait3A_591 = tpu.memref_slice %arg2[%dma_wait3A_589, %dma_wait3A_590] : memref<100000x128xf32, #tpu.memory_space<hbm>> -> memref<100000x128xf32, #tpu.memory_space<hbm>>
    tpu.wait_indirect_dma semaphore(%arg17 : memref<!tpu.dma_semaphore, #tpu.memory_space<semaphore_mem>>) src(%dma_wait3A_591 : memref<100000x128xf32, #tpu.memory_space<hbm>>) dst(%arg7 : memref<128x128xf32, #tpu.memory_space<vmem>>)
    %add3A_592 = arith.constant 5376 : i32
    %add3A_593 = arith.addi %add3A_7, %add3A_592 : i32
    %dma_start3A_594 = arith.constant 0 : i32
    %dma_start3A_595 = tpu.memref_slice %arg4[%add3A_593, %dma_start3A_594] : memref<200000x128xf32, #tpu.memory_space<hbm>> -> memref<128x128xf32, #tpu.memory_space<hbm>>
    %dma_start3A_596 = arith.constant 0 : i32
    %dma_start3A_597 = tpu.memref_slice %arg4[%add3A_593, %dma_start3A_596] : memref<200000x128xf32, #tpu.memory_space<hbm>> -> memref<128x128xf32, #tpu.memory_space<hbm>>
    tpu.enqueue_dma source(%arg7 : memref<128x128xf32, #tpu.memory_space<vmem>>) target(%dma_start3A_597 : memref<128x128xf32, #tpu.memory_space<hbm>>) target_semaphore(%arg18 : memref<!tpu.dma_semaphore, #tpu.memory_space<semaphore_mem>>)
    %add3A_598 = arith.constant 5248 : i32
    %add3A_599 = arith.addi %add3A_7, %add3A_598 : i32
    %dma_wait3A_600 = arith.constant 0 : i32
    %dma_wait3A_601 = tpu.memref_slice %arg4[%add3A_599, %dma_wait3A_600] : memref<200000x128xf32, #tpu.memory_space<hbm>> -> memref<128x128xf32, #tpu.memory_space<hbm>>
    %dma_wait3A_602 = arith.constant 0 : i32
    %dma_wait3A_603 = tpu.memref_slice %arg4[%add3A_599, %dma_wait3A_602] : memref<200000x128xf32, #tpu.memory_space<hbm>> -> memref<128x128xf32, #tpu.memory_space<hbm>>
    tpu.wait_dma2 semaphore(%arg16 : memref<!tpu.dma_semaphore, #tpu.memory_space<semaphore_mem>>) src(%arg6 : memref<128x128xf32, #tpu.memory_space<vmem>>) dst(%dma_wait3A_603 : memref<128x128xf32, #tpu.memory_space<hbm>>)
    %add3A_604 = arith.constant 5760 : i32
    %add3A_605 = arith.addi %add3A_7, %add3A_604 : i32
    %dma_wait3A_606 = arith.constant 0 : i32
    %dma_wait3A_607 = arith.constant 0 : i32
    %dma_wait3A_608 = arith.constant 0 : i32
    %dma_wait3A_609 = tpu.memref_slice %arg10[%dma_wait3A_607, %dma_wait3A_608] : memref<3x128xi32, #tpu.memory_space<vmem>> -> memref<1x128xi32, #tpu.memory_space<vmem>>
    %dma_wait3A_610 = tpu.memref_squeeze %dma_wait3A_609 : memref<1x128xi32, #tpu.memory_space<vmem>> -> memref<128xi32, #tpu.memory_space<vmem>>
    %dma_wait3A_611 = tpu.memref_slice %arg3[%dma_wait3A_606, %add3A_605] : memref<3x200000xi32, #tpu.memory_space<hbm>> -> memref<1x128xi32, #tpu.memory_space<hbm>>
    %dma_wait3A_612 = tpu.memref_squeeze %dma_wait3A_611 : memref<1x128xi32, #tpu.memory_space<hbm>> -> memref<128xi32, #tpu.memory_space<hbm>>
    %dma_wait3A_613 = arith.constant 0 : i32
    %dma_wait3A_614 = tpu.memref_slice %arg10[%dma_wait3A_607, %dma_wait3A_613] : memref<3x128xi32, #tpu.memory_space<vmem>> -> memref<1x128xi32, #tpu.memory_space<vmem>>
    %dma_wait3A_615 = tpu.memref_squeeze %dma_wait3A_614 : memref<1x128xi32, #tpu.memory_space<vmem>> -> memref<128xi32, #tpu.memory_space<vmem>>
    %dma_wait3A_616 = tpu.memref_slice %arg3[%dma_wait3A_606, %add3A_605] : memref<3x200000xi32, #tpu.memory_space<hbm>> -> memref<1x128xi32, #tpu.memory_space<hbm>>
    %dma_wait3A_617 = tpu.memref_squeeze %dma_wait3A_616 : memref<1x128xi32, #tpu.memory_space<hbm>> -> memref<128xi32, #tpu.memory_space<hbm>>
    tpu.wait_dma2 semaphore(%arg22 : memref<!tpu.dma_semaphore, #tpu.memory_space<semaphore_mem>>) src(%dma_wait3A_617 : memref<128xi32, #tpu.memory_space<hbm>>) dst(%dma_wait3A_615 : memref<128xi32, #tpu.memory_space<vmem>>)
    %dma_wait3A_618 = arith.constant 1 : i32
    %dma_wait3A_619 = arith.constant 1 : i32
    %dma_wait3A_620 = arith.constant 0 : i32
    %dma_wait3A_621 = tpu.memref_slice %arg10[%dma_wait3A_619, %dma_wait3A_620] : memref<3x128xi32, #tpu.memory_space<vmem>> -> memref<1x128xi32, #tpu.memory_space<vmem>>
    %dma_wait3A_622 = tpu.memref_squeeze %dma_wait3A_621 : memref<1x128xi32, #tpu.memory_space<vmem>> -> memref<128xi32, #tpu.memory_space<vmem>>
    %dma_wait3A_623 = tpu.memref_slice %arg3[%dma_wait3A_618, %add3A_605] : memref<3x200000xi32, #tpu.memory_space<hbm>> -> memref<1x128xi32, #tpu.memory_space<hbm>>
    %dma_wait3A_624 = tpu.memref_squeeze %dma_wait3A_623 : memref<1x128xi32, #tpu.memory_space<hbm>> -> memref<128xi32, #tpu.memory_space<hbm>>
    %dma_wait3A_625 = arith.constant 0 : i32
    %dma_wait3A_626 = tpu.memref_slice %arg10[%dma_wait3A_619, %dma_wait3A_625] : memref<3x128xi32, #tpu.memory_space<vmem>> -> memref<1x128xi32, #tpu.memory_space<vmem>>
    %dma_wait3A_627 = tpu.memref_squeeze %dma_wait3A_626 : memref<1x128xi32, #tpu.memory_space<vmem>> -> memref<128xi32, #tpu.memory_space<vmem>>
    %dma_wait3A_628 = tpu.memref_slice %arg3[%dma_wait3A_618, %add3A_605] : memref<3x200000xi32, #tpu.memory_space<hbm>> -> memref<1x128xi32, #tpu.memory_space<hbm>>
    %dma_wait3A_629 = tpu.memref_squeeze %dma_wait3A_628 : memref<1x128xi32, #tpu.memory_space<hbm>> -> memref<128xi32, #tpu.memory_space<hbm>>
    tpu.wait_dma2 semaphore(%arg22 : memref<!tpu.dma_semaphore, #tpu.memory_space<semaphore_mem>>) src(%dma_wait3A_629 : memref<128xi32, #tpu.memory_space<hbm>>) dst(%dma_wait3A_627 : memref<128xi32, #tpu.memory_space<vmem>>)
    %dma_wait3A_630 = arith.constant 2 : i32
    %dma_wait3A_631 = arith.constant 2 : i32
    %dma_wait3A_632 = arith.constant 0 : i32
    %dma_wait3A_633 = tpu.memref_slice %arg10[%dma_wait3A_631, %dma_wait3A_632] : memref<3x128xi32, #tpu.memory_space<vmem>> -> memref<1x128xi32, #tpu.memory_space<vmem>>
    %dma_wait3A_634 = tpu.memref_squeeze %dma_wait3A_633 : memref<1x128xi32, #tpu.memory_space<vmem>> -> memref<128xi32, #tpu.memory_space<vmem>>
    %dma_wait3A_635 = tpu.memref_slice %arg3[%dma_wait3A_630, %add3A_605] : memref<3x200000xi32, #tpu.memory_space<hbm>> -> memref<1x128xi32, #tpu.memory_space<hbm>>
    %dma_wait3A_636 = tpu.memref_squeeze %dma_wait3A_635 : memref<1x128xi32, #tpu.memory_space<hbm>> -> memref<128xi32, #tpu.memory_space<hbm>>
    %dma_wait3A_637 = arith.constant 0 : i32
    %dma_wait3A_638 = tpu.memref_slice %arg10[%dma_wait3A_631, %dma_wait3A_637] : memref<3x128xi32, #tpu.memory_space<vmem>> -> memref<1x128xi32, #tpu.memory_space<vmem>>
    %dma_wait3A_639 = tpu.memref_squeeze %dma_wait3A_638 : memref<1x128xi32, #tpu.memory_space<vmem>> -> memref<128xi32, #tpu.memory_space<vmem>>
    %dma_wait3A_640 = tpu.memref_slice %arg3[%dma_wait3A_630, %add3A_605] : memref<3x200000xi32, #tpu.memory_space<hbm>> -> memref<1x128xi32, #tpu.memory_space<hbm>>
    %dma_wait3A_641 = tpu.memref_squeeze %dma_wait3A_640 : memref<1x128xi32, #tpu.memory_space<hbm>> -> memref<128xi32, #tpu.memory_space<hbm>>
    tpu.wait_dma2 semaphore(%arg22 : memref<!tpu.dma_semaphore, #tpu.memory_space<semaphore_mem>>) src(%dma_wait3A_641 : memref<128xi32, #tpu.memory_space<hbm>>) dst(%dma_wait3A_639 : memref<128xi32, #tpu.memory_space<vmem>>)
    %dma_start3A_642 = arith.constant 0 : i32
    %dma_start3A_643 = arith.constant 0 : i32
    %dma_start3A_644 = tpu.memref_slice %arg10[%dma_start3A_642, %dma_start3A_643] : memref<3x128xi32, #tpu.memory_space<vmem>> -> memref<1x128xi32, #tpu.memory_space<vmem>>
    %dma_start3A_645 = tpu.memref_squeeze %dma_start3A_644 : memref<1x128xi32, #tpu.memory_space<vmem>> -> memref<128xi32, #tpu.memory_space<vmem>>
    %dma_start3A_646 = arith.constant 0 : i32
    %dma_start3A_647 = arith.constant 0 : i32
    %dma_start3A_648 = tpu.memref_slice %arg2[%dma_start3A_646, %dma_start3A_647] : memref<100000x128xf32, #tpu.memory_space<hbm>> -> memref<100000x128xf32, #tpu.memory_space<hbm>>
    tpu.enqueue_indirect_dma source(%dma_start3A_648 : memref<100000x128xf32, #tpu.memory_space<hbm>>) target(%arg6 : memref<128x128xf32, #tpu.memory_space<vmem>>) offsets(%dma_start3A_645 : memref<128xi32, #tpu.memory_space<vmem>>) semaphore(%arg15 : memref<!tpu.dma_semaphore, #tpu.memory_space<semaphore_mem>>)
    %add3A_649 = arith.constant 5888 : i32
    %add3A_650 = arith.addi %add3A_7, %add3A_649 : i32
    %dma_start3A_651 = arith.constant 0 : i32
    %dma_start3A_652 = arith.constant 0 : i32
    %dma_start3A_653 = arith.constant 0 : i32
    %dma_start3A_654 = tpu.memref_slice %arg11[%dma_start3A_652, %dma_start3A_653] : memref<3x128xi32, #tpu.memory_space<vmem>> -> memref<1x128xi32, #tpu.memory_space<vmem>>
    %dma_start3A_655 = tpu.memref_squeeze %dma_start3A_654 : memref<1x128xi32, #tpu.memory_space<vmem>> -> memref<128xi32, #tpu.memory_space<vmem>>
    %dma_start3A_656 = tpu.memref_slice %arg3[%dma_start3A_651, %add3A_650] : memref<3x200000xi32, #tpu.memory_space<hbm>> -> memref<1x128xi32, #tpu.memory_space<hbm>>
    %dma_start3A_657 = tpu.memref_squeeze %dma_start3A_656 : memref<1x128xi32, #tpu.memory_space<hbm>> -> memref<128xi32, #tpu.memory_space<hbm>>
    %dma_start3A_658 = arith.constant 0 : i32
    %dma_start3A_659 = tpu.memref_slice %arg11[%dma_start3A_652, %dma_start3A_658] : memref<3x128xi32, #tpu.memory_space<vmem>> -> memref<1x128xi32, #tpu.memory_space<vmem>>
    %dma_start3A_660 = tpu.memref_squeeze %dma_start3A_659 : memref<1x128xi32, #tpu.memory_space<vmem>> -> memref<128xi32, #tpu.memory_space<vmem>>
    %dma_start3A_661 = tpu.memref_slice %arg3[%dma_start3A_651, %add3A_650] : memref<3x200000xi32, #tpu.memory_space<hbm>> -> memref<1x128xi32, #tpu.memory_space<hbm>>
    %dma_start3A_662 = tpu.memref_squeeze %dma_start3A_661 : memref<1x128xi32, #tpu.memory_space<hbm>> -> memref<128xi32, #tpu.memory_space<hbm>>
    tpu.enqueue_dma source(%dma_start3A_662 : memref<128xi32, #tpu.memory_space<hbm>>) target(%dma_start3A_660 : memref<128xi32, #tpu.memory_space<vmem>>) target_semaphore(%arg23 : memref<!tpu.dma_semaphore, #tpu.memory_space<semaphore_mem>>)
    %dma_start3A_663 = arith.constant 1 : i32
    %dma_start3A_664 = arith.constant 1 : i32
    %dma_start3A_665 = arith.constant 0 : i32
    %dma_start3A_666 = tpu.memref_slice %arg11[%dma_start3A_664, %dma_start3A_665] : memref<3x128xi32, #tpu.memory_space<vmem>> -> memref<1x128xi32, #tpu.memory_space<vmem>>
    %dma_start3A_667 = tpu.memref_squeeze %dma_start3A_666 : memref<1x128xi32, #tpu.memory_space<vmem>> -> memref<128xi32, #tpu.memory_space<vmem>>
    %dma_start3A_668 = tpu.memref_slice %arg3[%dma_start3A_663, %add3A_650] : memref<3x200000xi32, #tpu.memory_space<hbm>> -> memref<1x128xi32, #tpu.memory_space<hbm>>
    %dma_start3A_669 = tpu.memref_squeeze %dma_start3A_668 : memref<1x128xi32, #tpu.memory_space<hbm>> -> memref<128xi32, #tpu.memory_space<hbm>>
    %dma_start3A_670 = arith.constant 0 : i32
    %dma_start3A_671 = tpu.memref_slice %arg11[%dma_start3A_664, %dma_start3A_670] : memref<3x128xi32, #tpu.memory_space<vmem>> -> memref<1x128xi32, #tpu.memory_space<vmem>>
    %dma_start3A_672 = tpu.memref_squeeze %dma_start3A_671 : memref<1x128xi32, #tpu.memory_space<vmem>> -> memref<128xi32, #tpu.memory_space<vmem>>
    %dma_start3A_673 = tpu.memref_slice %arg3[%dma_start3A_663, %add3A_650] : memref<3x200000xi32, #tpu.memory_space<hbm>> -> memref<1x128xi32, #tpu.memory_space<hbm>>
    %dma_start3A_674 = tpu.memref_squeeze %dma_start3A_673 : memref<1x128xi32, #tpu.memory_space<hbm>> -> memref<128xi32, #tpu.memory_space<hbm>>
    tpu.enqueue_dma source(%dma_start3A_674 : memref<128xi32, #tpu.memory_space<hbm>>) target(%dma_start3A_672 : memref<128xi32, #tpu.memory_space<vmem>>) target_semaphore(%arg23 : memref<!tpu.dma_semaphore, #tpu.memory_space<semaphore_mem>>)
    %dma_start3A_675 = arith.constant 2 : i32
    %dma_start3A_676 = arith.constant 2 : i32
    %dma_start3A_677 = arith.constant 0 : i32
    %dma_start3A_678 = tpu.memref_slice %arg11[%dma_start3A_676, %dma_start3A_677] : memref<3x128xi32, #tpu.memory_space<vmem>> -> memref<1x128xi32, #tpu.memory_space<vmem>>
    %dma_start3A_679 = tpu.memref_squeeze %dma_start3A_678 : memref<1x128xi32, #tpu.memory_space<vmem>> -> memref<128xi32, #tpu.memory_space<vmem>>
    %dma_start3A_680 = tpu.memref_slice %arg3[%dma_start3A_675, %add3A_650] : memref<3x200000xi32, #tpu.memory_space<hbm>> -> memref<1x128xi32, #tpu.memory_space<hbm>>
    %dma_start3A_681 = tpu.memref_squeeze %dma_start3A_680 : memref<1x128xi32, #tpu.memory_space<hbm>> -> memref<128xi32, #tpu.memory_space<hbm>>
    %dma_start3A_682 = arith.constant 0 : i32
    %dma_start3A_683 = tpu.memref_slice %arg11[%dma_start3A_676, %dma_start3A_682] : memref<3x128xi32, #tpu.memory_space<vmem>> -> memref<1x128xi32, #tpu.memory_space<vmem>>
    %dma_start3A_684 = tpu.memref_squeeze %dma_start3A_683 : memref<1x128xi32, #tpu.memory_space<vmem>> -> memref<128xi32, #tpu.memory_space<vmem>>
    %dma_start3A_685 = tpu.memref_slice %arg3[%dma_start3A_675, %add3A_650] : memref<3x200000xi32, #tpu.memory_space<hbm>> -> memref<1x128xi32, #tpu.memory_space<hbm>>
    %dma_start3A_686 = tpu.memref_squeeze %dma_start3A_685 : memref<1x128xi32, #tpu.memory_space<hbm>> -> memref<128xi32, #tpu.memory_space<hbm>>
    tpu.enqueue_dma source(%dma_start3A_686 : memref<128xi32, #tpu.memory_space<hbm>>) target(%dma_start3A_684 : memref<128xi32, #tpu.memory_space<vmem>>) target_semaphore(%arg23 : memref<!tpu.dma_semaphore, #tpu.memory_space<semaphore_mem>>)
    %dma_wait3A_687 = arith.constant 0 : i32
    %dma_wait3A_688 = arith.constant 0 : i32
    %dma_wait3A_689 = tpu.memref_slice %arg12[%dma_wait3A_687, %dma_wait3A_688] : memref<3x128xi32, #tpu.memory_space<vmem>> -> memref<1x128xi32, #tpu.memory_space<vmem>>
    %dma_wait3A_690 = tpu.memref_squeeze %dma_wait3A_689 : memref<1x128xi32, #tpu.memory_space<vmem>> -> memref<128xi32, #tpu.memory_space<vmem>>
    %dma_wait3A_691 = arith.constant 0 : i32
    %dma_wait3A_692 = arith.constant 0 : i32
    %dma_wait3A_693 = tpu.memref_slice %arg2[%dma_wait3A_691, %dma_wait3A_692] : memref<100000x128xf32, #tpu.memory_space<hbm>> -> memref<100000x128xf32, #tpu.memory_space<hbm>>
    tpu.wait_indirect_dma semaphore(%arg19 : memref<!tpu.dma_semaphore, #tpu.memory_space<semaphore_mem>>) src(%dma_wait3A_693 : memref<100000x128xf32, #tpu.memory_space<hbm>>) dst(%arg8 : memref<128x128xf32, #tpu.memory_space<vmem>>)
    %dma_start3A_694 = arith.constant 1 : i32
    %dma_start3A_695 = arith.constant 0 : i32
    %dma_start3A_696 = tpu.memref_slice %arg12[%dma_start3A_694, %dma_start3A_695] : memref<3x128xi32, #tpu.memory_space<vmem>> -> memref<1x128xi32, #tpu.memory_space<vmem>>
    %dma_start3A_697 = tpu.memref_squeeze %dma_start3A_696 : memref<1x128xi32, #tpu.memory_space<vmem>> -> memref<128xi32, #tpu.memory_space<vmem>>
    %dma_start3A_698 = arith.constant 0 : i32
    %dma_start3A_699 = arith.constant 0 : i32
    %dma_start3A_700 = tpu.memref_slice %arg2[%dma_start3A_698, %dma_start3A_699] : memref<100000x128xf32, #tpu.memory_space<hbm>> -> memref<100000x128xf32, #tpu.memory_space<hbm>>
    tpu.enqueue_indirect_dma source(%dma_start3A_700 : memref<100000x128xf32, #tpu.memory_space<hbm>>) target(%arg8 : memref<128x128xf32, #tpu.memory_space<vmem>>) offsets(%dma_start3A_697 : memref<128xi32, #tpu.memory_space<vmem>>) semaphore(%arg19 : memref<!tpu.dma_semaphore, #tpu.memory_space<semaphore_mem>>) {add = true}
    %dma_start3A_701 = arith.constant 2 : i32
    %dma_start3A_702 = arith.constant 0 : i32
    %dma_start3A_703 = tpu.memref_slice %arg12[%dma_start3A_701, %dma_start3A_702] : memref<3x128xi32, #tpu.memory_space<vmem>> -> memref<1x128xi32, #tpu.memory_space<vmem>>
    %dma_start3A_704 = tpu.memref_squeeze %dma_start3A_703 : memref<1x128xi32, #tpu.memory_space<vmem>> -> memref<128xi32, #tpu.memory_space<vmem>>
    %dma_start3A_705 = arith.constant 0 : i32
    %dma_start3A_706 = arith.constant 0 : i32
    %dma_start3A_707 = tpu.memref_slice %arg2[%dma_start3A_705, %dma_start3A_706] : memref<100000x128xf32, #tpu.memory_space<hbm>> -> memref<100000x128xf32, #tpu.memory_space<hbm>>
    tpu.enqueue_indirect_dma source(%dma_start3A_707 : memref<100000x128xf32, #tpu.memory_space<hbm>>) target(%arg8 : memref<128x128xf32, #tpu.memory_space<vmem>>) offsets(%dma_start3A_704 : memref<128xi32, #tpu.memory_space<vmem>>) semaphore(%arg19 : memref<!tpu.dma_semaphore, #tpu.memory_space<semaphore_mem>>) {add = true}
    %dma_wait3A_708 = arith.constant 1 : i32
    %dma_wait3A_709 = arith.constant 0 : i32
    %dma_wait3A_710 = tpu.memref_slice %arg12[%dma_wait3A_708, %dma_wait3A_709] : memref<3x128xi32, #tpu.memory_space<vmem>> -> memref<1x128xi32, #tpu.memory_space<vmem>>
    %dma_wait3A_711 = tpu.memref_squeeze %dma_wait3A_710 : memref<1x128xi32, #tpu.memory_space<vmem>> -> memref<128xi32, #tpu.memory_space<vmem>>
    %dma_wait3A_712 = arith.constant 0 : i32
    %dma_wait3A_713 = arith.constant 0 : i32
    %dma_wait3A_714 = tpu.memref_slice %arg2[%dma_wait3A_712, %dma_wait3A_713] : memref<100000x128xf32, #tpu.memory_space<hbm>> -> memref<100000x128xf32, #tpu.memory_space<hbm>>
    tpu.wait_indirect_dma semaphore(%arg19 : memref<!tpu.dma_semaphore, #tpu.memory_space<semaphore_mem>>) src(%dma_wait3A_714 : memref<100000x128xf32, #tpu.memory_space<hbm>>) dst(%arg8 : memref<128x128xf32, #tpu.memory_space<vmem>>)
    %dma_wait3A_715 = arith.constant 2 : i32
    %dma_wait3A_716 = arith.constant 0 : i32
    %dma_wait3A_717 = tpu.memref_slice %arg12[%dma_wait3A_715, %dma_wait3A_716] : memref<3x128xi32, #tpu.memory_space<vmem>> -> memref<1x128xi32, #tpu.memory_space<vmem>>
    %dma_wait3A_718 = tpu.memref_squeeze %dma_wait3A_717 : memref<1x128xi32, #tpu.memory_space<vmem>> -> memref<128xi32, #tpu.memory_space<vmem>>
    %dma_wait3A_719 = arith.constant 0 : i32
    %dma_wait3A_720 = arith.constant 0 : i32
    %dma_wait3A_721 = tpu.memref_slice %arg2[%dma_wait3A_719, %dma_wait3A_720] : memref<100000x128xf32, #tpu.memory_space<hbm>> -> memref<100000x128xf32, #tpu.memory_space<hbm>>
    tpu.wait_indirect_dma semaphore(%arg19 : memref<!tpu.dma_semaphore, #tpu.memory_space<semaphore_mem>>) src(%dma_wait3A_721 : memref<100000x128xf32, #tpu.memory_space<hbm>>) dst(%arg8 : memref<128x128xf32, #tpu.memory_space<vmem>>)
    %add3A_722 = arith.constant 5504 : i32
    %add3A_723 = arith.addi %add3A_7, %add3A_722 : i32
    %dma_start3A_724 = arith.constant 0 : i32
    %dma_start3A_725 = tpu.memref_slice %arg4[%add3A_723, %dma_start3A_724] : memref<200000x128xf32, #tpu.memory_space<hbm>> -> memref<128x128xf32, #tpu.memory_space<hbm>>
    %dma_start3A_726 = arith.constant 0 : i32
    %dma_start3A_727 = tpu.memref_slice %arg4[%add3A_723, %dma_start3A_726] : memref<200000x128xf32, #tpu.memory_space<hbm>> -> memref<128x128xf32, #tpu.memory_space<hbm>>
    tpu.enqueue_dma source(%arg8 : memref<128x128xf32, #tpu.memory_space<vmem>>) target(%dma_start3A_727 : memref<128x128xf32, #tpu.memory_space<hbm>>) target_semaphore(%arg20 : memref<!tpu.dma_semaphore, #tpu.memory_space<semaphore_mem>>)
    %add3A_728 = arith.constant 5376 : i32
    %add3A_729 = arith.addi %add3A_7, %add3A_728 : i32
    %dma_wait3A_730 = arith.constant 0 : i32
    %dma_wait3A_731 = tpu.memref_slice %arg4[%add3A_729, %dma_wait3A_730] : memref<200000x128xf32, #tpu.memory_space<hbm>> -> memref<128x128xf32, #tpu.memory_space<hbm>>
    %dma_wait3A_732 = arith.constant 0 : i32
    %dma_wait3A_733 = tpu.memref_slice %arg4[%add3A_729, %dma_wait3A_732] : memref<200000x128xf32, #tpu.memory_space<hbm>> -> memref<128x128xf32, #tpu.memory_space<hbm>>
    tpu.wait_dma2 semaphore(%arg18 : memref<!tpu.dma_semaphore, #tpu.memory_space<semaphore_mem>>) src(%arg7 : memref<128x128xf32, #tpu.memory_space<vmem>>) dst(%dma_wait3A_733 : memref<128x128xf32, #tpu.memory_space<hbm>>)
    %add3A_734 = arith.constant 5888 : i32
    %add3A_735 = arith.addi %add3A_7, %add3A_734 : i32
    %dma_wait3A_736 = arith.constant 0 : i32
    %dma_wait3A_737 = arith.constant 0 : i32
    %dma_wait3A_738 = arith.constant 0 : i32
    %dma_wait3A_739 = tpu.memref_slice %arg11[%dma_wait3A_737, %dma_wait3A_738] : memref<3x128xi32, #tpu.memory_space<vmem>> -> memref<1x128xi32, #tpu.memory_space<vmem>>
    %dma_wait3A_740 = tpu.memref_squeeze %dma_wait3A_739 : memref<1x128xi32, #tpu.memory_space<vmem>> -> memref<128xi32, #tpu.memory_space<vmem>>
    %dma_wait3A_741 = tpu.memref_slice %arg3[%dma_wait3A_736, %add3A_735] : memref<3x200000xi32, #tpu.memory_space<hbm>> -> memref<1x128xi32, #tpu.memory_space<hbm>>
    %dma_wait3A_742 = tpu.memref_squeeze %dma_wait3A_741 : memref<1x128xi32, #tpu.memory_space<hbm>> -> memref<128xi32, #tpu.memory_space<hbm>>
    %dma_wait3A_743 = arith.constant 0 : i32
    %dma_wait3A_744 = tpu.memref_slice %arg11[%dma_wait3A_737, %dma_wait3A_743] : memref<3x128xi32, #tpu.memory_space<vmem>> -> memref<1x128xi32, #tpu.memory_space<vmem>>
    %dma_wait3A_745 = tpu.memref_squeeze %dma_wait3A_744 : memref<1x128xi32, #tpu.memory_space<vmem>> -> memref<128xi32, #tpu.memory_space<vmem>>
    %dma_wait3A_746 = tpu.memref_slice %arg3[%dma_wait3A_736, %add3A_735] : memref<3x200000xi32, #tpu.memory_space<hbm>> -> memref<1x128xi32, #tpu.memory_space<hbm>>
    %dma_wait3A_747 = tpu.memref_squeeze %dma_wait3A_746 : memref<1x128xi32, #tpu.memory_space<hbm>> -> memref<128xi32, #tpu.memory_space<hbm>>
    tpu.wait_dma2 semaphore(%arg23 : memref<!tpu.dma_semaphore, #tpu.memory_space<semaphore_mem>>) src(%dma_wait3A_747 : memref<128xi32, #tpu.memory_space<hbm>>) dst(%dma_wait3A_745 : memref<128xi32, #tpu.memory_space<vmem>>)
    %dma_wait3A_748 = arith.constant 1 : i32
    %dma_wait3A_749 = arith.constant 1 : i32
    %dma_wait3A_750 = arith.constant 0 : i32
    %dma_wait3A_751 = tpu.memref_slice %arg11[%dma_wait3A_749, %dma_wait3A_750] : memref<3x128xi32, #tpu.memory_space<vmem>> -> memref<1x128xi32, #tpu.memory_space<vmem>>
    %dma_wait3A_752 = tpu.memref_squeeze %dma_wait3A_751 : memref<1x128xi32, #tpu.memory_space<vmem>> -> memref<128xi32, #tpu.memory_space<vmem>>
    %dma_wait3A_753 = tpu.memref_slice %arg3[%dma_wait3A_748, %add3A_735] : memref<3x200000xi32, #tpu.memory_space<hbm>> -> memref<1x128xi32, #tpu.memory_space<hbm>>
    %dma_wait3A_754 = tpu.memref_squeeze %dma_wait3A_753 : memref<1x128xi32, #tpu.memory_space<hbm>> -> memref<128xi32, #tpu.memory_space<hbm>>
    %dma_wait3A_755 = arith.constant 0 : i32
    %dma_wait3A_756 = tpu.memref_slice %arg11[%dma_wait3A_749, %dma_wait3A_755] : memref<3x128xi32, #tpu.memory_space<vmem>> -> memref<1x128xi32, #tpu.memory_space<vmem>>
    %dma_wait3A_757 = tpu.memref_squeeze %dma_wait3A_756 : memref<1x128xi32, #tpu.memory_space<vmem>> -> memref<128xi32, #tpu.memory_space<vmem>>
    %dma_wait3A_758 = tpu.memref_slice %arg3[%dma_wait3A_748, %add3A_735] : memref<3x200000xi32, #tpu.memory_space<hbm>> -> memref<1x128xi32, #tpu.memory_space<hbm>>
    %dma_wait3A_759 = tpu.memref_squeeze %dma_wait3A_758 : memref<1x128xi32, #tpu.memory_space<hbm>> -> memref<128xi32, #tpu.memory_space<hbm>>
    tpu.wait_dma2 semaphore(%arg23 : memref<!tpu.dma_semaphore, #tpu.memory_space<semaphore_mem>>) src(%dma_wait3A_759 : memref<128xi32, #tpu.memory_space<hbm>>) dst(%dma_wait3A_757 : memref<128xi32, #tpu.memory_space<vmem>>)
    %dma_wait3A_760 = arith.constant 2 : i32
    %dma_wait3A_761 = arith.constant 2 : i32
    %dma_wait3A_762 = arith.constant 0 : i32
    %dma_wait3A_763 = tpu.memref_slice %arg11[%dma_wait3A_761, %dma_wait3A_762] : memref<3x128xi32, #tpu.memory_space<vmem>> -> memref<1x128xi32, #tpu.memory_space<vmem>>
    %dma_wait3A_764 = tpu.memref_squeeze %dma_wait3A_763 : memref<1x128xi32, #tpu.memory_space<vmem>> -> memref<128xi32, #tpu.memory_space<vmem>>
    %dma_wait3A_765 = tpu.memref_slice %arg3[%dma_wait3A_760, %add3A_735] : memref<3x200000xi32, #tpu.memory_space<hbm>> -> memref<1x128xi32, #tpu.memory_space<hbm>>
    %dma_wait3A_766 = tpu.memref_squeeze %dma_wait3A_765 : memref<1x128xi32, #tpu.memory_space<hbm>> -> memref<128xi32, #tpu.memory_space<hbm>>
    %dma_wait3A_767 = arith.constant 0 : i32
    %dma_wait3A_768 = tpu.memref_slice %arg11[%dma_wait3A_761, %dma_wait3A_767] : memref<3x128xi32, #tpu.memory_space<vmem>> -> memref<1x128xi32, #tpu.memory_space<vmem>>
    %dma_wait3A_769 = tpu.memref_squeeze %dma_wait3A_768 : memref<1x128xi32, #tpu.memory_space<vmem>> -> memref<128xi32, #tpu.memory_space<vmem>>
    %dma_wait3A_770 = tpu.memref_slice %arg3[%dma_wait3A_760, %add3A_735] : memref<3x200000xi32, #tpu.memory_space<hbm>> -> memref<1x128xi32, #tpu.memory_space<hbm>>
    %dma_wait3A_771 = tpu.memref_squeeze %dma_wait3A_770 : memref<1x128xi32, #tpu.memory_space<hbm>> -> memref<128xi32, #tpu.memory_space<hbm>>
    tpu.wait_dma2 semaphore(%arg23 : memref<!tpu.dma_semaphore, #tpu.memory_space<semaphore_mem>>) src(%dma_wait3A_771 : memref<128xi32, #tpu.memory_space<hbm>>) dst(%dma_wait3A_769 : memref<128xi32, #tpu.memory_space<vmem>>)
    %dma_start3A_772 = arith.constant 0 : i32
    %dma_start3A_773 = arith.constant 0 : i32
    %dma_start3A_774 = tpu.memref_slice %arg11[%dma_start3A_772, %dma_start3A_773] : memref<3x128xi32, #tpu.memory_space<vmem>> -> memref<1x128xi32, #tpu.memory_space<vmem>>
    %dma_start3A_775 = tpu.memref_squeeze %dma_start3A_774 : memref<1x128xi32, #tpu.memory_space<vmem>> -> memref<128xi32, #tpu.memory_space<vmem>>
    %dma_start3A_776 = arith.constant 0 : i32
    %dma_start3A_777 = arith.constant 0 : i32
    %dma_start3A_778 = tpu.memref_slice %arg2[%dma_start3A_776, %dma_start3A_777] : memref<100000x128xf32, #tpu.memory_space<hbm>> -> memref<100000x128xf32, #tpu.memory_space<hbm>>
    tpu.enqueue_indirect_dma source(%dma_start3A_778 : memref<100000x128xf32, #tpu.memory_space<hbm>>) target(%arg7 : memref<128x128xf32, #tpu.memory_space<vmem>>) offsets(%dma_start3A_775 : memref<128xi32, #tpu.memory_space<vmem>>) semaphore(%arg17 : memref<!tpu.dma_semaphore, #tpu.memory_space<semaphore_mem>>)
    %add3A_779 = arith.constant 6016 : i32
    %add3A_780 = arith.addi %add3A_7, %add3A_779 : i32
    %dma_start3A_781 = arith.constant 0 : i32
    %dma_start3A_782 = arith.constant 0 : i32
    %dma_start3A_783 = arith.constant 0 : i32
    %dma_start3A_784 = tpu.memref_slice %arg12[%dma_start3A_782, %dma_start3A_783] : memref<3x128xi32, #tpu.memory_space<vmem>> -> memref<1x128xi32, #tpu.memory_space<vmem>>
    %dma_start3A_785 = tpu.memref_squeeze %dma_start3A_784 : memref<1x128xi32, #tpu.memory_space<vmem>> -> memref<128xi32, #tpu.memory_space<vmem>>
    %dma_start3A_786 = tpu.memref_slice %arg3[%dma_start3A_781, %add3A_780] : memref<3x200000xi32, #tpu.memory_space<hbm>> -> memref<1x128xi32, #tpu.memory_space<hbm>>
    %dma_start3A_787 = tpu.memref_squeeze %dma_start3A_786 : memref<1x128xi32, #tpu.memory_space<hbm>> -> memref<128xi32, #tpu.memory_space<hbm>>
    %dma_start3A_788 = arith.constant 0 : i32
    %dma_start3A_789 = tpu.memref_slice %arg12[%dma_start3A_782, %dma_start3A_788] : memref<3x128xi32, #tpu.memory_space<vmem>> -> memref<1x128xi32, #tpu.memory_space<vmem>>
    %dma_start3A_790 = tpu.memref_squeeze %dma_start3A_789 : memref<1x128xi32, #tpu.memory_space<vmem>> -> memref<128xi32, #tpu.memory_space<vmem>>
    %dma_start3A_791 = tpu.memref_slice %arg3[%dma_start3A_781, %add3A_780] : memref<3x200000xi32, #tpu.memory_space<hbm>> -> memref<1x128xi32, #tpu.memory_space<hbm>>
    %dma_start3A_792 = tpu.memref_squeeze %dma_start3A_791 : memref<1x128xi32, #tpu.memory_space<hbm>> -> memref<128xi32, #tpu.memory_space<hbm>>
    tpu.enqueue_dma source(%dma_start3A_792 : memref<128xi32, #tpu.memory_space<hbm>>) target(%dma_start3A_790 : memref<128xi32, #tpu.memory_space<vmem>>) target_semaphore(%arg24 : memref<!tpu.dma_semaphore, #tpu.memory_space<semaphore_mem>>)
    %dma_start3A_793 = arith.constant 1 : i32
    %dma_start3A_794 = arith.constant 1 : i32
    %dma_start3A_795 = arith.constant 0 : i32
    %dma_start3A_796 = tpu.memref_slice %arg12[%dma_start3A_794, %dma_start3A_795] : memref<3x128xi32, #tpu.memory_space<vmem>> -> memref<1x128xi32, #tpu.memory_space<vmem>>
    %dma_start3A_797 = tpu.memref_squeeze %dma_start3A_796 : memref<1x128xi32, #tpu.memory_space<vmem>> -> memref<128xi32, #tpu.memory_space<vmem>>
    %dma_start3A_798 = tpu.memref_slice %arg3[%dma_start3A_793, %add3A_780] : memref<3x200000xi32, #tpu.memory_space<hbm>> -> memref<1x128xi32, #tpu.memory_space<hbm>>
    %dma_start3A_799 = tpu.memref_squeeze %dma_start3A_798 : memref<1x128xi32, #tpu.memory_space<hbm>> -> memref<128xi32, #tpu.memory_space<hbm>>
    %dma_start3A_800 = arith.constant 0 : i32
    %dma_start3A_801 = tpu.memref_slice %arg12[%dma_start3A_794, %dma_start3A_800] : memref<3x128xi32, #tpu.memory_space<vmem>> -> memref<1x128xi32, #tpu.memory_space<vmem>>
    %dma_start3A_802 = tpu.memref_squeeze %dma_start3A_801 : memref<1x128xi32, #tpu.memory_space<vmem>> -> memref<128xi32, #tpu.memory_space<vmem>>
    %dma_start3A_803 = tpu.memref_slice %arg3[%dma_start3A_793, %add3A_780] : memref<3x200000xi32, #tpu.memory_space<hbm>> -> memref<1x128xi32, #tpu.memory_space<hbm>>
    %dma_start3A_804 = tpu.memref_squeeze %dma_start3A_803 : memref<1x128xi32, #tpu.memory_space<hbm>> -> memref<128xi32, #tpu.memory_space<hbm>>
    tpu.enqueue_dma source(%dma_start3A_804 : memref<128xi32, #tpu.memory_space<hbm>>) target(%dma_start3A_802 : memref<128xi32, #tpu.memory_space<vmem>>) target_semaphore(%arg24 : memref<!tpu.dma_semaphore, #tpu.memory_space<semaphore_mem>>)
    %dma_start3A_805 = arith.constant 2 : i32
    %dma_start3A_806 = arith.constant 2 : i32
    %dma_start3A_807 = arith.constant 0 : i32
    %dma_start3A_808 = tpu.memref_slice %arg12[%dma_start3A_806, %dma_start3A_807] : memref<3x128xi32, #tpu.memory_space<vmem>> -> memref<1x128xi32, #tpu.memory_space<vmem>>
    %dma_start3A_809 = tpu.memref_squeeze %dma_start3A_808 : memref<1x128xi32, #tpu.memory_space<vmem>> -> memref<128xi32, #tpu.memory_space<vmem>>
    %dma_start3A_810 = tpu.memref_slice %arg3[%dma_start3A_805, %add3A_780] : memref<3x200000xi32, #tpu.memory_space<hbm>> -> memref<1x128xi32, #tpu.memory_space<hbm>>
    %dma_start3A_811 = tpu.memref_squeeze %dma_start3A_810 : memref<1x128xi32, #tpu.memory_space<hbm>> -> memref<128xi32, #tpu.memory_space<hbm>>
    %dma_start3A_812 = arith.constant 0 : i32
    %dma_start3A_813 = tpu.memref_slice %arg12[%dma_start3A_806, %dma_start3A_812] : memref<3x128xi32, #tpu.memory_space<vmem>> -> memref<1x128xi32, #tpu.memory_space<vmem>>
    %dma_start3A_814 = tpu.memref_squeeze %dma_start3A_813 : memref<1x128xi32, #tpu.memory_space<vmem>> -> memref<128xi32, #tpu.memory_space<vmem>>
    %dma_start3A_815 = tpu.memref_slice %arg3[%dma_start3A_805, %add3A_780] : memref<3x200000xi32, #tpu.memory_space<hbm>> -> memref<1x128xi32, #tpu.memory_space<hbm>>
    %dma_start3A_816 = tpu.memref_squeeze %dma_start3A_815 : memref<1x128xi32, #tpu.memory_space<hbm>> -> memref<128xi32, #tpu.memory_space<hbm>>
    tpu.enqueue_dma source(%dma_start3A_816 : memref<128xi32, #tpu.memory_space<hbm>>) target(%dma_start3A_814 : memref<128xi32, #tpu.memory_space<vmem>>) target_semaphore(%arg24 : memref<!tpu.dma_semaphore, #tpu.memory_space<semaphore_mem>>)
    %dma_wait3A_817 = arith.constant 0 : i32
    %dma_wait3A_818 = arith.constant 0 : i32
    %dma_wait3A_819 = tpu.memref_slice %arg9[%dma_wait3A_817, %dma_wait3A_818] : memref<3x128xi32, #tpu.memory_space<vmem>> -> memref<1x128xi32, #tpu.memory_space<vmem>>
    %dma_wait3A_820 = tpu.memref_squeeze %dma_wait3A_819 : memref<1x128xi32, #tpu.memory_space<vmem>> -> memref<128xi32, #tpu.memory_space<vmem>>
    %dma_wait3A_821 = arith.constant 0 : i32
    %dma_wait3A_822 = arith.constant 0 : i32
    %dma_wait3A_823 = tpu.memref_slice %arg2[%dma_wait3A_821, %dma_wait3A_822] : memref<100000x128xf32, #tpu.memory_space<hbm>> -> memref<100000x128xf32, #tpu.memory_space<hbm>>
    tpu.wait_indirect_dma semaphore(%arg13 : memref<!tpu.dma_semaphore, #tpu.memory_space<semaphore_mem>>) src(%dma_wait3A_823 : memref<100000x128xf32, #tpu.memory_space<hbm>>) dst(%arg5 : memref<128x128xf32, #tpu.memory_space<vmem>>)
    %dma_start3A_824 = arith.constant 1 : i32
    %dma_start3A_825 = arith.constant 0 : i32
    %dma_start3A_826 = tpu.memref_slice %arg9[%dma_start3A_824, %dma_start3A_825] : memref<3x128xi32, #tpu.memory_space<vmem>> -> memref<1x128xi32, #tpu.memory_space<vmem>>
    %dma_start3A_827 = tpu.memref_squeeze %dma_start3A_826 : memref<1x128xi32, #tpu.memory_space<vmem>> -> memref<128xi32, #tpu.memory_space<vmem>>
    %dma_start3A_828 = arith.constant 0 : i32
    %dma_start3A_829 = arith.constant 0 : i32
    %dma_start3A_830 = tpu.memref_slice %arg2[%dma_start3A_828, %dma_start3A_829] : memref<100000x128xf32, #tpu.memory_space<hbm>> -> memref<100000x128xf32, #tpu.memory_space<hbm>>
    tpu.enqueue_indirect_dma source(%dma_start3A_830 : memref<100000x128xf32, #tpu.memory_space<hbm>>) target(%arg5 : memref<128x128xf32, #tpu.memory_space<vmem>>) offsets(%dma_start3A_827 : memref<128xi32, #tpu.memory_space<vmem>>) semaphore(%arg13 : memref<!tpu.dma_semaphore, #tpu.memory_space<semaphore_mem>>) {add = true}
    %dma_start3A_831 = arith.constant 2 : i32
    %dma_start3A_832 = arith.constant 0 : i32
    %dma_start3A_833 = tpu.memref_slice %arg9[%dma_start3A_831, %dma_start3A_832] : memref<3x128xi32, #tpu.memory_space<vmem>> -> memref<1x128xi32, #tpu.memory_space<vmem>>
    %dma_start3A_834 = tpu.memref_squeeze %dma_start3A_833 : memref<1x128xi32, #tpu.memory_space<vmem>> -> memref<128xi32, #tpu.memory_space<vmem>>
    %dma_start3A_835 = arith.constant 0 : i32
    %dma_start3A_836 = arith.constant 0 : i32
    %dma_start3A_837 = tpu.memref_slice %arg2[%dma_start3A_835, %dma_start3A_836] : memref<100000x128xf32, #tpu.memory_space<hbm>> -> memref<100000x128xf32, #tpu.memory_space<hbm>>
    tpu.enqueue_indirect_dma source(%dma_start3A_837 : memref<100000x128xf32, #tpu.memory_space<hbm>>) target(%arg5 : memref<128x128xf32, #tpu.memory_space<vmem>>) offsets(%dma_start3A_834 : memref<128xi32, #tpu.memory_space<vmem>>) semaphore(%arg13 : memref<!tpu.dma_semaphore, #tpu.memory_space<semaphore_mem>>) {add = true}
    %dma_wait3A_838 = arith.constant 1 : i32
    %dma_wait3A_839 = arith.constant 0 : i32
    %dma_wait3A_840 = tpu.memref_slice %arg9[%dma_wait3A_838, %dma_wait3A_839] : memref<3x128xi32, #tpu.memory_space<vmem>> -> memref<1x128xi32, #tpu.memory_space<vmem>>
    %dma_wait3A_841 = tpu.memref_squeeze %dma_wait3A_840 : memref<1x128xi32, #tpu.memory_space<vmem>> -> memref<128xi32, #tpu.memory_space<vmem>>
    %dma_wait3A_842 = arith.constant 0 : i32
    %dma_wait3A_843 = arith.constant 0 : i32
    %dma_wait3A_844 = tpu.memref_slice %arg2[%dma_wait3A_842, %dma_wait3A_843] : memref<100000x128xf32, #tpu.memory_space<hbm>> -> memref<100000x128xf32, #tpu.memory_space<hbm>>
    tpu.wait_indirect_dma semaphore(%arg13 : memref<!tpu.dma_semaphore, #tpu.memory_space<semaphore_mem>>) src(%dma_wait3A_844 : memref<100000x128xf32, #tpu.memory_space<hbm>>) dst(%arg5 : memref<128x128xf32, #tpu.memory_space<vmem>>)
    %dma_wait3A_845 = arith.constant 2 : i32
    %dma_wait3A_846 = arith.constant 0 : i32
    %dma_wait3A_847 = tpu.memref_slice %arg9[%dma_wait3A_845, %dma_wait3A_846] : memref<3x128xi32, #tpu.memory_space<vmem>> -> memref<1x128xi32, #tpu.memory_space<vmem>>
    %dma_wait3A_848 = tpu.memref_squeeze %dma_wait3A_847 : memref<1x128xi32, #tpu.memory_space<vmem>> -> memref<128xi32, #tpu.memory_space<vmem>>
    %dma_wait3A_849 = arith.constant 0 : i32
    %dma_wait3A_850 = arith.constant 0 : i32
    %dma_wait3A_851 = tpu.memref_slice %arg2[%dma_wait3A_849, %dma_wait3A_850] : memref<100000x128xf32, #tpu.memory_space<hbm>> -> memref<100000x128xf32, #tpu.memory_space<hbm>>
    tpu.wait_indirect_dma semaphore(%arg13 : memref<!tpu.dma_semaphore, #tpu.memory_space<semaphore_mem>>) src(%dma_wait3A_851 : memref<100000x128xf32, #tpu.memory_space<hbm>>) dst(%arg5 : memref<128x128xf32, #tpu.memory_space<vmem>>)
    %add3A_852 = arith.constant 5632 : i32
    %add3A_853 = arith.addi %add3A_7, %add3A_852 : i32
    %dma_start3A_854 = arith.constant 0 : i32
    %dma_start3A_855 = tpu.memref_slice %arg4[%add3A_853, %dma_start3A_854] : memref<200000x128xf32, #tpu.memory_space<hbm>> -> memref<128x128xf32, #tpu.memory_space<hbm>>
    %dma_start3A_856 = arith.constant 0 : i32
    %dma_start3A_857 = tpu.memref_slice %arg4[%add3A_853, %dma_start3A_856] : memref<200000x128xf32, #tpu.memory_space<hbm>> -> memref<128x128xf32, #tpu.memory_space<hbm>>
    tpu.enqueue_dma source(%arg5 : memref<128x128xf32, #tpu.memory_space<vmem>>) target(%dma_start3A_857 : memref<128x128xf32, #tpu.memory_space<hbm>>) target_semaphore(%arg14 : memref<!tpu.dma_semaphore, #tpu.memory_space<semaphore_mem>>)
    %add3A_858 = arith.constant 5504 : i32
    %add3A_859 = arith.addi %add3A_7, %add3A_858 : i32
    %dma_wait3A_860 = arith.constant 0 : i32
    %dma_wait3A_861 = tpu.memref_slice %arg4[%add3A_859, %dma_wait3A_860] : memref<200000x128xf32, #tpu.memory_space<hbm>> -> memref<128x128xf32, #tpu.memory_space<hbm>>
    %dma_wait3A_862 = arith.constant 0 : i32
    %dma_wait3A_863 = tpu.memref_slice %arg4[%add3A_859, %dma_wait3A_862] : memref<200000x128xf32, #tpu.memory_space<hbm>> -> memref<128x128xf32, #tpu.memory_space<hbm>>
    tpu.wait_dma2 semaphore(%arg20 : memref<!tpu.dma_semaphore, #tpu.memory_space<semaphore_mem>>) src(%arg8 : memref<128x128xf32, #tpu.memory_space<vmem>>) dst(%dma_wait3A_863 : memref<128x128xf32, #tpu.memory_space<hbm>>)
    %add3A_864 = arith.constant 6016 : i32
    %add3A_865 = arith.addi %add3A_7, %add3A_864 : i32
    %dma_wait3A_866 = arith.constant 0 : i32
    %dma_wait3A_867 = arith.constant 0 : i32
    %dma_wait3A_868 = arith.constant 0 : i32
    %dma_wait3A_869 = tpu.memref_slice %arg12[%dma_wait3A_867, %dma_wait3A_868] : memref<3x128xi32, #tpu.memory_space<vmem>> -> memref<1x128xi32, #tpu.memory_space<vmem>>
    %dma_wait3A_870 = tpu.memref_squeeze %dma_wait3A_869 : memref<1x128xi32, #tpu.memory_space<vmem>> -> memref<128xi32, #tpu.memory_space<vmem>>
    %dma_wait3A_871 = tpu.memref_slice %arg3[%dma_wait3A_866, %add3A_865] : memref<3x200000xi32, #tpu.memory_space<hbm>> -> memref<1x128xi32, #tpu.memory_space<hbm>>
    %dma_wait3A_872 = tpu.memref_squeeze %dma_wait3A_871 : memref<1x128xi32, #tpu.memory_space<hbm>> -> memref<128xi32, #tpu.memory_space<hbm>>
    %dma_wait3A_873 = arith.constant 0 : i32
    %dma_wait3A_874 = tpu.memref_slice %arg12[%dma_wait3A_867, %dma_wait3A_873] : memref<3x128xi32, #tpu.memory_space<vmem>> -> memref<1x128xi32, #tpu.memory_space<vmem>>
    %dma_wait3A_875 = tpu.memref_squeeze %dma_wait3A_874 : memref<1x128xi32, #tpu.memory_space<vmem>> -> memref<128xi32, #tpu.memory_space<vmem>>
    %dma_wait3A_876 = tpu.memref_slice %arg3[%dma_wait3A_866, %add3A_865] : memref<3x200000xi32, #tpu.memory_space<hbm>> -> memref<1x128xi32, #tpu.memory_space<hbm>>
    %dma_wait3A_877 = tpu.memref_squeeze %dma_wait3A_876 : memref<1x128xi32, #tpu.memory_space<hbm>> -> memref<128xi32, #tpu.memory_space<hbm>>
    tpu.wait_dma2 semaphore(%arg24 : memref<!tpu.dma_semaphore, #tpu.memory_space<semaphore_mem>>) src(%dma_wait3A_877 : memref<128xi32, #tpu.memory_space<hbm>>) dst(%dma_wait3A_875 : memref<128xi32, #tpu.memory_space<vmem>>)
    %dma_wait3A_878 = arith.constant 1 : i32
    %dma_wait3A_879 = arith.constant 1 : i32
    %dma_wait3A_880 = arith.constant 0 : i32
    %dma_wait3A_881 = tpu.memref_slice %arg12[%dma_wait3A_879, %dma_wait3A_880] : memref<3x128xi32, #tpu.memory_space<vmem>> -> memref<1x128xi32, #tpu.memory_space<vmem>>
    %dma_wait3A_882 = tpu.memref_squeeze %dma_wait3A_881 : memref<1x128xi32, #tpu.memory_space<vmem>> -> memref<128xi32, #tpu.memory_space<vmem>>
    %dma_wait3A_883 = tpu.memref_slice %arg3[%dma_wait3A_878, %add3A_865] : memref<3x200000xi32, #tpu.memory_space<hbm>> -> memref<1x128xi32, #tpu.memory_space<hbm>>
    %dma_wait3A_884 = tpu.memref_squeeze %dma_wait3A_883 : memref<1x128xi32, #tpu.memory_space<hbm>> -> memref<128xi32, #tpu.memory_space<hbm>>
    %dma_wait3A_885 = arith.constant 0 : i32
    %dma_wait3A_886 = tpu.memref_slice %arg12[%dma_wait3A_879, %dma_wait3A_885] : memref<3x128xi32, #tpu.memory_space<vmem>> -> memref<1x128xi32, #tpu.memory_space<vmem>>
    %dma_wait3A_887 = tpu.memref_squeeze %dma_wait3A_886 : memref<1x128xi32, #tpu.memory_space<vmem>> -> memref<128xi32, #tpu.memory_space<vmem>>
    %dma_wait3A_888 = tpu.memref_slice %arg3[%dma_wait3A_878, %add3A_865] : memref<3x200000xi32, #tpu.memory_space<hbm>> -> memref<1x128xi32, #tpu.memory_space<hbm>>
    %dma_wait3A_889 = tpu.memref_squeeze %dma_wait3A_888 : memref<1x128xi32, #tpu.memory_space<hbm>> -> memref<128xi32, #tpu.memory_space<hbm>>
    tpu.wait_dma2 semaphore(%arg24 : memref<!tpu.dma_semaphore, #tpu.memory_space<semaphore_mem>>) src(%dma_wait3A_889 : memref<128xi32, #tpu.memory_space<hbm>>) dst(%dma_wait3A_887 : memref<128xi32, #tpu.memory_space<vmem>>)
    %dma_wait3A_890 = arith.constant 2 : i32
    %dma_wait3A_891 = arith.constant 2 : i32
    %dma_wait3A_892 = arith.constant 0 : i32
    %dma_wait3A_893 = tpu.memref_slice %arg12[%dma_wait3A_891, %dma_wait3A_892] : memref<3x128xi32, #tpu.memory_space<vmem>> -> memref<1x128xi32, #tpu.memory_space<vmem>>
    %dma_wait3A_894 = tpu.memref_squeeze %dma_wait3A_893 : memref<1x128xi32, #tpu.memory_space<vmem>> -> memref<128xi32, #tpu.memory_space<vmem>>
    %dma_wait3A_895 = tpu.memref_slice %arg3[%dma_wait3A_890, %add3A_865] : memref<3x200000xi32, #tpu.memory_space<hbm>> -> memref<1x128xi32, #tpu.memory_space<hbm>>
    %dma_wait3A_896 = tpu.memref_squeeze %dma_wait3A_895 : memref<1x128xi32, #tpu.memory_space<hbm>> -> memref<128xi32, #tpu.memory_space<hbm>>
    %dma_wait3A_897 = arith.constant 0 : i32
    %dma_wait3A_898 = tpu.memref_slice %arg12[%dma_wait3A_891, %dma_wait3A_897] : memref<3x128xi32, #tpu.memory_space<vmem>> -> memref<1x128xi32, #tpu.memory_space<vmem>>
    %dma_wait3A_899 = tpu.memref_squeeze %dma_wait3A_898 : memref<1x128xi32, #tpu.memory_space<vmem>> -> memref<128xi32, #tpu.memory_space<vmem>>
    %dma_wait3A_900 = tpu.memref_slice %arg3[%dma_wait3A_890, %add3A_865] : memref<3x200000xi32, #tpu.memory_space<hbm>> -> memref<1x128xi32, #tpu.memory_space<hbm>>
    %dma_wait3A_901 = tpu.memref_squeeze %dma_wait3A_900 : memref<1x128xi32, #tpu.memory_space<hbm>> -> memref<128xi32, #tpu.memory_space<hbm>>
    tpu.wait_dma2 semaphore(%arg24 : memref<!tpu.dma_semaphore, #tpu.memory_space<semaphore_mem>>) src(%dma_wait3A_901 : memref<128xi32, #tpu.memory_space<hbm>>) dst(%dma_wait3A_899 : memref<128xi32, #tpu.memory_space<vmem>>)
    %dma_start3A_902 = arith.constant 0 : i32
    %dma_start3A_903 = arith.constant 0 : i32
    %dma_start3A_904 = tpu.memref_slice %arg12[%dma_start3A_902, %dma_start3A_903] : memref<3x128xi32, #tpu.memory_space<vmem>> -> memref<1x128xi32, #tpu.memory_space<vmem>>
    %dma_start3A_905 = tpu.memref_squeeze %dma_start3A_904 : memref<1x128xi32, #tpu.memory_space<vmem>> -> memref<128xi32, #tpu.memory_space<vmem>>
    %dma_start3A_906 = arith.constant 0 : i32
    %dma_start3A_907 = arith.constant 0 : i32
    %dma_start3A_908 = tpu.memref_slice %arg2[%dma_start3A_906, %dma_start3A_907] : memref<100000x128xf32, #tpu.memory_space<hbm>> -> memref<100000x128xf32, #tpu.memory_space<hbm>>
    tpu.enqueue_indirect_dma source(%dma_start3A_908 : memref<100000x128xf32, #tpu.memory_space<hbm>>) target(%arg8 : memref<128x128xf32, #tpu.memory_space<vmem>>) offsets(%dma_start3A_905 : memref<128xi32, #tpu.memory_space<vmem>>) semaphore(%arg19 : memref<!tpu.dma_semaphore, #tpu.memory_space<semaphore_mem>>)
    %sub3A_909 = arith.constant 112 : i32
    %sub3A_910 = arith.subi %add3A_12, %sub3A_909 : i32
    %add3A_911 = arith.addi %add3A_7, %sub3A_910 : i32
    %dma_start3A_912 = arith.constant 0 : i32
    %dma_start3A_913 = arith.constant 0 : i32
    %dma_start3A_914 = arith.constant 0 : i32
    %dma_start3A_915 = tpu.memref_slice %arg9[%dma_start3A_913, %dma_start3A_914] : memref<3x128xi32, #tpu.memory_space<vmem>> -> memref<1x112xi32, #tpu.memory_space<vmem>>
    %dma_start3A_916 = tpu.memref_squeeze %dma_start3A_915 : memref<1x112xi32, #tpu.memory_space<vmem>> -> memref<112xi32, #tpu.memory_space<vmem>>
    %dma_start3A_917 = tpu.memref_slice %arg3[%dma_start3A_912, %add3A_911] : memref<3x200000xi32, #tpu.memory_space<hbm>> -> memref<1x112xi32, #tpu.memory_space<hbm>>
    %dma_start3A_918 = tpu.memref_squeeze %dma_start3A_917 : memref<1x112xi32, #tpu.memory_space<hbm>> -> memref<112xi32, #tpu.memory_space<hbm>>
    %dma_start3A_919 = arith.constant 0 : i32
    %dma_start3A_920 = tpu.memref_slice %arg9[%dma_start3A_913, %dma_start3A_919] : memref<3x128xi32, #tpu.memory_space<vmem>> -> memref<1x112xi32, #tpu.memory_space<vmem>>
    %dma_start3A_921 = tpu.memref_squeeze %dma_start3A_920 : memref<1x112xi32, #tpu.memory_space<vmem>> -> memref<112xi32, #tpu.memory_space<vmem>>
    %dma_start3A_922 = tpu.memref_slice %arg3[%dma_start3A_912, %add3A_911] : memref<3x200000xi32, #tpu.memory_space<hbm>> -> memref<1x112xi32, #tpu.memory_space<hbm>>
    %dma_start3A_923 = tpu.memref_squeeze %dma_start3A_922 : memref<1x112xi32, #tpu.memory_space<hbm>> -> memref<112xi32, #tpu.memory_space<hbm>>
    tpu.enqueue_dma source(%dma_start3A_923 : memref<112xi32, #tpu.memory_space<hbm>>) target(%dma_start3A_921 : memref<112xi32, #tpu.memory_space<vmem>>) target_semaphore(%arg21 : memref<!tpu.dma_semaphore, #tpu.memory_space<semaphore_mem>>)
    %dma_start3A_924 = arith.constant 1 : i32
    %dma_start3A_925 = arith.constant 1 : i32
    %dma_start3A_926 = arith.constant 0 : i32
    %dma_start3A_927 = tpu.memref_slice %arg9[%dma_start3A_925, %dma_start3A_926] : memref<3x128xi32, #tpu.memory_space<vmem>> -> memref<1x112xi32, #tpu.memory_space<vmem>>
    %dma_start3A_928 = tpu.memref_squeeze %dma_start3A_927 : memref<1x112xi32, #tpu.memory_space<vmem>> -> memref<112xi32, #tpu.memory_space<vmem>>
    %dma_start3A_929 = tpu.memref_slice %arg3[%dma_start3A_924, %add3A_911] : memref<3x200000xi32, #tpu.memory_space<hbm>> -> memref<1x112xi32, #tpu.memory_space<hbm>>
    %dma_start3A_930 = tpu.memref_squeeze %dma_start3A_929 : memref<1x112xi32, #tpu.memory_space<hbm>> -> memref<112xi32, #tpu.memory_space<hbm>>
    %dma_start3A_931 = arith.constant 0 : i32
    %dma_start3A_932 = tpu.memref_slice %arg9[%dma_start3A_925, %dma_start3A_931] : memref<3x128xi32, #tpu.memory_space<vmem>> -> memref<1x112xi32, #tpu.memory_space<vmem>>
    %dma_start3A_933 = tpu.memref_squeeze %dma_start3A_932 : memref<1x112xi32, #tpu.memory_space<vmem>> -> memref<112xi32, #tpu.memory_space<vmem>>
    %dma_start3A_934 = tpu.memref_slice %arg3[%dma_start3A_924, %add3A_911] : memref<3x200000xi32, #tpu.memory_space<hbm>> -> memref<1x112xi32, #tpu.memory_space<hbm>>
    %dma_start3A_935 = tpu.memref_squeeze %dma_start3A_934 : memref<1x112xi32, #tpu.memory_space<hbm>> -> memref<112xi32, #tpu.memory_space<hbm>>
    tpu.enqueue_dma source(%dma_start3A_935 : memref<112xi32, #tpu.memory_space<hbm>>) target(%dma_start3A_933 : memref<112xi32, #tpu.memory_space<vmem>>) target_semaphore(%arg21 : memref<!tpu.dma_semaphore, #tpu.memory_space<semaphore_mem>>)
    %dma_start3A_936 = arith.constant 2 : i32
    %dma_start3A_937 = arith.constant 2 : i32
    %dma_start3A_938 = arith.constant 0 : i32
    %dma_start3A_939 = tpu.memref_slice %arg9[%dma_start3A_937, %dma_start3A_938] : memref<3x128xi32, #tpu.memory_space<vmem>> -> memref<1x112xi32, #tpu.memory_space<vmem>>
    %dma_start3A_940 = tpu.memref_squeeze %dma_start3A_939 : memref<1x112xi32, #tpu.memory_space<vmem>> -> memref<112xi32, #tpu.memory_space<vmem>>
    %dma_start3A_941 = tpu.memref_slice %arg3[%dma_start3A_936, %add3A_911] : memref<3x200000xi32, #tpu.memory_space<hbm>> -> memref<1x112xi32, #tpu.memory_space<hbm>>
    %dma_start3A_942 = tpu.memref_squeeze %dma_start3A_941 : memref<1x112xi32, #tpu.memory_space<hbm>> -> memref<112xi32, #tpu.memory_space<hbm>>
    %dma_start3A_943 = arith.constant 0 : i32
    %dma_start3A_944 = tpu.memref_slice %arg9[%dma_start3A_937, %dma_start3A_943] : memref<3x128xi32, #tpu.memory_space<vmem>> -> memref<1x112xi32, #tpu.memory_space<vmem>>
    %dma_start3A_945 = tpu.memref_squeeze %dma_start3A_944 : memref<1x112xi32, #tpu.memory_space<vmem>> -> memref<112xi32, #tpu.memory_space<vmem>>
    %dma_start3A_946 = tpu.memref_slice %arg3[%dma_start3A_936, %add3A_911] : memref<3x200000xi32, #tpu.memory_space<hbm>> -> memref<1x112xi32, #tpu.memory_space<hbm>>
    %dma_start3A_947 = tpu.memref_squeeze %dma_start3A_946 : memref<1x112xi32, #tpu.memory_space<hbm>> -> memref<112xi32, #tpu.memory_space<hbm>>
    tpu.enqueue_dma source(%dma_start3A_947 : memref<112xi32, #tpu.memory_space<hbm>>) target(%dma_start3A_945 : memref<112xi32, #tpu.memory_space<vmem>>) target_semaphore(%arg21 : memref<!tpu.dma_semaphore, #tpu.memory_space<semaphore_mem>>)
    %dma_wait3A_948 = arith.constant 0 : i32
    %dma_wait3A_949 = arith.constant 0 : i32
    %dma_wait3A_950 = tpu.memref_slice %arg10[%dma_wait3A_948, %dma_wait3A_949] : memref<3x128xi32, #tpu.memory_space<vmem>> -> memref<1x128xi32, #tpu.memory_space<vmem>>
    %dma_wait3A_951 = tpu.memref_squeeze %dma_wait3A_950 : memref<1x128xi32, #tpu.memory_space<vmem>> -> memref<128xi32, #tpu.memory_space<vmem>>
    %dma_wait3A_952 = arith.constant 0 : i32
    %dma_wait3A_953 = arith.constant 0 : i32
    %dma_wait3A_954 = tpu.memref_slice %arg2[%dma_wait3A_952, %dma_wait3A_953] : memref<100000x128xf32, #tpu.memory_space<hbm>> -> memref<100000x128xf32, #tpu.memory_space<hbm>>
    tpu.wait_indirect_dma semaphore(%arg15 : memref<!tpu.dma_semaphore, #tpu.memory_space<semaphore_mem>>) src(%dma_wait3A_954 : memref<100000x128xf32, #tpu.memory_space<hbm>>) dst(%arg6 : memref<128x128xf32, #tpu.memory_space<vmem>>)
    %dma_start3A_955 = arith.constant 1 : i32
    %dma_start3A_956 = arith.constant 0 : i32
    %dma_start3A_957 = tpu.memref_slice %arg10[%dma_start3A_955, %dma_start3A_956] : memref<3x128xi32, #tpu.memory_space<vmem>> -> memref<1x128xi32, #tpu.memory_space<vmem>>
    %dma_start3A_958 = tpu.memref_squeeze %dma_start3A_957 : memref<1x128xi32, #tpu.memory_space<vmem>> -> memref<128xi32, #tpu.memory_space<vmem>>
    %dma_start3A_959 = arith.constant 0 : i32
    %dma_start3A_960 = arith.constant 0 : i32
    %dma_start3A_961 = tpu.memref_slice %arg2[%dma_start3A_959, %dma_start3A_960] : memref<100000x128xf32, #tpu.memory_space<hbm>> -> memref<100000x128xf32, #tpu.memory_space<hbm>>
    tpu.enqueue_indirect_dma source(%dma_start3A_961 : memref<100000x128xf32, #tpu.memory_space<hbm>>) target(%arg6 : memref<128x128xf32, #tpu.memory_space<vmem>>) offsets(%dma_start3A_958 : memref<128xi32, #tpu.memory_space<vmem>>) semaphore(%arg15 : memref<!tpu.dma_semaphore, #tpu.memory_space<semaphore_mem>>) {add = true}
    %dma_start3A_962 = arith.constant 2 : i32
    %dma_start3A_963 = arith.constant 0 : i32
    %dma_start3A_964 = tpu.memref_slice %arg10[%dma_start3A_962, %dma_start3A_963] : memref<3x128xi32, #tpu.memory_space<vmem>> -> memref<1x128xi32, #tpu.memory_space<vmem>>
    %dma_start3A_965 = tpu.memref_squeeze %dma_start3A_964 : memref<1x128xi32, #tpu.memory_space<vmem>> -> memref<128xi32, #tpu.memory_space<vmem>>
    %dma_start3A_966 = arith.constant 0 : i32
    %dma_start3A_967 = arith.constant 0 : i32
    %dma_start3A_968 = tpu.memref_slice %arg2[%dma_start3A_966, %dma_start3A_967] : memref<100000x128xf32, #tpu.memory_space<hbm>> -> memref<100000x128xf32, #tpu.memory_space<hbm>>
    tpu.enqueue_indirect_dma source(%dma_start3A_968 : memref<100000x128xf32, #tpu.memory_space<hbm>>) target(%arg6 : memref<128x128xf32, #tpu.memory_space<vmem>>) offsets(%dma_start3A_965 : memref<128xi32, #tpu.memory_space<vmem>>) semaphore(%arg15 : memref<!tpu.dma_semaphore, #tpu.memory_space<semaphore_mem>>) {add = true}
    %dma_wait3A_969 = arith.constant 1 : i32
    %dma_wait3A_970 = arith.constant 0 : i32
    %dma_wait3A_971 = tpu.memref_slice %arg10[%dma_wait3A_969, %dma_wait3A_970] : memref<3x128xi32, #tpu.memory_space<vmem>> -> memref<1x128xi32, #tpu.memory_space<vmem>>
    %dma_wait3A_972 = tpu.memref_squeeze %dma_wait3A_971 : memref<1x128xi32, #tpu.memory_space<vmem>> -> memref<128xi32, #tpu.memory_space<vmem>>
    %dma_wait3A_973 = arith.constant 0 : i32
    %dma_wait3A_974 = arith.constant 0 : i32
    %dma_wait3A_975 = tpu.memref_slice %arg2[%dma_wait3A_973, %dma_wait3A_974] : memref<100000x128xf32, #tpu.memory_space<hbm>> -> memref<100000x128xf32, #tpu.memory_space<hbm>>
    tpu.wait_indirect_dma semaphore(%arg15 : memref<!tpu.dma_semaphore, #tpu.memory_space<semaphore_mem>>) src(%dma_wait3A_975 : memref<100000x128xf32, #tpu.memory_space<hbm>>) dst(%arg6 : memref<128x128xf32, #tpu.memory_space<vmem>>)
    %dma_wait3A_976 = arith.constant 2 : i32
    %dma_wait3A_977 = arith.constant 0 : i32
    %dma_wait3A_978 = tpu.memref_slice %arg10[%dma_wait3A_976, %dma_wait3A_977] : memref<3x128xi32, #tpu.memory_space<vmem>> -> memref<1x128xi32, #tpu.memory_space<vmem>>
    %dma_wait3A_979 = tpu.memref_squeeze %dma_wait3A_978 : memref<1x128xi32, #tpu.memory_space<vmem>> -> memref<128xi32, #tpu.memory_space<vmem>>
    %dma_wait3A_980 = arith.constant 0 : i32
    %dma_wait3A_981 = arith.constant 0 : i32
    %dma_wait3A_982 = tpu.memref_slice %arg2[%dma_wait3A_980, %dma_wait3A_981] : memref<100000x128xf32, #tpu.memory_space<hbm>> -> memref<100000x128xf32, #tpu.memory_space<hbm>>
    tpu.wait_indirect_dma semaphore(%arg15 : memref<!tpu.dma_semaphore, #tpu.memory_space<semaphore_mem>>) src(%dma_wait3A_982 : memref<100000x128xf32, #tpu.memory_space<hbm>>) dst(%arg6 : memref<128x128xf32, #tpu.memory_space<vmem>>)
    %add3A_983 = arith.constant 5760 : i32
    %add3A_984 = arith.addi %add3A_7, %add3A_983 : i32
    %dma_start3A_985 = arith.constant 0 : i32
    %dma_start3A_986 = tpu.memref_slice %arg4[%add3A_984, %dma_start3A_985] : memref<200000x128xf32, #tpu.memory_space<hbm>> -> memref<128x128xf32, #tpu.memory_space<hbm>>
    %dma_start3A_987 = arith.constant 0 : i32
    %dma_start3A_988 = tpu.memref_slice %arg4[%add3A_984, %dma_start3A_987] : memref<200000x128xf32, #tpu.memory_space<hbm>> -> memref<128x128xf32, #tpu.memory_space<hbm>>
    tpu.enqueue_dma source(%arg6 : memref<128x128xf32, #tpu.memory_space<vmem>>) target(%dma_start3A_988 : memref<128x128xf32, #tpu.memory_space<hbm>>) target_semaphore(%arg16 : memref<!tpu.dma_semaphore, #tpu.memory_space<semaphore_mem>>)
    %add3A_989 = arith.constant 5632 : i32
    %add3A_990 = arith.addi %add3A_7, %add3A_989 : i32
    %dma_wait3A_991 = arith.constant 0 : i32
    %dma_wait3A_992 = tpu.memref_slice %arg4[%add3A_990, %dma_wait3A_991] : memref<200000x128xf32, #tpu.memory_space<hbm>> -> memref<128x128xf32, #tpu.memory_space<hbm>>
    %dma_wait3A_993 = arith.constant 0 : i32
    %dma_wait3A_994 = tpu.memref_slice %arg4[%add3A_990, %dma_wait3A_993] : memref<200000x128xf32, #tpu.memory_space<hbm>> -> memref<128x128xf32, #tpu.memory_space<hbm>>
    tpu.wait_dma2 semaphore(%arg14 : memref<!tpu.dma_semaphore, #tpu.memory_space<semaphore_mem>>) src(%arg5 : memref<128x128xf32, #tpu.memory_space<vmem>>) dst(%dma_wait3A_994 : memref<128x128xf32, #tpu.memory_space<hbm>>)
    %sub3A_995 = arith.constant 112 : i32
    %sub3A_996 = arith.subi %add3A_12, %sub3A_995 : i32
    %add3A_997 = arith.addi %add3A_7, %sub3A_996 : i32
    %dma_wait3A_998 = arith.constant 0 : i32
    %dma_wait3A_999 = arith.constant 0 : i32
    %dma_wait3A_1000 = arith.constant 0 : i32
    %dma_wait3A_1001 = tpu.memref_slice %arg9[%dma_wait3A_999, %dma_wait3A_1000] : memref<3x128xi32, #tpu.memory_space<vmem>> -> memref<1x112xi32, #tpu.memory_space<vmem>>
    %dma_wait3A_1002 = tpu.memref_squeeze %dma_wait3A_1001 : memref<1x112xi32, #tpu.memory_space<vmem>> -> memref<112xi32, #tpu.memory_space<vmem>>
    %dma_wait3A_1003 = tpu.memref_slice %arg3[%dma_wait3A_998, %add3A_997] : memref<3x200000xi32, #tpu.memory_space<hbm>> -> memref<1x112xi32, #tpu.memory_space<hbm>>
    %dma_wait3A_1004 = tpu.memref_squeeze %dma_wait3A_1003 : memref<1x112xi32, #tpu.memory_space<hbm>> -> memref<112xi32, #tpu.memory_space<hbm>>
    %dma_wait3A_1005 = arith.constant 0 : i32
    %dma_wait3A_1006 = tpu.memref_slice %arg9[%dma_wait3A_999, %dma_wait3A_1005] : memref<3x128xi32, #tpu.memory_space<vmem>> -> memref<1x112xi32, #tpu.memory_space<vmem>>
    %dma_wait3A_1007 = tpu.memref_squeeze %dma_wait3A_1006 : memref<1x112xi32, #tpu.memory_space<vmem>> -> memref<112xi32, #tpu.memory_space<vmem>>
    %dma_wait3A_1008 = tpu.memref_slice %arg3[%dma_wait3A_998, %add3A_997] : memref<3x200000xi32, #tpu.memory_space<hbm>> -> memref<1x112xi32, #tpu.memory_space<hbm>>
    %dma_wait3A_1009 = tpu.memref_squeeze %dma_wait3A_1008 : memref<1x112xi32, #tpu.memory_space<hbm>> -> memref<112xi32, #tpu.memory_space<hbm>>
    tpu.wait_dma2 semaphore(%arg21 : memref<!tpu.dma_semaphore, #tpu.memory_space<semaphore_mem>>) src(%dma_wait3A_1009 : memref<112xi32, #tpu.memory_space<hbm>>) dst(%dma_wait3A_1007 : memref<112xi32, #tpu.memory_space<vmem>>)
    %dma_wait3A_1010 = arith.constant 1 : i32
    %dma_wait3A_1011 = arith.constant 1 : i32
    %dma_wait3A_1012 = arith.constant 0 : i32
    %dma_wait3A_1013 = tpu.memref_slice %arg9[%dma_wait3A_1011, %dma_wait3A_1012] : memref<3x128xi32, #tpu.memory_space<vmem>> -> memref<1x112xi32, #tpu.memory_space<vmem>>
    %dma_wait3A_1014 = tpu.memref_squeeze %dma_wait3A_1013 : memref<1x112xi32, #tpu.memory_space<vmem>> -> memref<112xi32, #tpu.memory_space<vmem>>
    %dma_wait3A_1015 = tpu.memref_slice %arg3[%dma_wait3A_1010, %add3A_997] : memref<3x200000xi32, #tpu.memory_space<hbm>> -> memref<1x112xi32, #tpu.memory_space<hbm>>
    %dma_wait3A_1016 = tpu.memref_squeeze %dma_wait3A_1015 : memref<1x112xi32, #tpu.memory_space<hbm>> -> memref<112xi32, #tpu.memory_space<hbm>>
    %dma_wait3A_1017 = arith.constant 0 : i32
    %dma_wait3A_1018 = tpu.memref_slice %arg9[%dma_wait3A_1011, %dma_wait3A_1017] : memref<3x128xi32, #tpu.memory_space<vmem>> -> memref<1x112xi32, #tpu.memory_space<vmem>>
    %dma_wait3A_1019 = tpu.memref_squeeze %dma_wait3A_1018 : memref<1x112xi32, #tpu.memory_space<vmem>> -> memref<112xi32, #tpu.memory_space<vmem>>
    %dma_wait3A_1020 = tpu.memref_slice %arg3[%dma_wait3A_1010, %add3A_997] : memref<3x200000xi32, #tpu.memory_space<hbm>> -> memref<1x112xi32, #tpu.memory_space<hbm>>
    %dma_wait3A_1021 = tpu.memref_squeeze %dma_wait3A_1020 : memref<1x112xi32, #tpu.memory_space<hbm>> -> memref<112xi32, #tpu.memory_space<hbm>>
    tpu.wait_dma2 semaphore(%arg21 : memref<!tpu.dma_semaphore, #tpu.memory_space<semaphore_mem>>) src(%dma_wait3A_1021 : memref<112xi32, #tpu.memory_space<hbm>>) dst(%dma_wait3A_1019 : memref<112xi32, #tpu.memory_space<vmem>>)
    %dma_wait3A_1022 = arith.constant 2 : i32
    %dma_wait3A_1023 = arith.constant 2 : i32
    %dma_wait3A_1024 = arith.constant 0 : i32
    %dma_wait3A_1025 = tpu.memref_slice %arg9[%dma_wait3A_1023, %dma_wait3A_1024] : memref<3x128xi32, #tpu.memory_space<vmem>> -> memref<1x112xi32, #tpu.memory_space<vmem>>
    %dma_wait3A_1026 = tpu.memref_squeeze %dma_wait3A_1025 : memref<1x112xi32, #tpu.memory_space<vmem>> -> memref<112xi32, #tpu.memory_space<vmem>>
    %dma_wait3A_1027 = tpu.memref_slice %arg3[%dma_wait3A_1022, %add3A_997] : memref<3x200000xi32, #tpu.memory_space<hbm>> -> memref<1x112xi32, #tpu.memory_space<hbm>>
    %dma_wait3A_1028 = tpu.memref_squeeze %dma_wait3A_1027 : memref<1x112xi32, #tpu.memory_space<hbm>> -> memref<112xi32, #tpu.memory_space<hbm>>
    %dma_wait3A_1029 = arith.constant 0 : i32
    %dma_wait3A_1030 = tpu.memref_slice %arg9[%dma_wait3A_1023, %dma_wait3A_1029] : memref<3x128xi32, #tpu.memory_space<vmem>> -> memref<1x112xi32, #tpu.memory_space<vmem>>
    %dma_wait3A_1031 = tpu.memref_squeeze %dma_wait3A_1030 : memref<1x112xi32, #tpu.memory_space<vmem>> -> memref<112xi32, #tpu.memory_space<vmem>>
    %dma_wait3A_1032 = tpu.memref_slice %arg3[%dma_wait3A_1022, %add3A_997] : memref<3x200000xi32, #tpu.memory_space<hbm>> -> memref<1x112xi32, #tpu.memory_space<hbm>>
    %dma_wait3A_1033 = tpu.memref_squeeze %dma_wait3A_1032 : memref<1x112xi32, #tpu.memory_space<hbm>> -> memref<112xi32, #tpu.memory_space<hbm>>
    tpu.wait_dma2 semaphore(%arg21 : memref<!tpu.dma_semaphore, #tpu.memory_space<semaphore_mem>>) src(%dma_wait3A_1033 : memref<112xi32, #tpu.memory_space<hbm>>) dst(%dma_wait3A_1031 : memref<112xi32, #tpu.memory_space<vmem>>)
    %dma_start3A_1034 = arith.constant 0 : i32
    %dma_start3A_1035 = arith.constant 0 : i32
    %dma_start3A_1036 = arith.constant 0 : i32
    %dma_start3A_1037 = tpu.memref_slice %arg5[%dma_start3A_1035, %dma_start3A_1036] : memref<128x128xf32, #tpu.memory_space<vmem>> -> memref<112x128xf32, #tpu.memory_space<vmem>>
    %dma_start3A_1038 = arith.constant 0 : i32
    %dma_start3A_1039 = tpu.memref_slice %arg9[%dma_start3A_1034, %dma_start3A_1038] : memref<3x128xi32, #tpu.memory_space<vmem>> -> memref<1x112xi32, #tpu.memory_space<vmem>>
    %dma_start3A_1040 = tpu.memref_squeeze %dma_start3A_1039 : memref<1x112xi32, #tpu.memory_space<vmem>> -> memref<112xi32, #tpu.memory_space<vmem>>
    %dma_start3A_1041 = arith.constant 0 : i32
    %dma_start3A_1042 = arith.constant 0 : i32
    %dma_start3A_1043 = tpu.memref_slice %arg2[%dma_start3A_1041, %dma_start3A_1042] : memref<100000x128xf32, #tpu.memory_space<hbm>> -> memref<100000x128xf32, #tpu.memory_space<hbm>>
    tpu.enqueue_indirect_dma source(%dma_start3A_1043 : memref<100000x128xf32, #tpu.memory_space<hbm>>) target(%dma_start3A_1037 : memref<112x128xf32, #tpu.memory_space<vmem>>) offsets(%dma_start3A_1040 : memref<112xi32, #tpu.memory_space<vmem>>) semaphore(%arg13 : memref<!tpu.dma_semaphore, #tpu.memory_space<semaphore_mem>>)
    %dma_wait3A_1044 = arith.constant 0 : i32
    %dma_wait3A_1045 = arith.constant 0 : i32
    %dma_wait3A_1046 = tpu.memref_slice %arg11[%dma_wait3A_1044, %dma_wait3A_1045] : memref<3x128xi32, #tpu.memory_space<vmem>> -> memref<1x128xi32, #tpu.memory_space<vmem>>
    %dma_wait3A_1047 = tpu.memref_squeeze %dma_wait3A_1046 : memref<1x128xi32, #tpu.memory_space<vmem>> -> memref<128xi32, #tpu.memory_space<vmem>>
    %dma_wait3A_1048 = arith.constant 0 : i32
    %dma_wait3A_1049 = arith.constant 0 : i32
    %dma_wait3A_1050 = tpu.memref_slice %arg2[%dma_wait3A_1048, %dma_wait3A_1049] : memref<100000x128xf32, #tpu.memory_space<hbm>> -> memref<100000x128xf32, #tpu.memory_space<hbm>>
    tpu.wait_indirect_dma semaphore(%arg17 : memref<!tpu.dma_semaphore, #tpu.memory_space<semaphore_mem>>) src(%dma_wait3A_1050 : memref<100000x128xf32, #tpu.memory_space<hbm>>) dst(%arg7 : memref<128x128xf32, #tpu.memory_space<vmem>>)
    %dma_start3A_1051 = arith.constant 1 : i32
    %dma_start3A_1052 = arith.constant 0 : i32
    %dma_start3A_1053 = tpu.memref_slice %arg11[%dma_start3A_1051, %dma_start3A_1052] : memref<3x128xi32, #tpu.memory_space<vmem>> -> memref<1x128xi32, #tpu.memory_space<vmem>>
    %dma_start3A_1054 = tpu.memref_squeeze %dma_start3A_1053 : memref<1x128xi32, #tpu.memory_space<vmem>> -> memref<128xi32, #tpu.memory_space<vmem>>
    %dma_start3A_1055 = arith.constant 0 : i32
    %dma_start3A_1056 = arith.constant 0 : i32
    %dma_start3A_1057 = tpu.memref_slice %arg2[%dma_start3A_1055, %dma_start3A_1056] : memref<100000x128xf32, #tpu.memory_space<hbm>> -> memref<100000x128xf32, #tpu.memory_space<hbm>>
    tpu.enqueue_indirect_dma source(%dma_start3A_1057 : memref<100000x128xf32, #tpu.memory_space<hbm>>) target(%arg7 : memref<128x128xf32, #tpu.memory_space<vmem>>) offsets(%dma_start3A_1054 : memref<128xi32, #tpu.memory_space<vmem>>) semaphore(%arg17 : memref<!tpu.dma_semaphore, #tpu.memory_space<semaphore_mem>>) {add = true}
    %dma_start3A_1058 = arith.constant 2 : i32
    %dma_start3A_1059 = arith.constant 0 : i32
    %dma_start3A_1060 = tpu.memref_slice %arg11[%dma_start3A_1058, %dma_start3A_1059] : memref<3x128xi32, #tpu.memory_space<vmem>> -> memref<1x128xi32, #tpu.memory_space<vmem>>
    %dma_start3A_1061 = tpu.memref_squeeze %dma_start3A_1060 : memref<1x128xi32, #tpu.memory_space<vmem>> -> memref<128xi32, #tpu.memory_space<vmem>>
    %dma_start3A_1062 = arith.constant 0 : i32
    %dma_start3A_1063 = arith.constant 0 : i32
    %dma_start3A_1064 = tpu.memref_slice %arg2[%dma_start3A_1062, %dma_start3A_1063] : memref<100000x128xf32, #tpu.memory_space<hbm>> -> memref<100000x128xf32, #tpu.memory_space<hbm>>
    tpu.enqueue_indirect_dma source(%dma_start3A_1064 : memref<100000x128xf32, #tpu.memory_space<hbm>>) target(%arg7 : memref<128x128xf32, #tpu.memory_space<vmem>>) offsets(%dma_start3A_1061 : memref<128xi32, #tpu.memory_space<vmem>>) semaphore(%arg17 : memref<!tpu.dma_semaphore, #tpu.memory_space<semaphore_mem>>) {add = true}
    %dma_wait3A_1065 = arith.constant 1 : i32
    %dma_wait3A_1066 = arith.constant 0 : i32
    %dma_wait3A_1067 = tpu.memref_slice %arg11[%dma_wait3A_1065, %dma_wait3A_1066] : memref<3x128xi32, #tpu.memory_space<vmem>> -> memref<1x128xi32, #tpu.memory_space<vmem>>
    %dma_wait3A_1068 = tpu.memref_squeeze %dma_wait3A_1067 : memref<1x128xi32, #tpu.memory_space<vmem>> -> memref<128xi32, #tpu.memory_space<vmem>>
    %dma_wait3A_1069 = arith.constant 0 : i32
    %dma_wait3A_1070 = arith.constant 0 : i32
    %dma_wait3A_1071 = tpu.memref_slice %arg2[%dma_wait3A_1069, %dma_wait3A_1070] : memref<100000x128xf32, #tpu.memory_space<hbm>> -> memref<100000x128xf32, #tpu.memory_space<hbm>>
    tpu.wait_indirect_dma semaphore(%arg17 : memref<!tpu.dma_semaphore, #tpu.memory_space<semaphore_mem>>) src(%dma_wait3A_1071 : memref<100000x128xf32, #tpu.memory_space<hbm>>) dst(%arg7 : memref<128x128xf32, #tpu.memory_space<vmem>>)
    %dma_wait3A_1072 = arith.constant 2 : i32
    %dma_wait3A_1073 = arith.constant 0 : i32
    %dma_wait3A_1074 = tpu.memref_slice %arg11[%dma_wait3A_1072, %dma_wait3A_1073] : memref<3x128xi32, #tpu.memory_space<vmem>> -> memref<1x128xi32, #tpu.memory_space<vmem>>
    %dma_wait3A_1075 = tpu.memref_squeeze %dma_wait3A_1074 : memref<1x128xi32, #tpu.memory_space<vmem>> -> memref<128xi32, #tpu.memory_space<vmem>>
    %dma_wait3A_1076 = arith.constant 0 : i32
    %dma_wait3A_1077 = arith.constant 0 : i32
    %dma_wait3A_1078 = tpu.memref_slice %arg2[%dma_wait3A_1076, %dma_wait3A_1077] : memref<100000x128xf32, #tpu.memory_space<hbm>> -> memref<100000x128xf32, #tpu.memory_space<hbm>>
    tpu.wait_indirect_dma semaphore(%arg17 : memref<!tpu.dma_semaphore, #tpu.memory_space<semaphore_mem>>) src(%dma_wait3A_1078 : memref<100000x128xf32, #tpu.memory_space<hbm>>) dst(%arg7 : memref<128x128xf32, #tpu.memory_space<vmem>>)
    %add3A_1079 = arith.constant 5888 : i32
    %add3A_1080 = arith.addi %add3A_7, %add3A_1079 : i32
    %dma_start3A_1081 = arith.constant 0 : i32
    %dma_start3A_1082 = tpu.memref_slice %arg4[%add3A_1080, %dma_start3A_1081] : memref<200000x128xf32, #tpu.memory_space<hbm>> -> memref<128x128xf32, #tpu.memory_space<hbm>>
    %dma_start3A_1083 = arith.constant 0 : i32
    %dma_start3A_1084 = tpu.memref_slice %arg4[%add3A_1080, %dma_start3A_1083] : memref<200000x128xf32, #tpu.memory_space<hbm>> -> memref<128x128xf32, #tpu.memory_space<hbm>>
    tpu.enqueue_dma source(%arg7 : memref<128x128xf32, #tpu.memory_space<vmem>>) target(%dma_start3A_1084 : memref<128x128xf32, #tpu.memory_space<hbm>>) target_semaphore(%arg18 : memref<!tpu.dma_semaphore, #tpu.memory_space<semaphore_mem>>)
    %add3A_1085 = arith.constant 5760 : i32
    %add3A_1086 = arith.addi %add3A_7, %add3A_1085 : i32
    %dma_wait3A_1087 = arith.constant 0 : i32
    %dma_wait3A_1088 = tpu.memref_slice %arg4[%add3A_1086, %dma_wait3A_1087] : memref<200000x128xf32, #tpu.memory_space<hbm>> -> memref<128x128xf32, #tpu.memory_space<hbm>>
    %dma_wait3A_1089 = arith.constant 0 : i32
    %dma_wait3A_1090 = tpu.memref_slice %arg4[%add3A_1086, %dma_wait3A_1089] : memref<200000x128xf32, #tpu.memory_space<hbm>> -> memref<128x128xf32, #tpu.memory_space<hbm>>
    tpu.wait_dma2 semaphore(%arg16 : memref<!tpu.dma_semaphore, #tpu.memory_space<semaphore_mem>>) src(%arg6 : memref<128x128xf32, #tpu.memory_space<vmem>>) dst(%dma_wait3A_1090 : memref<128x128xf32, #tpu.memory_space<hbm>>)
    %dma_wait3A_1091 = arith.constant 0 : i32
    %dma_wait3A_1092 = arith.constant 0 : i32
    %dma_wait3A_1093 = tpu.memref_slice %arg12[%dma_wait3A_1091, %dma_wait3A_1092] : memref<3x128xi32, #tpu.memory_space<vmem>> -> memref<1x128xi32, #tpu.memory_space<vmem>>
    %dma_wait3A_1094 = tpu.memref_squeeze %dma_wait3A_1093 : memref<1x128xi32, #tpu.memory_space<vmem>> -> memref<128xi32, #tpu.memory_space<vmem>>
    %dma_wait3A_1095 = arith.constant 0 : i32
    %dma_wait3A_1096 = arith.constant 0 : i32
    %dma_wait3A_1097 = tpu.memref_slice %arg2[%dma_wait3A_1095, %dma_wait3A_1096] : memref<100000x128xf32, #tpu.memory_space<hbm>> -> memref<100000x128xf32, #tpu.memory_space<hbm>>
    tpu.wait_indirect_dma semaphore(%arg19 : memref<!tpu.dma_semaphore, #tpu.memory_space<semaphore_mem>>) src(%dma_wait3A_1097 : memref<100000x128xf32, #tpu.memory_space<hbm>>) dst(%arg8 : memref<128x128xf32, #tpu.memory_space<vmem>>)
    %dma_start3A_1098 = arith.constant 1 : i32
    %dma_start3A_1099 = arith.constant 0 : i32
    %dma_start3A_1100 = tpu.memref_slice %arg12[%dma_start3A_1098, %dma_start3A_1099] : memref<3x128xi32, #tpu.memory_space<vmem>> -> memref<1x128xi32, #tpu.memory_space<vmem>>
    %dma_start3A_1101 = tpu.memref_squeeze %dma_start3A_1100 : memref<1x128xi32, #tpu.memory_space<vmem>> -> memref<128xi32, #tpu.memory_space<vmem>>
    %dma_start3A_1102 = arith.constant 0 : i32
    %dma_start3A_1103 = arith.constant 0 : i32
    %dma_start3A_1104 = tpu.memref_slice %arg2[%dma_start3A_1102, %dma_start3A_1103] : memref<100000x128xf32, #tpu.memory_space<hbm>> -> memref<100000x128xf32, #tpu.memory_space<hbm>>
    tpu.enqueue_indirect_dma source(%dma_start3A_1104 : memref<100000x128xf32, #tpu.memory_space<hbm>>) target(%arg8 : memref<128x128xf32, #tpu.memory_space<vmem>>) offsets(%dma_start3A_1101 : memref<128xi32, #tpu.memory_space<vmem>>) semaphore(%arg19 : memref<!tpu.dma_semaphore, #tpu.memory_space<semaphore_mem>>) {add = true}
    %dma_start3A_1105 = arith.constant 2 : i32
    %dma_start3A_1106 = arith.constant 0 : i32
    %dma_start3A_1107 = tpu.memref_slice %arg12[%dma_start3A_1105, %dma_start3A_1106] : memref<3x128xi32, #tpu.memory_space<vmem>> -> memref<1x128xi32, #tpu.memory_space<vmem>>
    %dma_start3A_1108 = tpu.memref_squeeze %dma_start3A_1107 : memref<1x128xi32, #tpu.memory_space<vmem>> -> memref<128xi32, #tpu.memory_space<vmem>>
    %dma_start3A_1109 = arith.constant 0 : i32
    %dma_start3A_1110 = arith.constant 0 : i32
    %dma_start3A_1111 = tpu.memref_slice %arg2[%dma_start3A_1109, %dma_start3A_1110] : memref<100000x128xf32, #tpu.memory_space<hbm>> -> memref<100000x128xf32, #tpu.memory_space<hbm>>
    tpu.enqueue_indirect_dma source(%dma_start3A_1111 : memref<100000x128xf32, #tpu.memory_space<hbm>>) target(%arg8 : memref<128x128xf32, #tpu.memory_space<vmem>>) offsets(%dma_start3A_1108 : memref<128xi32, #tpu.memory_space<vmem>>) semaphore(%arg19 : memref<!tpu.dma_semaphore, #tpu.memory_space<semaphore_mem>>) {add = true}
    %dma_wait3A_1112 = arith.constant 1 : i32
    %dma_wait3A_1113 = arith.constant 0 : i32
    %dma_wait3A_1114 = tpu.memref_slice %arg12[%dma_wait3A_1112, %dma_wait3A_1113] : memref<3x128xi32, #tpu.memory_space<vmem>> -> memref<1x128xi32, #tpu.memory_space<vmem>>
    %dma_wait3A_1115 = tpu.memref_squeeze %dma_wait3A_1114 : memref<1x128xi32, #tpu.memory_space<vmem>> -> memref<128xi32, #tpu.memory_space<vmem>>
    %dma_wait3A_1116 = arith.constant 0 : i32
    %dma_wait3A_1117 = arith.constant 0 : i32
    %dma_wait3A_1118 = tpu.memref_slice %arg2[%dma_wait3A_1116, %dma_wait3A_1117] : memref<100000x128xf32, #tpu.memory_space<hbm>> -> memref<100000x128xf32, #tpu.memory_space<hbm>>
    tpu.wait_indirect_dma semaphore(%arg19 : memref<!tpu.dma_semaphore, #tpu.memory_space<semaphore_mem>>) src(%dma_wait3A_1118 : memref<100000x128xf32, #tpu.memory_space<hbm>>) dst(%arg8 : memref<128x128xf32, #tpu.memory_space<vmem>>)
    %dma_wait3A_1119 = arith.constant 2 : i32
    %dma_wait3A_1120 = arith.constant 0 : i32
    %dma_wait3A_1121 = tpu.memref_slice %arg12[%dma_wait3A_1119, %dma_wait3A_1120] : memref<3x128xi32, #tpu.memory_space<vmem>> -> memref<1x128xi32, #tpu.memory_space<vmem>>
    %dma_wait3A_1122 = tpu.memref_squeeze %dma_wait3A_1121 : memref<1x128xi32, #tpu.memory_space<vmem>> -> memref<128xi32, #tpu.memory_space<vmem>>
    %dma_wait3A_1123 = arith.constant 0 : i32
    %dma_wait3A_1124 = arith.constant 0 : i32
    %dma_wait3A_1125 = tpu.memref_slice %arg2[%dma_wait3A_1123, %dma_wait3A_1124] : memref<100000x128xf32, #tpu.memory_space<hbm>> -> memref<100000x128xf32, #tpu.memory_space<hbm>>
    tpu.wait_indirect_dma semaphore(%arg19 : memref<!tpu.dma_semaphore, #tpu.memory_space<semaphore_mem>>) src(%dma_wait3A_1125 : memref<100000x128xf32, #tpu.memory_space<hbm>>) dst(%arg8 : memref<128x128xf32, #tpu.memory_space<vmem>>)
    %add3A_1126 = arith.constant 6016 : i32
    %add3A_1127 = arith.addi %add3A_7, %add3A_1126 : i32
    %dma_start3A_1128 = arith.constant 0 : i32
    %dma_start3A_1129 = tpu.memref_slice %arg4[%add3A_1127, %dma_start3A_1128] : memref<200000x128xf32, #tpu.memory_space<hbm>> -> memref<128x128xf32, #tpu.memory_space<hbm>>
    %dma_start3A_1130 = arith.constant 0 : i32
    %dma_start3A_1131 = tpu.memref_slice %arg4[%add3A_1127, %dma_start3A_1130] : memref<200000x128xf32, #tpu.memory_space<hbm>> -> memref<128x128xf32, #tpu.memory_space<hbm>>
    tpu.enqueue_dma source(%arg8 : memref<128x128xf32, #tpu.memory_space<vmem>>) target(%dma_start3A_1131 : memref<128x128xf32, #tpu.memory_space<hbm>>) target_semaphore(%arg20 : memref<!tpu.dma_semaphore, #tpu.memory_space<semaphore_mem>>)
    %add3A_1132 = arith.constant 5888 : i32
    %add3A_1133 = arith.addi %add3A_7, %add3A_1132 : i32
    %dma_wait3A_1134 = arith.constant 0 : i32
    %dma_wait3A_1135 = tpu.memref_slice %arg4[%add3A_1133, %dma_wait3A_1134] : memref<200000x128xf32, #tpu.memory_space<hbm>> -> memref<128x128xf32, #tpu.memory_space<hbm>>
    %dma_wait3A_1136 = arith.constant 0 : i32
    %dma_wait3A_1137 = tpu.memref_slice %arg4[%add3A_1133, %dma_wait3A_1136] : memref<200000x128xf32, #tpu.memory_space<hbm>> -> memref<128x128xf32, #tpu.memory_space<hbm>>
    tpu.wait_dma2 semaphore(%arg18 : memref<!tpu.dma_semaphore, #tpu.memory_space<semaphore_mem>>) src(%arg7 : memref<128x128xf32, #tpu.memory_space<vmem>>) dst(%dma_wait3A_1137 : memref<128x128xf32, #tpu.memory_space<hbm>>)
    %dma_wait3A_1138 = arith.constant 0 : i32
    %dma_wait3A_1139 = arith.constant 0 : i32
    %dma_wait3A_1140 = arith.constant 0 : i32
    %dma_wait3A_1141 = tpu.memref_slice %arg5[%dma_wait3A_1139, %dma_wait3A_1140] : memref<128x128xf32, #tpu.memory_space<vmem>> -> memref<112x128xf32, #tpu.memory_space<vmem>>
    %dma_wait3A_1142 = arith.constant 0 : i32
    %dma_wait3A_1143 = tpu.memref_slice %arg9[%dma_wait3A_1138, %dma_wait3A_1142] : memref<3x128xi32, #tpu.memory_space<vmem>> -> memref<1x112xi32, #tpu.memory_space<vmem>>
    %dma_wait3A_1144 = tpu.memref_squeeze %dma_wait3A_1143 : memref<1x112xi32, #tpu.memory_space<vmem>> -> memref<112xi32, #tpu.memory_space<vmem>>
    %dma_wait3A_1145 = arith.constant 0 : i32
    %dma_wait3A_1146 = arith.constant 0 : i32
    %dma_wait3A_1147 = tpu.memref_slice %arg2[%dma_wait3A_1145, %dma_wait3A_1146] : memref<100000x128xf32, #tpu.memory_space<hbm>> -> memref<100000x128xf32, #tpu.memory_space<hbm>>
    tpu.wait_indirect_dma semaphore(%arg13 : memref<!tpu.dma_semaphore, #tpu.memory_space<semaphore_mem>>) src(%dma_wait3A_1147 : memref<100000x128xf32, #tpu.memory_space<hbm>>) dst(%dma_wait3A_1141 : memref<112x128xf32, #tpu.memory_space<vmem>>)
    %dma_start3A_1148 = arith.constant 1 : i32
    %dma_start3A_1149 = arith.constant 0 : i32
    %dma_start3A_1150 = arith.constant 0 : i32
    %dma_start3A_1151 = tpu.memref_slice %arg5[%dma_start3A_1149, %dma_start3A_1150] : memref<128x128xf32, #tpu.memory_space<vmem>> -> memref<112x128xf32, #tpu.memory_space<vmem>>
    %dma_start3A_1152 = arith.constant 0 : i32
    %dma_start3A_1153 = tpu.memref_slice %arg9[%dma_start3A_1148, %dma_start3A_1152] : memref<3x128xi32, #tpu.memory_space<vmem>> -> memref<1x112xi32, #tpu.memory_space<vmem>>
    %dma_start3A_1154 = tpu.memref_squeeze %dma_start3A_1153 : memref<1x112xi32, #tpu.memory_space<vmem>> -> memref<112xi32, #tpu.memory_space<vmem>>
    %dma_start3A_1155 = arith.constant 0 : i32
    %dma_start3A_1156 = arith.constant 0 : i32
    %dma_start3A_1157 = tpu.memref_slice %arg2[%dma_start3A_1155, %dma_start3A_1156] : memref<100000x128xf32, #tpu.memory_space<hbm>> -> memref<100000x128xf32, #tpu.memory_space<hbm>>
    tpu.enqueue_indirect_dma source(%dma_start3A_1157 : memref<100000x128xf32, #tpu.memory_space<hbm>>) target(%dma_start3A_1151 : memref<112x128xf32, #tpu.memory_space<vmem>>) offsets(%dma_start3A_1154 : memref<112xi32, #tpu.memory_space<vmem>>) semaphore(%arg13 : memref<!tpu.dma_semaphore, #tpu.memory_space<semaphore_mem>>) {add = true}
    %dma_start3A_1158 = arith.constant 2 : i32
    %dma_start3A_1159 = arith.constant 0 : i32
    %dma_start3A_1160 = arith.constant 0 : i32
    %dma_start3A_1161 = tpu.memref_slice %arg5[%dma_start3A_1159, %dma_start3A_1160] : memref<128x128xf32, #tpu.memory_space<vmem>> -> memref<112x128xf32, #tpu.memory_space<vmem>>
    %dma_start3A_1162 = arith.constant 0 : i32
    %dma_start3A_1163 = tpu.memref_slice %arg9[%dma_start3A_1158, %dma_start3A_1162] : memref<3x128xi32, #tpu.memory_space<vmem>> -> memref<1x112xi32, #tpu.memory_space<vmem>>
    %dma_start3A_1164 = tpu.memref_squeeze %dma_start3A_1163 : memref<1x112xi32, #tpu.memory_space<vmem>> -> memref<112xi32, #tpu.memory_space<vmem>>
    %dma_start3A_1165 = arith.constant 0 : i32
    %dma_start3A_1166 = arith.constant 0 : i32
    %dma_start3A_1167 = tpu.memref_slice %arg2[%dma_start3A_1165, %dma_start3A_1166] : memref<100000x128xf32, #tpu.memory_space<hbm>> -> memref<100000x128xf32, #tpu.memory_space<hbm>>
    tpu.enqueue_indirect_dma source(%dma_start3A_1167 : memref<100000x128xf32, #tpu.memory_space<hbm>>) target(%dma_start3A_1161 : memref<112x128xf32, #tpu.memory_space<vmem>>) offsets(%dma_start3A_1164 : memref<112xi32, #tpu.memory_space<vmem>>) semaphore(%arg13 : memref<!tpu.dma_semaphore, #tpu.memory_space<semaphore_mem>>) {add = true}
    %dma_wait3A_1168 = arith.constant 1 : i32
    %dma_wait3A_1169 = arith.constant 0 : i32
    %dma_wait3A_1170 = arith.constant 0 : i32
    %dma_wait3A_1171 = tpu.memref_slice %arg5[%dma_wait3A_1169, %dma_wait3A_1170] : memref<128x128xf32, #tpu.memory_space<vmem>> -> memref<112x128xf32, #tpu.memory_space<vmem>>
    %dma_wait3A_1172 = arith.constant 0 : i32
    %dma_wait3A_1173 = tpu.memref_slice %arg9[%dma_wait3A_1168, %dma_wait3A_1172] : memref<3x128xi32, #tpu.memory_space<vmem>> -> memref<1x112xi32, #tpu.memory_space<vmem>>
    %dma_wait3A_1174 = tpu.memref_squeeze %dma_wait3A_1173 : memref<1x112xi32, #tpu.memory_space<vmem>> -> memref<112xi32, #tpu.memory_space<vmem>>
    %dma_wait3A_1175 = arith.constant 0 : i32
    %dma_wait3A_1176 = arith.constant 0 : i32
    %dma_wait3A_1177 = tpu.memref_slice %arg2[%dma_wait3A_1175, %dma_wait3A_1176] : memref<100000x128xf32, #tpu.memory_space<hbm>> -> memref<100000x128xf32, #tpu.memory_space<hbm>>
    tpu.wait_indirect_dma semaphore(%arg13 : memref<!tpu.dma_semaphore, #tpu.memory_space<semaphore_mem>>) src(%dma_wait3A_1177 : memref<100000x128xf32, #tpu.memory_space<hbm>>) dst(%dma_wait3A_1171 : memref<112x128xf32, #tpu.memory_space<vmem>>)
    %dma_wait3A_1178 = arith.constant 2 : i32
    %dma_wait3A_1179 = arith.constant 0 : i32
    %dma_wait3A_1180 = arith.constant 0 : i32
    %dma_wait3A_1181 = tpu.memref_slice %arg5[%dma_wait3A_1179, %dma_wait3A_1180] : memref<128x128xf32, #tpu.memory_space<vmem>> -> memref<112x128xf32, #tpu.memory_space<vmem>>
    %dma_wait3A_1182 = arith.constant 0 : i32
    %dma_wait3A_1183 = tpu.memref_slice %arg9[%dma_wait3A_1178, %dma_wait3A_1182] : memref<3x128xi32, #tpu.memory_space<vmem>> -> memref<1x112xi32, #tpu.memory_space<vmem>>
    %dma_wait3A_1184 = tpu.memref_squeeze %dma_wait3A_1183 : memref<1x112xi32, #tpu.memory_space<vmem>> -> memref<112xi32, #tpu.memory_space<vmem>>
    %dma_wait3A_1185 = arith.constant 0 : i32
    %dma_wait3A_1186 = arith.constant 0 : i32
    %dma_wait3A_1187 = tpu.memref_slice %arg2[%dma_wait3A_1185, %dma_wait3A_1186] : memref<100000x128xf32, #tpu.memory_space<hbm>> -> memref<100000x128xf32, #tpu.memory_space<hbm>>
    tpu.wait_indirect_dma semaphore(%arg13 : memref<!tpu.dma_semaphore, #tpu.memory_space<semaphore_mem>>) src(%dma_wait3A_1187 : memref<100000x128xf32, #tpu.memory_space<hbm>>) dst(%dma_wait3A_1181 : memref<112x128xf32, #tpu.memory_space<vmem>>)
    %add3A_1188 = arith.constant 6016 : i32
    %add3A_1189 = arith.addi %add3A_7, %add3A_1188 : i32
    %dma_wait3A_1190 = arith.constant 0 : i32
    %dma_wait3A_1191 = tpu.memref_slice %arg4[%add3A_1189, %dma_wait3A_1190] : memref<200000x128xf32, #tpu.memory_space<hbm>> -> memref<128x128xf32, #tpu.memory_space<hbm>>
    %dma_wait3A_1192 = arith.constant 0 : i32
    %dma_wait3A_1193 = tpu.memref_slice %arg4[%add3A_1189, %dma_wait3A_1192] : memref<200000x128xf32, #tpu.memory_space<hbm>> -> memref<128x128xf32, #tpu.memory_space<hbm>>
    tpu.wait_dma2 semaphore(%arg20 : memref<!tpu.dma_semaphore, #tpu.memory_space<semaphore_mem>>) src(%arg8 : memref<128x128xf32, #tpu.memory_space<vmem>>) dst(%dma_wait3A_1193 : memref<128x128xf32, #tpu.memory_space<hbm>>)
    %sub3A_1194 = arith.constant 112 : i32
    %sub3A_1195 = arith.subi %add3A_12, %sub3A_1194 : i32
    %add3A_1196 = arith.addi %add3A_7, %sub3A_1195 : i32
    "tpu.region"() ({
      %run_scoped3A = tpu.sem_alloc : memref<!tpu.dma_semaphore, #tpu.memory_space<semaphore_mem>>
      %dma_start3A_1197 = arith.constant 0 : i32
      %dma_start3A_1198 = arith.constant 0 : i32
      %dma_start3A_1199 = tpu.memref_slice %arg5[%dma_start3A_1197, %dma_start3A_1198] : memref<128x128xf32, #tpu.memory_space<vmem>> -> memref<112x128xf32, #tpu.memory_space<vmem>>
      %dma_start3A_1200 = arith.constant 0 : i32
      %dma_start3A_1201 = tpu.memref_slice %arg4[%add3A_1196, %dma_start3A_1200] : memref<200000x128xf32, #tpu.memory_space<hbm>> -> memref<112x128xf32, #tpu.memory_space<hbm>>
      %dma_start3A_1202 = arith.constant 0 : i32
      %dma_start3A_1203 = tpu.memref_slice %arg4[%add3A_1196, %dma_start3A_1202] : memref<200000x128xf32, #tpu.memory_space<hbm>> -> memref<112x128xf32, #tpu.memory_space<hbm>>
      %dma_start3A_1204 = arith.constant 0 : i32
      %dma_start3A_1205 = arith.constant 0 : i32
      %dma_start3A_1206 = tpu.memref_slice %arg5[%dma_start3A_1204, %dma_start3A_1205] : memref<128x128xf32, #tpu.memory_space<vmem>> -> memref<112x128xf32, #tpu.memory_space<vmem>>
      tpu.enqueue_dma source(%dma_start3A_1206 : memref<112x128xf32, #tpu.memory_space<vmem>>) target(%dma_start3A_1203 : memref<112x128xf32, #tpu.memory_space<hbm>>) target_semaphore(%run_scoped3A : memref<!tpu.dma_semaphore, #tpu.memory_space<semaphore_mem>>)
      %dma_wait3A_1207 = arith.constant 0 : i32
      %dma_wait3A_1208 = arith.constant 0 : i32
      %dma_wait3A_1209 = tpu.memref_slice %arg5[%dma_wait3A_1207, %dma_wait3A_1208] : memref<128x128xf32, #tpu.memory_space<vmem>> -> memref<112x128xf32, #tpu.memory_space<vmem>>
      %dma_wait3A_1210 = arith.constant 0 : i32
      %dma_wait3A_1211 = tpu.memref_slice %arg4[%add3A_1196, %dma_wait3A_1210] : memref<200000x128xf32, #tpu.memory_space<hbm>> -> memref<112x128xf32, #tpu.memory_space<hbm>>
      %dma_wait3A_1212 = arith.constant 0 : i32
      %dma_wait3A_1213 = tpu.memref_slice %arg4[%add3A_1196, %dma_wait3A_1212] : memref<200000x128xf32, #tpu.memory_space<hbm>> -> memref<112x128xf32, #tpu.memory_space<hbm>>
      %dma_wait3A_1214 = arith.constant 0 : i32
      %dma_wait3A_1215 = arith.constant 0 : i32
      %dma_wait3A_1216 = tpu.memref_slice %arg5[%dma_wait3A_1214, %dma_wait3A_1215] : memref<128x128xf32, #tpu.memory_space<vmem>> -> memref<112x128xf32, #tpu.memory_space<vmem>>
      tpu.wait_dma2 semaphore(%run_scoped3A : memref<!tpu.dma_semaphore, #tpu.memory_space<semaphore_mem>>) src(%dma_wait3A_1216 : memref<112x128xf32, #tpu.memory_space<vmem>>) dst(%dma_wait3A_1213 : memref<112x128xf32, #tpu.memory_space<hbm>>)
      tpu.yield
    }) : () -> ()
    return
  }
}

</mosaic_0001>

<sc_bundles>
// kernel: kernel.3.cloned.1.call-start
scs
__scs_entry_jumppad:
0x0: {  	(pc) =	sbr.rel $0x88, $3  }
0x1: {  	(tag) =	ssettag $0x0;
	lr =	simm.s32 $0x1  }
0x2: {  	[smem:$0x3F9F] =	sst lr;
	_ =	strace $0xD0000000  }
0x3: {  	_ = 	snop  }
0x4: {  	_ = 	snop  }
0x5: {  	_ = 	snop  }
0x6: {  	_ = 	snop  }
0x7: {  	_ = 	snop  }
__scs_overlays_trampoline_lowered:
0x8: {  	[smem:$0x3FAE] =	sst s0  }
0x9: {  	[smem:$0x3FAF] =	sst s1  }
0xa: {  	[smem:$0x3FB0] =	sst s2  }
0xb: {  	[smem:$0x3FB1] =	sst s3  }
0xc: {  	[smem:$0x3FB2] =	sst s4  }
0xd: {  	[smem:$0x3FB3] =	sst s5  }
0xe: {  	[smem:$0x3FB4] =	sst s6  }
0xf: {  	[smem:$0x3FB5] =	sst s7  }
0x10: {  	[smem:$0x3FB6] =	sst s8  }
0x11: {  	[smem:$0x3FB7] =	sst s9;
	s0 =	simm.s32 @!p0 $0x0  }
0x12: {  	s1 =	sld [smem:$0x3F9D];
	s0 =	simm.s32 @p0 $0x1  }
0x13: {  	[smem:$0x3FB8] =	sst s0;
	s0 =	simm.s32 @!p1 $0x0  }
0x14: {  	s2 =	sld [smem:$0x3F9C];
	s0 =	simm.s32 @p1 $0x1  }
0x15: {  	[smem:$0x3FB9] =	sst s0;
	s0 =	simm.s32 @!p2 $0x0  }
0x16: {  	s3 =	sld [smem:$0x3FDB];
	s0 =	simm.s32 @p2 $0x1  }
0x17: {  	s4 =	simm.s32 $0x1BF5;
	[smem:$0x3FBB] =	sst s0  }
0x18: {  	s0 =	sld [smem:$0x3F9E];
	_ =	swait.ge [sflag:s4], $0x0  }
0x19: {  	s7 =	sld [smem:$0x3F9F]  }
0x1a: {  	s8 =	sadd.s32 $0xFFFFE003, lr  }
0x1b: {  	s9 =	sadd.s32 $0xFFFFFEF7, lr;
	s5 =	simm.s32 $0xFFFFFFFF;
	p2 =	slt.u32 s8, $0xFFFFF086  }
0x1c: {  	p1 =	slt.u32 s9, $0xF7A;
	s5 =	simm.s32 @!p2 $0x0  }
0x1d: {  	s5 =	simm.s32 @p1 $0x1;
	p0 =	seq.s32 s7, s2  }
0x1e: {  	s7 =	smul.u32 @!p0 $0xF7A, s2;
	p2 =	seq.s32 @!p0 s5, $0x0  }
0x1f: {  	s9 =	smul.u32 $0xF7A, s1;
	s8 =	simm.s32 @!p0 $0x1BF5;
	p2 =	por !p2, p0  }
0x20: {  	[sflag:s8] =	ssyncset.s32 @!p0 $0xFFFFF086;
	s6 =	sadd.s32 @!p0 s3, s7;
	s7 =	simm.s32 @!p0 $0x108  }
0x21: {  	s3 =	sadd.s32 s3, s9;
	s6 =	sadd.s32 @!p0 $0x88, s6;
	s7 =	simm.s32 @p2 $0x1082  }
0x22: {  	[simem:s7], [sflag:s8] =	dma.local @!p0 [hbm:s6], $0xF7A  }
0x23: {  	s9 =	sor.u32 $0xD0000000, s2;
	s6 =	simm.s32 $0x108;
	_ =	swait.ge @!p0 [sflag:s8], $0x0  }
0x24: {  	s3 =	sadd.s32 $0x88, s3;
	s6 =	simm.s32 @!p1 $0x1082;
	[sflag:s4] =	ssyncset.s32 $0xFFFFF086  }
0x25: {  	[simem:s6], [sflag:s4] =	dma.local [hbm:s3], $0xF7A  }
0x26: {  	[smem:$0x3F9F] =	sst s1;
	(tag) =	ssettag s2;
	_ =	strace s9  }
0x27: {  	s1 =	sld [smem:$0x3FAF]  }
0x28: {  	s2 =	sld [smem:$0x3FB0]  }
0x29: {  	s4 =	sld [smem:$0x3FB2]  }
0x2a: {  	p0 =	seq.s32 s5, $0x0;
	s5 =	sld [smem:$0x3FB3]  }
0x2b: {  	s6 =	sld [smem:$0x3FB4]  }
0x2c: {  	s7 =	sld [smem:$0x3FB5]  }
0x2d: {  	s3 =	simm.s32 $0x108;
	s8 =	sld [smem:$0x3FB6]  }
0x2e: {  	s3 =	simm.s32 @!p0 $0x1082;
	s9 =	sld [smem:$0x3FB7]  }
0x2f: {  	lr =	sadd.s32 s0, s3;
	s0 =	sld [smem:$0x3FAE]  }
0x30: {  	s3 =	sld [smem:$0x3FB1]  }
0x31: {  	[smem:$0x3FBA] =	sst s10  }
0x32: {  	s10 =	sld [smem:$0x3FB8];
	_ =	sdelay $0x3  }
0x33: {  	p0 =	seq.s32 s10, $0x1;
	s10 =	sld [smem:$0x3FBA];
	_ =	sdelay $0x3  }
0x34: {  	[smem:$0x3FBA] =	sst s10  }
0x35: {  	s10 =	sld [smem:$0x3FB9];
	_ =	sdelay $0x3  }
0x36: {  	p1 =	seq.s32 s10, $0x1;
	s10 =	sld [smem:$0x3FBA];
	_ =	sdelay $0x3  }
0x37: {  	[smem:$0x3FBA] =	sst s10  }
0x38: {  	s10 =	sld [smem:$0x3FBB]  }
0x39: {  	_ = 	snop;
	(pc) =	sbr.ind lr, $3  }
0x3a: {  	_ = 	snop  }
0x3b: {  	_ = 	snop  }
0x3c: {  	p2 =	seq.s32 s10, $0x1;
	s10 =	sld [smem:$0x3FBA]  }
0x3d: {  	_ =	shalt  }
0x3e: {  	_ =	shalt  }
0x3f: {  	_ =	shalt  }
0x40: {  	_ =	shalt  }
0x41: {  	_ =	shalt  }
0x42: {  	_ =	shalt  }
0x43: {  	_ =	shalt  }
0x44: {  	_ =	shalt  }
0x45: {  	_ =	shalt  }
0x46: {  	_ =	shalt  }
0x47: {  	_ =	shalt  }
0x48: {  	_ =	shalt  }
0x49: {  	_ =	shalt  }
0x4a: {  	_ =	shalt  }
0x4b: {  	_ =	shalt  }
0x4c: {  	_ =	shalt  }
0x4d: {  	_ =	shalt  }
0x4e: {  	_ =	shalt  }
0x4f: {  	_ =	shalt  }
0x50: {  	_ =	shalt  }
0x51: {  	_ =	shalt  }
0x52: {  	_ =	shalt  }
0x53: {  	_ =	shalt  }
0x54: {  	_ =	shalt  }
0x55: {  	_ =	shalt  }
0x56: {  	_ =	shalt  }
0x57: {  	_ =	shalt  }
0x58: {  	_ =	shalt  }
0x59: {  	_ =	shalt  }
0x5a: {  	_ =	shalt  }
0x5b: {  	_ =	shalt  }
0x5c: {  	_ =	shalt  }
0x5d: {  	_ =	shalt  }
0x5e: {  	_ =	shalt  }
0x5f: {  	_ =	shalt  }
0x60: {  	_ =	shalt  }
0x61: {  	_ =	shalt  }
0x62: {  	_ =	shalt  }
0x63: {  	_ =	shalt  }
0x64: {  	_ =	shalt  }
0x65: {  	_ =	shalt  }
0x66: {  	_ =	shalt  }
0x67: {  	_ =	shalt  }
0x68: {  	_ =	shalt  }
0x69: {  	_ =	shalt  }
0x6a: {  	_ =	shalt  }
0x6b: {  	_ =	shalt  }
0x6c: {  	_ =	shalt  }
0x6d: {  	_ =	shalt  }
0x6e: {  	_ =	shalt  }
0x6f: {  	_ =	shalt  }
0x70: {  	_ =	shalt  }
0x71: {  	_ =	shalt  }
0x72: {  	_ =	shalt  }
0x73: {  	_ =	shalt  }
0x74: {  	_ =	shalt  }
0x75: {  	_ =	shalt  }
0x76: {  	_ =	shalt  }
0x77: {  	_ =	shalt  }
0x78: {  	_ =	shalt  }
0x79: {  	_ =	shalt  }
0x7a: {  	_ =	shalt  }
0x7b: {  	_ =	shalt  }
0x7c: {  	_ =	shalt  }
0x7d: {  	_ =	shalt  }
0x7e: {  	_ =	shalt  }
0x7f: {  	_ =	shalt  }
0x80: {  	_ =	shalt  }
0x81: {  	_ =	shalt  }
0x82: {  	_ =	shalt  }
0x83: {  	_ =	shalt  }
0x84: {  	_ =	shalt  }
0x85: {  	_ =	shalt  }
0x86: {  	_ =	shalt  }
0x87: {  	_ =	shalt  }
.Lfunc_end0:
.L_simem_size_0:
called_computation_lowered:
.L_overlay_start_0:
0x88: {  	s2 =	sld [smem:$0x3FD9]  }
0x89: {  	s3 =	sld [smem:$0x3FFE];
	_ =	sdelay $0x1  }
0x8a: {  	s1 =	srdreg.scid  }
0x8b: {  	s0 =	sand.u32 $0x1, s1  }
0x8c: {  	s17 =	sshll.u32 s0, $0xA;
	s2 =	sadd.s32 s3, s2  }
0x8d: {  	s2 =	sadd.s32 s2, s17  }
0x8e: {  	[smem:$0x3FC6] =	sst s2  }
0x8f: {  	_ = 	snop  }
0x90: {  	s2 =	sld [smem:$0x3FC9]  }
0x91: {  	s18 =	sld [smem:$0x3FD0];
	(tm) =	ssettm $0x1  }
0x92: {  	s4 =	sld [smem:$0x3FFB];
	_ =	sdelay $0x3  }
0x93: {  	_ =	strace s4  }
0x94: {  	s4 =	sld [smem:$0x3FFC];
	_ =	sdelay $0x3  }
0x95: {  	_ =	strace s4  }
0x96: {  	s4 =	sld [smem:$0x3FFD];
	_ =	sdelay $0x3  }
0x97: {  	_ =	strace s4  }
0x98: {  	_ =	strace $0x8FFFFFFF  }
0x99: {  	s19 =	sld [smem:$0x3FDB];
	_ =	sdelay $0x1  }
0x9a: {  	s5 =	simm.s32 $_scs_section_size  }
0x9b: {  	s6 =	simm.s32 $_size__tile_overlayer_lowered;
	s7 =	simm.s32 $_tile_overlayer_lowered  }
0x9c: {  	s22 =	simm.s32 $0x1BFF;
	s21 =	sshll.u32 s7, $0x1;
	s4 =	sadd.s32 s5, s19  }
0x9d: {  	s8 =	simm.s32 $0x0;
	s20 =	sshll.u32 s6, $0x1;
	s6 =	sadd.s32 s21, s4  }
0x9e: {  	[timem:s8], [sflag:s22] =	dma.local [hbm:s6], s20  }
0x9f: {  	_ =	swait.ge [sflag:s22], s20  }
0xa0: {  	s5 =	ssub.s32 $0x0, s20;
	[sflag:s22] =	ssyncset.done $0x0  }
0xa1: {  	[sflag:s22] =	ssyncadd.s32 s5;
	_ =	sdelay $0x1  }
0xa2: {  	s23 =	simm.s32 $0x1B8B  }
0xa3: {  	_ =	swait.ge [sflag:s23], $0x1  }
0xa4: {  	[sflag:s23] =	ssyncset.done $0x0  }
0xa5: {  	s25 =	simm.s32 $0x1B8E;
	s24 =	sld [smem:$0x3FFE];
	[sflag:s23] =	ssyncadd.s32 $0xFFFFFFFF  }
0xa6: {  	s26 =	simm.s32 $execute0_lowered;
	[smem:$0x3FD2] =	sst s25  }
0xa7: {  	s6 =	sshll.u32 s26, $0x1;
	_ =	strace $0x80000046;
	[dreg:$0x1] =	wrdreg $0xFFFFFFFF  }
0xa8: {  	s28 =	simm.s32 $_size_execute0_lowered;
	s4 =	sadd.s32 s4, s6;
	[dreg:$0x0] =	wrdreg $0x0  }
0xa9: {  	s6 =	sshll.u32 s28, $0x1;
	[dreg:$0x2] =	wrdreg s4  }
0xaa: {  	[dreg:$0x3] =	wrdreg s6  }
0xab: {  	[dreg:$0x4] =	wrdreg $0xC0  }
0xac: {  	_ =	task [dreg:s8], $0x5FFFF  }
0xad: {  	[dreg:$0x1] =	wrdreg $0xFFFFFFFF  }
0xae: {  	[dreg:$0x0] =	wrdreg $0x60  }
0xaf: {  	[dreg:$0x2] =	wrdreg s2  }
0xb0: {  	[dreg:$0x3] =	wrdreg s24  }
0xb1: {  	[dreg:$0x4] =	wrdreg s18  }
0xb2: {  	[dreg:$0x5] =	wrdreg $0x9  }
0xb3: {  	_ =	task.clear_ibuf [dreg:s8], $0x6FFFF;
	_ =	strace $0x90000046  }
0xb4: {  	s29 =	simm.s32 $0x9;
	_ =	strace $0x80000048  }
0xb5: {  	_ =	swait.ge [sflag:s29], $0x1  }
0xb6: {  	[sflag:s29] =	ssyncadd.s32 $0xFFFFFFFF  }
0xb7: {  	_ =	strace $0x90000048  }
0xb8: {  	_ =	sfence  }
0xb9: {  	s30 =	sld [smem:$0x0];
	_ =	sdelay $0x2  }
0xba: {  	s31 =	sshll.u32 s1, $0xD;
	s1 =	sshrl.u32 s1, $0x2  }
0xbb: {  	s3 =	sand.u32 $0x4000, s31;
	s1 =	sadd.s32 s1, s30  }
0xbc: {  	s0 =	sor.u32 s3, s0;
	s1 =	sshll.u32 s1, $0x11  }
0xbd: {  	s0 =	sor.u32 s1, s0  }
0xbe: {  	s0 =	sadd.s32 $0x8F2B, s0  }
0xbf: {  	[sflag:s0] =	ssyncadd.remote.s32 $0x1  }
0xc0: {  	_ =	sfence.sel $0xFFFF  }
0xc1: {  	[dreg:$0x0] =	wrdreg $0xFFFFFFFF;
	(pc) =	sbr.abs _section_cstart, $3  }
0xc2: {  	[dreg:$0x1] =	wrdreg $0xFFFFFFFF  }
0xc3: {  	_ =	task.clear_ibuf [dreg:s8], $0x2FFFF;
	_ =	strace $0x9FFFFFFF  }
0xc4: {  	(tm) =	ssettm $0x7FFFFFFF  }
0xc5: {  	_ =	shalt  }
tec
execute0_lowered:
.L_overlay_start_1:
0x0: {  	(tag) =	ssettag $0x1  }
0x1: {  	s1 =	rddreg [dreg:$0x0]  }
0x2: {  	s0 =	srdreg.scid;
	s2 =	rddreg [dreg:$0x1]  }
0x3: {  	s11 =	stileid.u32;
	s4 =	rddreg [dreg:$0x2]  }
0x4: {  	s3 =	simm.s32 $0x0;
	s5 =	sand.u32 $0x1, s0;
	s19 =	sshll.u32 s11, $0x1  }
0x5: {  	[smem:$0x7FF] =	sst s3;
	p0 =	sgt.u32 s11, $0xB;
	s29 =	smul.u32 $0x30D0, s11  }
0x6: {  	s0 =	sor.u32 s5, s19;
	s8 =	ssub.s32 $0x2, s5;
	s5 =	smul.u32 $0x1868, s5  }
0x7: {  	_ =	strace $0x80000047;
	s6 =	smul.u32 $0x1868, s0;
	s0 =	smax.u32 s0, $0x18  }
0x8: {  	s9 =	sshrl.u32 s8, $0x1;
	s7 =	sshll.u32 s0, $0x3;
	s0 =	sadd.s32 $0x400, s2  }
0x9: {  	s2 =	ssub.s32 s8, s9;
	s5 =	sadd.s32 s5, s29;
	s6 =	sadd.s32 s7, s6  }
0xa: {  	s5 =	sadd.s32 s7, s5;
	s2 =	smax.u32 s2, $0x1;
	s10 =	sadd.s32 $0xFFFFFF40, s6  }
0xb: {  	s21 =	sadd.s32 $0xFFFFFFC0, s6;
	s11 =	sadd.s32 $0x1640, s6;
	s6 =	sadd.s32 $0x16C0, s6  }
0xc: {  	s19 =	sadd.s32 $0x3C0, s5;
	s29 =	sadd.s32 $0x61DC0, s5;
	[smem:$0x7E5] =	sst s2  }
0xd: {  	s20 =	sshrl.u32 s10, $0x3;
	s24 =	sshrl.u32 s21, $0x3;
	s26 =	sshll.u32 s10, $0x4  }
0xe: {  	s31 =	sshll.u32 s6, $0x4;
	s6 =	sshrl.u32 s6, $0x3;
	s9 =	sadd.s32 s0, s24  }
0xf: {  	s8 =	sshll.u32 s21, $0x4;
	s6 =	sadd.s32 s0, s6;
	[dreg:$0x13] =	wrdreg s9  }
0x10: {  	s30 =	sshll.u32 s11, $0x4;
	s13 =	sadd.s32 s0, s20;
	[dreg:$0x1f] =	wrdreg s6  }
0x11: {  	s21 =	sadd.s32 $0x61E40, s5;
	s22 =	sadd.s32 $0x61A8, s13;
	[dreg:$0x10] =	wrdreg s13  }
0x12: {  	s8 =	sand.u32 $0x1FFFFF80, s8;
	s23 =	sadd.s32 $0xC350, s13;
	[dreg:$0x11] =	wrdreg s22  }
0x13: {  	s16 =	sand.u32 $0x1FFFFF80, s31;
	s25 =	sadd.s32 $0x61B8, s13;
	[dreg:$0x12] =	wrdreg s23  }
0x14: {  	s20 =	sadd.s32 $0x31100, s5;
	s12 =	sadd.s32 $0xC360, s13;
	[dreg:$0x14] =	wrdreg s25  }
0x15: {  	s31 =	sshrl.u32 s29, $0x3;
	s28 =	sadd.s32 $0x20, s13;
	[dreg:$0x15] =	wrdreg s12  }
0x16: {  	s9 =	sand.u32 $0x1FFFFF80, s26;
	s8 =	sadd.s32 s4, s8;
	[dreg:$0x16] =	wrdreg s28  }
0x17: {  	s17 =	sadd.s32 s4, s16;
	s14 =	sadd.s32 s4, s9;
	[dreg:$0x18] =	wrdreg s8  }
0x18: {  	[dreg:$0x1a] =	wrdreg s17;
	s23 =	sshrl.u32 s21, $0x3;
	s21 =	sadd.s32 $0x61C8, s13  }
0x19: {  	s8 =	simm.s32 $0x1800;
	s9 =	sshrl.u32 s19, $0x3;
	[dreg:$0x1c] =	wrdreg s21  }
0x1a: {  	s25 =	sadd.s32 $0x340, s5;
	s9 =	sadd.s32 s9, s0;
	[dreg:$0x17] =	wrdreg s14  }
0x1b: {  	s17 =	sadd.s32 $0x31000, s5;
	s24 =	sadd.s32 s23, s0;
	[dreg:$0x4] =	wrdreg s9  }
0x1c: {  	s26 =	sshrl.u32 s25, $0x3;
	s23 =	sadd.s32 $0xC370, s13;
	[dreg:$0x6] =	wrdreg s24  }
0x1d: {  	s25 =	sshrl.u32 s11, $0x3;
	s11 =	sadd.s32 $0x61D8, s13;
	[dreg:$0x1d] =	wrdreg s23  }
0x1e: {  	s8 =	simm.s32 @!p0 $0x17F8;
	s21 =	sadd.s32 $0x15000, s14;
	[smem:$0x7EB] =	sst s11  }
0x1f: {  	s8 =	sadd.s32 s8, s10;
	s9 =	sadd.s32 s26, s0;
	[smem:$0x7F3] =	sst s21  }
0x20: {  	s10 =	sand.u32 $0x1FFFFF80, s30;
	s23 =	sadd.s32 $0xC630, s13;
	[dreg:$0x7] =	wrdreg s9  }
0x21: {  	s15 =	sadd.s32 s4, s10;
	s10 =	sshrl.u32 s20, $0x3;
	[smem:$0x7F5] =	sst s23  }
0x22: {  	s9 =	sshrl.u32 s17, $0x3;
	s17 =	sadd.s32 $0xC390, s13;
	[dreg:$0x19] =	wrdreg s15  }
0x23: {  	s28 =	sadd.s32 $0x31080, s5;
	s22 =	sadd.s32 s10, s0;
	[smem:$0x7EF] =	sst s17  }
0x24: {  	s12 =	sshll.u32 s5, $0x4;
	s19 =	sadd.s32 s9, s0;
	[dreg:$0x5] =	wrdreg s22  }
0x25: {  	s18 =	sshll.u32 s8, $0x4;
	s9 =	sadd.s32 s0, s25;
	[dreg:$0xb] =	wrdreg s19  }
0x26: {  	s7 =	sand.u32 $0x1FFFFF80, s18;
	s25 =	sadd.s32 $0x6498, s13;
	[dreg:$0x1e] =	wrdreg s9  }
0x27: {  	s10 =	sshrl.u32 s28, $0x3;
	s7 =	sadd.s32 s4, s7;
	[smem:$0x7F7] =	sst s25  }
0x28: {  	s15 =	sadd.s32 $0x2C0, s5;
	s30 =	sadd.s32 s10, s0;
	[dreg:$0x1b] =	wrdreg s7  }
0x29: {  	s18 =	sadd.s32 $0x61D40, s5;
	s10 =	sadd.s32 s31, s0;
	[dreg:$0x8] =	wrdreg s30  }
0x2a: {  	s4 =	sadd.s32 s4, s12;
	s12 =	sadd.s32 $0xC380, s13;
	[dreg:$0x9] =	wrdreg s10  }
0x2b: {  	s16 =	sshrl.u32 s15, $0x3;
	s15 =	sadd.s32 $0x40, s13;
	[smem:$0x7EC] =	sst s12  }
0x2c: {  	s20 =	sshrl.u32 s18, $0x3;
	s18 =	sadd.s32 $0x50, s13;
	[smem:$0x7ED] =	sst s15  }
0x2d: {  	s19 =	sadd.s32 $0x61F8, s13;
	[smem:$0x7F0] =	sst s18  }
0x2e: {  	s29 =	sadd.s32 $0x30F80, s5;
	s7 =	sadd.s32 s16, s0;
	[smem:$0x7F1] =	sst s19  }
0x2f: {  	s6 =	sshrl.u32 s29, $0x3;
	s22 =	sadd.s32 s20, s0;
	[dreg:$0xa] =	wrdreg s7  }
0x30: {  	s24 =	sadd.s32 $0x240, s5;
	s30 =	sadd.s32 s6, s0;
	[dreg:$0xc] =	wrdreg s22  }
0x31: {  	s11 =	simm.s32 $0x9;
	s31 =	sadd.s32 $0x1400, s4;
	[dreg:$0xe] =	wrdreg s30  }
0x32: {  	s23 =	simm.s32 $0x6;
	s6 =	sadd.s32 $0xC00, s4;
	[smem:$0x7E6] =	sst s31  }
0x33: {  	s28 =	sshrl.u32 s8, $0x3;
	s8 =	sadd.s32 $0x1C00, s4;
	[smem:$0x7E7] =	sst s6  }
0x34: {  	s5 =	sadd.s32 $0x61CC0, s5;
	s9 =	sadd.s32 $0x400, s4;
	[smem:$0x7E8] =	sst s8  }
0x35: {  	s5 =	sshrl.u32 s5, $0x3;
	s10 =	sadd.s32 $0x30, s13;
	[smem:$0x7E9] =	sst s9  }
0x36: {  	s16 =	sadd.s32 $0x61E8, s13;
	s20 =	sadd.s32 $0xC3A0, s13;
	[smem:$0x7EA] =	sst s10  }
0x37: {  	s15 =	simm.s32 $0xC000;
	s4 =	simm.s32 $0x0;
	[smem:$0x7EE] =	sst s16  }
0x38: {  	s7 =	sshrl.u32 s24, $0x3;
	[smem:$0x7F2] =	sst s20;
	s22 =	sadd.s32 $0x6488, s13  }
0x39: {  	s24 =	sadd.s32 $0x15800, s14;
	s31 =	sadd.s32 $0x16800, s14;
	[smem:$0x7F4] =	sst s22  }
0x3a: {  	s6 =	simm.s32 $0x4000;
	s8 =	simm.s32 $0x8000;
	[smem:$0x7F6] =	sst s24  }
0x3b: {  	s16 =	simm.s32 $0x3;
	s26 =	sadd.s32 s7, s0;
	[smem:$0x7FD] =	sst s31  }
0x3c: {  	s7 =	sadd.s32 s0, s28;
	s0 =	sadd.s32 s5, s0;
	[dreg:$0xd] =	wrdreg s26  }
0x3d: {  	s20 =	simm.s32 $0x5;
	s28 =	sadd.s32 $0x16000, s14;
	[dreg:$0xf] =	wrdreg s0  }
0x3e: {  	s5 =	simm.s32 $0xA;
	s14 =	simm.s32 $0xC;
	[smem:$0x7F9] =	sst s28  }
0x3f: {  	s22 =	simm.s32 $0x7;
	s26 =	sadd.s32 $0xC640, s13;
	[smem:$0x7FB] =	sst s7  }
0x40: {  	s24 =	simm.s32 $0x8;
	s29 =	sadd.s32 $0x61A8, s7;
	[smem:$0x7F8] =	sst s26  }
0x41: {  	s30 =	sadd.s32 $0xC350, s7;
	s0 =	simm.s32 $0x80;
	[smem:$0x7FA] =	sst s29  }
0x42: {  	s7 =	simm.s32 $0xB;
	s13 =	simm.s32 $0x1;
	[smem:$0x7FC] =	sst s30  }
.LBB2_1:
0x43: {  	[smem:$0x7E4] =	sst s4  }
0x44: {  	s18 =	rddreg [dreg:$0x10];
	s25 =	simm.s32 $0x10000  }
0x45: {  	[tilespmem:s25], [sflag:$0x9] =	stream.linear.gather [hbm4b:s18+s3], $0x80, $0x38;
	[tilespmem:$0x10600] =	vst v63  }
0x46: {  	s17 =	rddreg [dreg:$0x11];
	s9 =	simm.s32 $0x10080  }
0x47: {  	[tilespmem:s9], [sflag:$0x9] =	stream.linear.gather [hbm4b:s17+s3], $0x80, $0x38;
	[tilespmem:$0x10600] =	vst v63  }
0x48: {  	s19 =	rddreg [dreg:$0x12];
	s10 =	simm.s32 $0x10100  }
0x49: {  	[tilespmem:s10], [sflag:$0x9] =	stream.linear.gather [hbm4b:s19+s3], $0x80, $0x38;
	[tilespmem:$0x10600] =	vst v63  }
0x4a: {  	s21 =	rddreg [dreg:$0x13];
	s31 =	simm.s32 $0x10180  }
0x4b: {  	[tilespmem:s31], [sflag:$0xA] =	stream.linear.gather [hbm4b:s21+s3], $0x80, $0x38;
	[tilespmem:$0x10600] =	vst v63  }
0x4c: {  	s26 =	rddreg [dreg:$0x14];
	s2 =	simm.s32 $0x10200  }
0x4d: {  	[tilespmem:s2], [sflag:$0xA] =	stream.linear.gather [hbm4b:s26+s3], $0x80, $0x38;
	[tilespmem:$0x10600] =	vst v63  }
0x4e: {  	s28 =	rddreg [dreg:$0x15];
	s29 =	simm.s32 $0x10280  }
0x4f: {  	[tilespmem:s29], [sflag:$0xA] =	stream.linear.gather [hbm4b:s28+s3], $0x80, $0x38;
	[tilespmem:$0x10600] =	vst v63  }
0x50: {  	s30 =	rddreg [dreg:$0x16];
	s17 =	simm.s32 $0x10300  }
0x51: {  	[tilespmem:s17], [sflag:$0xB] =	stream.linear.gather [hbm4b:s30+s3], $0x80, $0x38;
	[tilespmem:$0x10600] =	vst v63  }
0x52: {  	s4 =	simm.s32 $0x10380;
	s2 =	rddreg [dreg:$0x1c]  }
0x53: {  	[tilespmem:s4], [sflag:$0xB] =	stream.linear.gather [hbm4b:s2+s3], $0x80, $0x38;
	[tilespmem:$0x10600] =	vst v63  }
0x54: {  	s12 =	rddreg [dreg:$0x1d];
	s4 =	simm.s32 $0x10400  }
0x55: {  	[tilespmem:s4], [sflag:$0xB] =	stream.linear.gather [hbm4b:s12+s3], $0x80, $0x38;
	[tilespmem:$0x10600] =	vst v63  }
0x56: {  	_ =	swait.ge [sflag:s11], $0x80  }
0x57: {  	[sflag:s11] =	ssyncset.done $0x0  }
0x58: {  	[sflag:s11] =	ssyncadd.s32 $0xFFFFFF80  }
0x59: {  	_ =	swait.ge [sflag:s11], $0x80  }
0x5a: {  	[sflag:s11] =	ssyncset.done $0x0  }
0x5b: {  	[sflag:s11] =	ssyncadd.s32 $0xFFFFFF80  }
0x5c: {  	_ =	swait.ge [sflag:s11], $0x80  }
0x5d: {  	[sflag:s11] =	ssyncset.done $0x0  }
0x5e: {  	[sflag:s11] =	ssyncadd.s32 $0xFFFFFF80  }
0x5f: {  	[tilespmem:s3], [sflag:$0x1] =	stream.indirect.gather [hbm4b:s1+s0], $0x80, s25, s0, $0xb8;
	[tilespmem:$0x10600] =	vst v63  }
0x60: {  	_ =	swait.ge [sflag:s5], $0x80  }
0x61: {  	[sflag:s5] =	ssyncset.done $0x0  }
0x62: {  	[sflag:s5] =	ssyncadd.s32 $0xFFFFFF80  }
0x63: {  	_ =	swait.ge [sflag:s5], $0x80  }
0x64: {  	[sflag:s5] =	ssyncset.done $0x0  }
0x65: {  	[sflag:s5] =	ssyncadd.s32 $0xFFFFFF80  }
0x66: {  	_ =	swait.ge [sflag:s5], $0x80  }
0x67: {  	[sflag:s5] =	ssyncset.done $0x0  }
0x68: {  	[sflag:s5] =	ssyncadd.s32 $0xFFFFFF80  }
0x69: {  	[tilespmem:s6], [sflag:$0x3] =	stream.indirect.gather [hbm4b:s1+s0], $0x80, s31, s0, $0xb8;
	[tilespmem:$0x10600] =	vst v63  }
0x6a: {  	_ =	swait.ge [sflag:s7], $0x80  }
0x6b: {  	[sflag:s7] =	ssyncset.done $0x0  }
0x6c: {  	[sflag:s7] =	ssyncadd.s32 $0xFFFFFF80  }
0x6d: {  	_ =	swait.ge [sflag:s7], $0x80  }
0x6e: {  	[sflag:s7] =	ssyncset.done $0x0  }
0x6f: {  	[sflag:s7] =	ssyncadd.s32 $0xFFFFFF80  }
0x70: {  	_ =	swait.ge [sflag:s7], $0x80  }
0x71: {  	[sflag:s7] =	ssyncset.done $0x0  }
0x72: {  	s19 =	sld [smem:$0x7EA];
	[sflag:s7] =	ssyncadd.s32 $0xFFFFFF80  }
0x73: {  	[tilespmem:s8], [sflag:$0x5] =	stream.indirect.gather [hbm4b:s1+s0], $0x80, s17, s0, $0xb8;
	[tilespmem:$0x10600] =	vst v63  }
0x74: {  	s29 =	simm.s32 $0x10480;
	s21 =	sld [smem:$0x7EB]  }
0x75: {  	[tilespmem:s29], [sflag:$0xC] =	stream.linear.gather [hbm4b:s19+s3], $0x80, $0x38;
	[tilespmem:$0x10600] =	vst v63  }
0x76: {  	s26 =	simm.s32 $0x10500;
	s30 =	sld [smem:$0x7EC]  }
0x77: {  	[tilespmem:s26], [sflag:$0xC] =	stream.linear.gather [hbm4b:s21+s3], $0x80, $0x38;
	[tilespmem:$0x10600] =	vst v63  }
0x78: {  	s12 =	simm.s32 $0x10580  }
0x79: {  	[tilespmem:s12], [sflag:$0xC] =	stream.linear.gather [hbm4b:s30+s3], $0x80, $0x38;
	[tilespmem:$0x10600] =	vst v63  }
0x7a: {  	_ =	swait.ge [sflag:s13], $0x4000  }
0x7b: {  	[sflag:s13] =	ssyncset.done $0x0  }
0x7c: {  	[sflag:s13] =	ssyncadd.s32 $0xFFFFC000  }
0x7d: {  	[tilespmem:s3], [sflag:$0x1] =	stream.indirect.gather.add.f32 [hbm:s1], $0x80, s9, s0, $0xb8;
	[tilespmem:$0x10600] =	vst v63  }
0x7e: {  	_ = 	snop  }
0x7f: {  	[tilespmem:s3], [sflag:$0x1] =	stream.indirect.gather.add.f32 [hbm:s1], $0x80, s10, s0, $0xb8;
	[tilespmem:$0x10600] =	vst v63  }
0x80: {  	_ =	swait.ge [sflag:s13], $0x4000  }
0x81: {  	[sflag:s13] =	ssyncset.done $0x0  }
0x82: {  	[sflag:s13] =	ssyncadd.s32 $0xFFFFC000  }
0x83: {  	_ =	swait.ge [sflag:s13], $0x4000  }
0x84: {  	[sflag:s13] =	ssyncset.done $0x0  }
0x85: {  	s2 =	rddreg [dreg:$0x17];
	[sflag:s13] =	ssyncadd.s32 $0xFFFFC000  }
0x86: {  	[hbm4b:s2+s3] =	stream.linear.scatter [tilespmem:s3], [sflag:$0x2], $0x4000, $0x38;
	[tilespmem:$0x10600] =	vst v63  }
0x87: {  	_ =	swait.ge [sflag:s14], $0x80  }
0x88: {  	[sflag:s14] =	ssyncset.done $0x0  }
0x89: {  	[sflag:s14] =	ssyncadd.s32 $0xFFFFFF80  }
0x8a: {  	_ =	swait.ge [sflag:s14], $0x80  }
0x8b: {  	[sflag:s14] =	ssyncset.done $0x0  }
0x8c: {  	[sflag:s14] =	ssyncadd.s32 $0xFFFFFF80  }
0x8d: {  	_ =	swait.ge [sflag:s14], $0x80  }
0x8e: {  	[sflag:s14] =	ssyncset.done $0x0  }
0x8f: {  	s19 =	sld [smem:$0x7ED];
	[sflag:s14] =	ssyncadd.s32 $0xFFFFFF80  }
0x90: {  	[tilespmem:s15], [sflag:$0x7] =	stream.indirect.gather [hbm4b:s1+s0], $0x80, s29, s0, $0xb8;
	[tilespmem:$0x10600] =	vst v63  }
0x91: {  	s21 =	sld [smem:$0x7EE]  }
0x92: {  	[tilespmem:s25], [sflag:$0x9] =	stream.linear.gather [hbm4b:s19+s3], $0x80, $0x38;
	[tilespmem:$0x10600] =	vst v63  }
0x93: {  	s30 =	sld [smem:$0x7EF]  }
0x94: {  	[tilespmem:s9], [sflag:$0x9] =	stream.linear.gather [hbm4b:s21+s3], $0x80, $0x38;
	[tilespmem:$0x10600] =	vst v63  }
0x95: {  	_ = 	snop  }
0x96: {  	[tilespmem:s10], [sflag:$0x9] =	stream.linear.gather [hbm4b:s30+s3], $0x80, $0x38;
	[tilespmem:$0x10600] =	vst v63  }
0x97: {  	_ =	swait.ge [sflag:s16], $0x4000  }
0x98: {  	[sflag:s16] =	ssyncset.done $0x0  }
0x99: {  	s21 =	simm.s32 $0x10200;
	[sflag:s16] =	ssyncadd.s32 $0xFFFFC000  }
0x9a: {  	[tilespmem:s6], [sflag:$0x3] =	stream.indirect.gather.add.f32 [hbm:s1], $0x80, s21, s0, $0xb8;
	[tilespmem:$0x10600] =	vst v63  }
0x9b: {  	s19 =	simm.s32 $0x10280  }
0x9c: {  	[tilespmem:s6], [sflag:$0x3] =	stream.indirect.gather.add.f32 [hbm:s1], $0x80, s19, s0, $0xb8;
	[tilespmem:$0x10600] =	vst v63  }
0x9d: {  	_ =	swait.ge [sflag:s16], $0x4000  }
0x9e: {  	[sflag:s16] =	ssyncset.done $0x0  }
0x9f: {  	[sflag:s16] =	ssyncadd.s32 $0xFFFFC000  }
0xa0: {  	_ =	swait.ge [sflag:s16], $0x4000  }
0xa1: {  	[sflag:s16] =	ssyncset.done $0x0  }
0xa2: {  	s2 =	rddreg [dreg:$0x18];
	[sflag:s16] =	ssyncadd.s32 $0xFFFFC000  }
0xa3: {  	[hbm4b:s2+s3] =	stream.linear.scatter [tilespmem:s6], [sflag:$0x4], $0x4000, $0x38;
	[tilespmem:$0x10600] =	vst v63  }
0xa4: {  	s2 =	simm.s32 $0x2  }
0xa5: {  	_ =	swait.ge [sflag:s2], $0x4000  }
0xa6: {  	[sflag:s2] =	ssyncset.done $0x0  }
0xa7: {  	[sflag:s2] =	ssyncadd.s32 $0xFFFFC000  }
0xa8: {  	_ =	swait.ge [sflag:s11], $0x80  }
0xa9: {  	[sflag:s11] =	ssyncset.done $0x0  }
0xaa: {  	[sflag:s11] =	ssyncadd.s32 $0xFFFFFF80  }
0xab: {  	_ =	swait.ge [sflag:s11], $0x80  }
0xac: {  	[sflag:s11] =	ssyncset.done $0x0  }
0xad: {  	[sflag:s11] =	ssyncadd.s32 $0xFFFFFF80  }
0xae: {  	_ =	swait.ge [sflag:s11], $0x80  }
0xaf: {  	[sflag:s11] =	ssyncset.done $0x0  }
0xb0: {  	s30 =	sld [smem:$0x7F0];
	[sflag:s11] =	ssyncadd.s32 $0xFFFFFF80  }
0xb1: {  	[tilespmem:s3], [sflag:$0x1] =	stream.indirect.gather [hbm4b:s1+s0], $0x80, s25, s0, $0xb8;
	[tilespmem:$0x10600] =	vst v63  }
0xb2: {  	_ = 	snop  }
0xb3: {  	[tilespmem:s31], [sflag:$0xA] =	stream.linear.gather [hbm4b:s30+s3], $0x80, $0x38;
	[tilespmem:$0x10600] =	vst v63  }
0xb4: {  	s30 =	sld [smem:$0x7F1];
	_ =	sdelay $0x2  }
0xb5: {  	[tilespmem:s21], [sflag:$0xA] =	stream.linear.gather [hbm4b:s30+s3], $0x80, $0x38;
	[tilespmem:$0x10600] =	vst v63  }
0xb6: {  	s30 =	sld [smem:$0x7F2];
	_ =	sdelay $0x2  }
0xb7: {  	[tilespmem:s19], [sflag:$0xA] =	stream.linear.gather [hbm4b:s30+s3], $0x80, $0x38;
	[tilespmem:$0x10600] =	vst v63  }
0xb8: {  	_ =	swait.ge [sflag:s20], $0x4000  }
0xb9: {  	[sflag:s20] =	ssyncset.done $0x0  }
0xba: {  	s28 =	simm.s32 $0x10380;
	[sflag:s20] =	ssyncadd.s32 $0xFFFFC000  }
0xbb: {  	[tilespmem:s8], [sflag:$0x5] =	stream.indirect.gather.add.f32 [hbm:s1], $0x80, s28, s0, $0xb8;
	[tilespmem:$0x10600] =	vst v63  }
0xbc: {  	_ = 	snop  }
0xbd: {  	[tilespmem:s8], [sflag:$0x5] =	stream.indirect.gather.add.f32 [hbm:s1], $0x80, s4, s0, $0xb8;
	[tilespmem:$0x10600] =	vst v63  }
0xbe: {  	_ =	swait.ge [sflag:s20], $0x4000  }
0xbf: {  	[sflag:s20] =	ssyncset.done $0x0  }
0xc0: {  	[sflag:s20] =	ssyncadd.s32 $0xFFFFC000  }
0xc1: {  	_ =	swait.ge [sflag:s20], $0x4000  }
0xc2: {  	s30 =	sld [smem:$0x7E9]  }
0xc3: {  	[sflag:s20] =	ssyncset.done $0x0  }
0xc4: {  	s19 =	simm.s32 $0x4;
	[sflag:s20] =	ssyncadd.s32 $0xFFFFC000  }
0xc5: {  	[hbm4b:s30+s3] =	stream.linear.scatter [tilespmem:s8], [sflag:$0x6], $0x4000, $0x38;
	[tilespmem:$0x10600] =	vst v63  }
0xc6: {  	_ =	swait.ge [sflag:s19], $0x4000  }
0xc7: {  	[sflag:s19] =	ssyncset.done $0x0  }
0xc8: {  	[sflag:s19] =	ssyncadd.s32 $0xFFFFC000  }
0xc9: {  	_ =	swait.ge [sflag:s5], $0x80  }
0xca: {  	[sflag:s5] =	ssyncset.done $0x0  }
0xcb: {  	[sflag:s5] =	ssyncadd.s32 $0xFFFFFF80  }
0xcc: {  	_ =	swait.ge [sflag:s5], $0x80  }
0xcd: {  	[sflag:s5] =	ssyncset.done $0x0  }
0xce: {  	[sflag:s5] =	ssyncadd.s32 $0xFFFFFF80  }
0xcf: {  	_ =	swait.ge [sflag:s5], $0x80  }
0xd0: {  	[sflag:s5] =	ssyncset.done $0x0  }
0xd1: {  	s21 =	rddreg [dreg:$0xd];
	[sflag:s5] =	ssyncadd.s32 $0xFFFFFF80  }
0xd2: {  	[tilespmem:s6], [sflag:$0x3] =	stream.indirect.gather [hbm4b:s1+s0], $0x80, s31, s0, $0xb8;
	[tilespmem:$0x10600] =	vst v63  }
0xd3: {  	s19 =	rddreg [dreg:$0xe];
	s18 =	sadd.s32 $0x0, s21  }
0xd4: {  	[tilespmem:s17], [sflag:$0xB] =	stream.linear.gather [hbm4b:s18+s3], $0x80, $0x38;
	[tilespmem:$0x10600] =	vst v63  }
0xd5: {  	s21 =	rddreg [dreg:$0xf];
	s19 =	sadd.s32 $0x0, s19  }
0xd6: {  	[tilespmem:s28], [sflag:$0xB] =	stream.linear.gather [hbm4b:s19+s3], $0x80, $0x38;
	[tilespmem:$0x10600] =	vst v63  }
0xd7: {  	s28 =	sadd.s32 $0x0, s21  }
0xd8: {  	[tilespmem:s4], [sflag:$0xB] =	stream.linear.gather [hbm4b:s28+s3], $0x80, $0x38;
	[tilespmem:$0x10600] =	vst v63  }
0xd9: {  	_ =	swait.ge [sflag:s22], $0x4000  }
0xda: {  	[sflag:s22] =	ssyncset.done $0x0  }
0xdb: {  	[sflag:s22] =	ssyncadd.s32 $0xFFFFC000  }
0xdc: {  	[tilespmem:s15], [sflag:$0x7] =	stream.indirect.gather.add.f32 [hbm:s1], $0x80, s26, s0, $0xb8;
	[tilespmem:$0x10600] =	vst v63  }
0xdd: {  	_ = 	snop  }
0xde: {  	[tilespmem:s15], [sflag:$0x7] =	stream.indirect.gather.add.f32 [hbm:s1], $0x80, s12, s0, $0xb8;
	[tilespmem:$0x10600] =	vst v63  }
0xdf: {  	_ =	swait.ge [sflag:s22], $0x4000  }
0xe0: {  	[sflag:s22] =	ssyncset.done $0x0  }
0xe1: {  	[sflag:s22] =	ssyncadd.s32 $0xFFFFC000  }
0xe2: {  	_ =	swait.ge [sflag:s22], $0x4000  }
0xe3: {  	s28 =	sld [smem:$0x7E7]  }
0xe4: {  	[sflag:s22] =	ssyncset.done $0x0  }
0xe5: {  	[sflag:s22] =	ssyncadd.s32 $0xFFFFC000  }
0xe6: {  	[hbm4b:s28+s3] =	stream.linear.scatter [tilespmem:s15], [sflag:$0x8], $0x4000, $0x38;
	[tilespmem:$0x10600] =	vst v63  }
0xe7: {  	_ =	swait.ge [sflag:s23], $0x4000  }
0xe8: {  	[sflag:s23] =	ssyncset.done $0x0  }
0xe9: {  	[sflag:s23] =	ssyncadd.s32 $0xFFFFC000  }
0xea: {  	_ =	swait.ge [sflag:s7], $0x80  }
0xeb: {  	[sflag:s7] =	ssyncset.done $0x0  }
0xec: {  	[sflag:s7] =	ssyncadd.s32 $0xFFFFFF80  }
0xed: {  	_ =	swait.ge [sflag:s7], $0x80  }
0xee: {  	[sflag:s7] =	ssyncset.done $0x0  }
0xef: {  	[sflag:s7] =	ssyncadd.s32 $0xFFFFFF80  }
0xf0: {  	_ =	swait.ge [sflag:s7], $0x80  }
0xf1: {  	[sflag:s7] =	ssyncset.done $0x0  }
0xf2: {  	s19 =	rddreg [dreg:$0xa];
	[sflag:s7] =	ssyncadd.s32 $0xFFFFFF80  }
0xf3: {  	[tilespmem:s8], [sflag:$0x5] =	stream.indirect.gather [hbm4b:s1+s0], $0x80, s17, s0, $0xb8;
	[tilespmem:$0x10600] =	vst v63  }
0xf4: {  	s21 =	rddreg [dreg:$0xb];
	s18 =	sadd.s32 $0x0, s19  }
0xf5: {  	[tilespmem:s29], [sflag:$0xC] =	stream.linear.gather [hbm4b:s18+s3], $0x80, $0x38;
	[tilespmem:$0x10600] =	vst v63  }
0xf6: {  	s4 =	rddreg [dreg:$0xc];
	s17 =	sadd.s32 $0x0, s21  }
0xf7: {  	[tilespmem:s26], [sflag:$0xC] =	stream.linear.gather [hbm4b:s17+s3], $0x80, $0x38;
	[tilespmem:$0x10600] =	vst v63  }
0xf8: {  	s19 =	sadd.s32 $0x0, s4  }
0xf9: {  	[tilespmem:s12], [sflag:$0xC] =	stream.linear.gather [hbm4b:s19+s3], $0x80, $0x38;
	[tilespmem:$0x10600] =	vst v63  }
0xfa: {  	_ =	swait.ge [sflag:s13], $0x4000  }
0xfb: {  	[sflag:s13] =	ssyncset.done $0x0  }
0xfc: {  	[sflag:s13] =	ssyncadd.s32 $0xFFFFC000  }
0xfd: {  	[tilespmem:s3], [sflag:$0x1] =	stream.indirect.gather.add.f32 [hbm:s1], $0x80, s9, s0, $0xb8;
	[tilespmem:$0x10600] =	vst v63  }
0xfe: {  	_ = 	snop  }
0xff: {  	[tilespmem:s3], [sflag:$0x1] =	stream.indirect.gather.add.f32 [hbm:s1], $0x80, s10, s0, $0xb8;
	[tilespmem:$0x10600] =	vst v63  }
0x100: {  	_ =	swait.ge [sflag:s13], $0x4000  }
0x101: {  	[sflag:s13] =	ssyncset.done $0x0  }
0x102: {  	[sflag:s13] =	ssyncadd.s32 $0xFFFFC000  }
0x103: {  	_ =	swait.ge [sflag:s13], $0x4000  }
0x104: {  	s26 =	sld [smem:$0x7E6]  }
0x105: {  	[sflag:s13] =	ssyncset.done $0x0  }
0x106: {  	[sflag:s13] =	ssyncadd.s32 $0xFFFFC000  }
0x107: {  	[hbm4b:s26+s3] =	stream.linear.scatter [tilespmem:s3], [sflag:$0x2], $0x4000, $0x38;
	[tilespmem:$0x10600] =	vst v63  }
0x108: {  	_ =	swait.ge [sflag:s24], $0x4000  }
0x109: {  	[sflag:s24] =	ssyncset.done $0x0  }
0x10a: {  	[sflag:s24] =	ssyncadd.s32 $0xFFFFC000  }
0x10b: {  	_ =	swait.ge [sflag:s14], $0x80  }
0x10c: {  	[sflag:s14] =	ssyncset.done $0x0  }
0x10d: {  	[sflag:s14] =	ssyncadd.s32 $0xFFFFFF80  }
0x10e: {  	_ =	swait.ge [sflag:s14], $0x80  }
0x10f: {  	[sflag:s14] =	ssyncset.done $0x0  }
0x110: {  	[sflag:s14] =	ssyncadd.s32 $0xFFFFFF80  }
0x111: {  	_ =	swait.ge [sflag:s14], $0x80  }
0x112: {  	[sflag:s14] =	ssyncset.done $0x0  }
0x113: {  	s21 =	rddreg [dreg:$0x7];
	[sflag:s14] =	ssyncadd.s32 $0xFFFFFF80  }
0x114: {  	[tilespmem:s15], [sflag:$0x7] =	stream.indirect.gather [hbm4b:s1+s0], $0x80, s29, s0, $0xb8;
	[tilespmem:$0x10600] =	vst v63  }
0x115: {  	s4 =	rddreg [dreg:$0x8];
	s18 =	sadd.s32 $0x0, s21  }
0x116: {  	[tilespmem:s25], [sflag:$0x9] =	stream.linear.gather [hbm4b:s18+s3], $0x80, $0x38;
	[tilespmem:$0x10600] =	vst v63  }
0x117: {  	s12 =	rddreg [dreg:$0x9];
	s17 =	sadd.s32 $0x0, s4  }
0x118: {  	[tilespmem:s9], [sflag:$0x9] =	stream.linear.gather [hbm4b:s17+s3], $0x80, $0x38;
	[tilespmem:$0x10600] =	vst v63  }
0x119: {  	s19 =	sadd.s32 $0x0, s12  }
0x11a: {  	[tilespmem:s10], [sflag:$0x9] =	stream.linear.gather [hbm4b:s19+s3], $0x80, $0x38;
	[tilespmem:$0x10600] =	vst v63  }
0x11b: {  	_ =	swait.ge [sflag:s16], $0x4000  }
0x11c: {  	[sflag:s16] =	ssyncset.done $0x0  }
0x11d: {  	s21 =	simm.s32 $0x10200;
	[sflag:s16] =	ssyncadd.s32 $0xFFFFC000  }
0x11e: {  	[tilespmem:s6], [sflag:$0x3] =	stream.indirect.gather.add.f32 [hbm:s1], $0x80, s21, s0, $0xb8;
	[tilespmem:$0x10600] =	vst v63  }
0x11f: {  	s4 =	simm.s32 $0x10280  }
0x120: {  	[tilespmem:s6], [sflag:$0x3] =	stream.indirect.gather.add.f32 [hbm:s1], $0x80, s4, s0, $0xb8;
	[tilespmem:$0x10600] =	vst v63  }
0x121: {  	_ =	swait.ge [sflag:s16], $0x4000  }
0x122: {  	[sflag:s16] =	ssyncset.done $0x0  }
0x123: {  	[sflag:s16] =	ssyncadd.s32 $0xFFFFC000  }
0x124: {  	_ =	swait.ge [sflag:s16], $0x4000  }
0x125: {  	s29 =	sld [smem:$0x7E8]  }
0x126: {  	[sflag:s16] =	ssyncset.done $0x0  }
0x127: {  	[sflag:s16] =	ssyncadd.s32 $0xFFFFC000  }
0x128: {  	[hbm4b:s29+s3] =	stream.linear.scatter [tilespmem:s6], [sflag:$0x4], $0x4000, $0x38;
	[tilespmem:$0x10600] =	vst v63  }
0x129: {  	_ =	swait.ge [sflag:s2], $0x4000  }
0x12a: {  	[sflag:s2] =	ssyncset.done $0x0  }
0x12b: {  	[sflag:s2] =	ssyncadd.s32 $0xFFFFC000  }
0x12c: {  	_ =	swait.ge [sflag:s11], $0x80  }
0x12d: {  	[sflag:s11] =	ssyncset.done $0x0  }
0x12e: {  	[sflag:s11] =	ssyncadd.s32 $0xFFFFFF80  }
0x12f: {  	_ =	swait.ge [sflag:s11], $0x80  }
0x130: {  	[sflag:s11] =	ssyncset.done $0x0  }
0x131: {  	[sflag:s11] =	ssyncadd.s32 $0xFFFFFF80  }
0x132: {  	_ =	swait.ge [sflag:s11], $0x80  }
0x133: {  	[sflag:s11] =	ssyncset.done $0x0  }
0x134: {  	s10 =	rddreg [dreg:$0x4];
	[sflag:s11] =	ssyncadd.s32 $0xFFFFFF80  }
0x135: {  	[tilespmem:s3], [sflag:$0x1] =	stream.indirect.gather [hbm4b:s1+s0], $0x80, s25, s0, $0xb8;
	[tilespmem:$0x10600] =	vst v63  }
0x136: {  	s12 =	rddreg [dreg:$0x5];
	s18 =	sadd.s32 $0x0, s10  }
0x137: {  	[tilespmem:s31], [sflag:$0xA] =	stream.linear.gather [hbm4b:s18+s3], $0x80, $0x38;
	[tilespmem:$0x10600] =	vst v63  }
0x138: {  	s17 =	rddreg [dreg:$0x6];
	s19 =	sadd.s32 $0x0, s12  }
0x139: {  	[tilespmem:s21], [sflag:$0xA] =	stream.linear.gather [hbm4b:s19+s3], $0x80, $0x38;
	[tilespmem:$0x10600] =	vst v63  }
0x13a: {  	s25 =	sadd.s32 $0x0, s17  }
0x13b: {  	[tilespmem:s4], [sflag:$0xA] =	stream.linear.gather [hbm4b:s25+s3], $0x80, $0x38;
	[tilespmem:$0x10600] =	vst v63  }
0x13c: {  	s31 =	simm.s32 $0x10380;
	s18 =	sadd.s32 $0x2000, s30;
	_ =	swait.ge [sflag:s20], $0x4000  }
0x13d: {  	s19 =	sadd.s32 $0x2000, s26;
	s21 =	sadd.s32 $0x2000, s28;
	[sflag:s20] =	ssyncset.done $0x0  }
0x13e: {  	s26 =	sadd.s32 $0x2000, s29;
	s25 =	simm.s32 $0x40;
	[sflag:s20] =	ssyncadd.s32 $0xFFFFC000  }
0x13f: {  	[tilespmem:s8], [sflag:$0x5] =	stream.indirect.gather.add.f32 [hbm:s1], $0x80, s31, s0, $0xb8;
	[tilespmem:$0x10600] =	vst v63  }
.LBB2_2:
0x140: {  	s9 =	simm.s32 $0x10400  }
0x141: {  	[tilespmem:s8], [sflag:$0x5] =	stream.indirect.gather.add.f32 [hbm:s1], $0x80, s9, s0, $0xb8;
	[tilespmem:$0x10600] =	vst v63  }
0x142: {  	_ =	swait.ge [sflag:s20], $0x4000  }
0x143: {  	[sflag:s20] =	ssyncset.done $0x0  }
0x144: {  	[sflag:s20] =	ssyncadd.s32 $0xFFFFC000  }
0x145: {  	_ =	swait.ge [sflag:s20], $0x4000  }
0x146: {  	[sflag:s20] =	ssyncset.done $0x0  }
0x147: {  	s2 =	simm.s32 $0x4;
	[sflag:s20] =	ssyncadd.s32 $0xFFFFC000  }
0x148: {  	[hbm4b:s18+s3] =	stream.linear.scatter [tilespmem:s8], [sflag:$0x6], $0x4000, $0x38;
	[tilespmem:$0x10600] =	vst v63  }
0x149: {  	_ =	swait.ge [sflag:s2], $0x4000  }
0x14a: {  	[sflag:s2] =	ssyncset.done $0x0  }
0x14b: {  	[sflag:s2] =	ssyncadd.s32 $0xFFFFC000  }
0x14c: {  	_ =	swait.ge [sflag:s5], $0x80  }
0x14d: {  	[sflag:s5] =	ssyncset.done $0x0  }
0x14e: {  	[sflag:s5] =	ssyncadd.s32 $0xFFFFFF80  }
0x14f: {  	_ =	swait.ge [sflag:s5], $0x80  }
0x150: {  	[sflag:s5] =	ssyncset.done $0x0  }
0x151: {  	[sflag:s5] =	ssyncadd.s32 $0xFFFFFF80  }
0x152: {  	_ =	swait.ge [sflag:s5], $0x80  }
0x153: {  	s28 =	smov.u32 s25;
	[sflag:s5] =	ssyncset.done $0x0  }
0x154: {  	s12 =	simm.s32 $0x10180;
	s29 =	rddreg [dreg:$0xd];
	[sflag:s5] =	ssyncadd.s32 $0xFFFFFF80  }
0x155: {  	[tilespmem:s6], [sflag:$0x3] =	stream.indirect.gather [hbm4b:s1+s0], $0x80, s12, s0, $0xb8;
	[tilespmem:$0x10600] =	vst v63  }
0x156: {  	s2 =	simm.s32 $0x10300;
	s30 =	rddreg [dreg:$0xe];
	s29 =	sadd.s32 s28, s29  }
0x157: {  	[tilespmem:s2], [sflag:$0xB] =	stream.linear.gather [hbm4b:s29+s3], $0x80, $0x38;
	[tilespmem:$0x10600] =	vst v63  }
0x158: {  	s4 =	simm.s32 $0x10380;
	s31 =	rddreg [dreg:$0xf];
	s17 =	sadd.s32 s28, s30  }
0x159: {  	[tilespmem:s4], [sflag:$0xB] =	stream.linear.gather [hbm4b:s17+s3], $0x80, $0x38;
	[tilespmem:$0x10600] =	vst v63  }
0x15a: {  	s30 =	sadd.s32 s28, s31  }
0x15b: {  	[tilespmem:s9], [sflag:$0xB] =	stream.linear.gather [hbm4b:s30+s3], $0x80, $0x38;
	[tilespmem:$0x10600] =	vst v63  }
0x15c: {  	_ =	swait.ge [sflag:s22], $0x4000  }
0x15d: {  	[sflag:s22] =	ssyncset.done $0x0  }
0x15e: {  	s9 =	simm.s32 $0x10500;
	[sflag:s22] =	ssyncadd.s32 $0xFFFFC000  }
0x15f: {  	[tilespmem:s15], [sflag:$0x7] =	stream.indirect.gather.add.f32 [hbm:s1], $0x80, s9, s0, $0xb8;
	[tilespmem:$0x10600] =	vst v63  }
0x160: {  	s10 =	simm.s32 $0x10580  }
0x161: {  	[tilespmem:s15], [sflag:$0x7] =	stream.indirect.gather.add.f32 [hbm:s1], $0x80, s10, s0, $0xb8;
	[tilespmem:$0x10600] =	vst v63  }
0x162: {  	_ =	swait.ge [sflag:s22], $0x4000  }
0x163: {  	[sflag:s22] =	ssyncset.done $0x0  }
0x164: {  	[sflag:s22] =	ssyncadd.s32 $0xFFFFC000  }
0x165: {  	_ =	swait.ge [sflag:s22], $0x4000  }
0x166: {  	[sflag:s22] =	ssyncset.done $0x0  }
0x167: {  	[sflag:s22] =	ssyncadd.s32 $0xFFFFC000  }
0x168: {  	[hbm4b:s21+s3] =	stream.linear.scatter [tilespmem:s15], [sflag:$0x8], $0x4000, $0x38;
	[tilespmem:$0x10600] =	vst v63  }
0x169: {  	_ =	swait.ge [sflag:s23], $0x4000  }
0x16a: {  	[sflag:s23] =	ssyncset.done $0x0  }
0x16b: {  	[sflag:s23] =	ssyncadd.s32 $0xFFFFC000  }
0x16c: {  	_ =	swait.ge [sflag:s7], $0x80  }
0x16d: {  	[sflag:s7] =	ssyncset.done $0x0  }
0x16e: {  	[sflag:s7] =	ssyncadd.s32 $0xFFFFFF80  }
0x16f: {  	_ =	swait.ge [sflag:s7], $0x80  }
0x170: {  	[sflag:s7] =	ssyncset.done $0x0  }
0x171: {  	[sflag:s7] =	ssyncadd.s32 $0xFFFFFF80  }
0x172: {  	_ =	swait.ge [sflag:s7], $0x80  }
0x173: {  	[sflag:s7] =	ssyncset.done $0x0  }
0x174: {  	s31 =	rddreg [dreg:$0xa];
	[sflag:s7] =	ssyncadd.s32 $0xFFFFFF80  }
0x175: {  	[tilespmem:s8], [sflag:$0x5] =	stream.indirect.gather [hbm4b:s1+s0], $0x80, s2, s0, $0xb8;
	[tilespmem:$0x10600] =	vst v63  }
0x176: {  	s17 =	rddreg [dreg:$0xb];
	s29 =	sadd.s32 s28, s31;
	s2 =	simm.s32 $0x10480  }
0x177: {  	[tilespmem:s2], [sflag:$0xC] =	stream.linear.gather [hbm4b:s29+s3], $0x80, $0x38;
	[tilespmem:$0x10600] =	vst v63  }
0x178: {  	s31 =	rddreg [dreg:$0xc];
	s17 =	sadd.s32 s28, s17  }
0x179: {  	[tilespmem:s9], [sflag:$0xC] =	stream.linear.gather [hbm4b:s17+s3], $0x80, $0x38;
	[tilespmem:$0x10600] =	vst v63  }
0x17a: {  	s30 =	sadd.s32 s28, s31  }
0x17b: {  	[tilespmem:s10], [sflag:$0xC] =	stream.linear.gather [hbm4b:s30+s3], $0x80, $0x38;
	[tilespmem:$0x10600] =	vst v63  }
0x17c: {  	_ =	swait.ge [sflag:s13], $0x4000  }
0x17d: {  	[sflag:s13] =	ssyncset.done $0x0  }
0x17e: {  	s9 =	simm.s32 $0x10080;
	[sflag:s13] =	ssyncadd.s32 $0xFFFFC000  }
0x17f: {  	[tilespmem:s3], [sflag:$0x1] =	stream.indirect.gather.add.f32 [hbm:s1], $0x80, s9, s0, $0xb8;
	[tilespmem:$0x10600] =	vst v63  }
0x180: {  	s10 =	simm.s32 $0x10100  }
0x181: {  	[tilespmem:s3], [sflag:$0x1] =	stream.indirect.gather.add.f32 [hbm:s1], $0x80, s10, s0, $0xb8;
	[tilespmem:$0x10600] =	vst v63  }
0x182: {  	_ =	swait.ge [sflag:s13], $0x4000  }
0x183: {  	[sflag:s13] =	ssyncset.done $0x0  }
0x184: {  	[sflag:s13] =	ssyncadd.s32 $0xFFFFC000  }
0x185: {  	_ =	swait.ge [sflag:s13], $0x4000  }
0x186: {  	[sflag:s13] =	ssyncset.done $0x0  }
0x187: {  	[sflag:s13] =	ssyncadd.s32 $0xFFFFC000  }
0x188: {  	[hbm4b:s19+s3] =	stream.linear.scatter [tilespmem:s3], [sflag:$0x2], $0x4000, $0x38;
	[tilespmem:$0x10600] =	vst v63  }
0x189: {  	_ =	swait.ge [sflag:s24], $0x4000  }
0x18a: {  	[sflag:s24] =	ssyncset.done $0x0  }
0x18b: {  	[sflag:s24] =	ssyncadd.s32 $0xFFFFC000  }
0x18c: {  	_ =	swait.ge [sflag:s14], $0x80  }
0x18d: {  	[sflag:s14] =	ssyncset.done $0x0  }
0x18e: {  	[sflag:s14] =	ssyncadd.s32 $0xFFFFFF80  }
0x18f: {  	_ =	swait.ge [sflag:s14], $0x80  }
0x190: {  	[sflag:s14] =	ssyncset.done $0x0  }
0x191: {  	[sflag:s14] =	ssyncadd.s32 $0xFFFFFF80  }
0x192: {  	_ =	swait.ge [sflag:s14], $0x80  }
0x193: {  	[sflag:s14] =	ssyncset.done $0x0  }
0x194: {  	s31 =	rddreg [dreg:$0x7];
	[sflag:s14] =	ssyncadd.s32 $0xFFFFFF80  }
0x195: {  	[tilespmem:s15], [sflag:$0x7] =	stream.indirect.gather [hbm4b:s1+s0], $0x80, s2, s0, $0xb8;
	[tilespmem:$0x10600] =	vst v63  }
0x196: {  	s30 =	rddreg [dreg:$0x8];
	s29 =	sadd.s32 s28, s31;
	s2 =	simm.s32 $0x10000  }
0x197: {  	[tilespmem:s2], [sflag:$0x9] =	stream.linear.gather [hbm4b:s29+s3], $0x80, $0x38;
	[tilespmem:$0x10600] =	vst v63  }
0x198: {  	s17 =	rddreg [dreg:$0x9];
	s30 =	sadd.s32 s28, s30  }
0x199: {  	[tilespmem:s9], [sflag:$0x9] =	stream.linear.gather [hbm4b:s30+s3], $0x80, $0x38;
	[tilespmem:$0x10600] =	vst v63  }
0x19a: {  	s17 =	sadd.s32 s28, s17  }
0x19b: {  	[tilespmem:s10], [sflag:$0x9] =	stream.linear.gather [hbm4b:s17+s3], $0x80, $0x38;
	[tilespmem:$0x10600] =	vst v63  }
0x19c: {  	_ =	swait.ge [sflag:s16], $0x4000  }
0x19d: {  	[sflag:s16] =	ssyncset.done $0x0  }
0x19e: {  	s9 =	simm.s32 $0x10200;
	[sflag:s16] =	ssyncadd.s32 $0xFFFFC000  }
0x19f: {  	[tilespmem:s6], [sflag:$0x3] =	stream.indirect.gather.add.f32 [hbm:s1], $0x80, s9, s0, $0xb8;
	[tilespmem:$0x10600] =	vst v63  }
0x1a0: {  	s17 =	simm.s32 $0x10280  }
0x1a1: {  	[tilespmem:s6], [sflag:$0x3] =	stream.indirect.gather.add.f32 [hbm:s1], $0x80, s17, s0, $0xb8;
	[tilespmem:$0x10600] =	vst v63  }
0x1a2: {  	_ =	swait.ge [sflag:s16], $0x4000  }
0x1a3: {  	[sflag:s16] =	ssyncset.done $0x0  }
0x1a4: {  	[sflag:s16] =	ssyncadd.s32 $0xFFFFC000  }
0x1a5: {  	_ =	swait.ge [sflag:s16], $0x4000  }
0x1a6: {  	[sflag:s16] =	ssyncset.done $0x0  }
0x1a7: {  	s30 =	simm.s32 $0x2;
	[sflag:s16] =	ssyncadd.s32 $0xFFFFC000  }
0x1a8: {  	[hbm4b:s26+s3] =	stream.linear.scatter [tilespmem:s6], [sflag:$0x4], $0x4000, $0x38;
	[tilespmem:$0x10600] =	vst v63  }
0x1a9: {  	_ =	swait.ge [sflag:s30], $0x4000  }
0x1aa: {  	[sflag:s30] =	ssyncset.done $0x0  }
0x1ab: {  	[sflag:s30] =	ssyncadd.s32 $0xFFFFC000  }
0x1ac: {  	_ =	swait.ge [sflag:s11], $0x80  }
0x1ad: {  	[sflag:s11] =	ssyncset.done $0x0  }
0x1ae: {  	[sflag:s11] =	ssyncadd.s32 $0xFFFFFF80  }
0x1af: {  	_ =	swait.ge [sflag:s11], $0x80  }
0x1b0: {  	[sflag:s11] =	ssyncset.done $0x0  }
0x1b1: {  	[sflag:s11] =	ssyncadd.s32 $0xFFFFFF80  }
0x1b2: {  	_ =	swait.ge [sflag:s11], $0x80  }
0x1b3: {  	[sflag:s11] =	ssyncset.done $0x0  }
0x1b4: {  	s31 =	rddreg [dreg:$0x4];
	[sflag:s11] =	ssyncadd.s32 $0xFFFFFF80  }
0x1b5: {  	[tilespmem:s3], [sflag:$0x1] =	stream.indirect.gather [hbm4b:s1+s0], $0x80, s2, s0, $0xb8;
	[tilespmem:$0x10600] =	vst v63  }
0x1b6: {  	s10 =	rddreg [dreg:$0x5];
	s29 =	sadd.s32 s28, s31  }
0x1b7: {  	[tilespmem:s12], [sflag:$0xA] =	stream.linear.gather [hbm4b:s29+s3], $0x80, $0x38;
	[tilespmem:$0x10600] =	vst v63  }
0x1b8: {  	s31 =	rddreg [dreg:$0x6];
	s30 =	sadd.s32 s28, s10  }
0x1b9: {  	[tilespmem:s9], [sflag:$0xA] =	stream.linear.gather [hbm4b:s30+s3], $0x80, $0x38;
	[tilespmem:$0x10600] =	vst v63  }
0x1ba: {  	p0 =	sne.s32 s25, $0x240;
	s28 =	sadd.s32 s28, s31  }
0x1bb: {  	[tilespmem:s17], [sflag:$0xA] =	stream.linear.gather [hbm4b:s28+s3], $0x80, $0x38;
	[tilespmem:$0x10600] =	vst v63  }
.Ltmp0:
0x1bc: {  	s25 =	sadd.s32 $0x40, s25;
	s18 =	sadd.s32 $0x2000, s18;
	(pc) =	sbr.rel @p0 .LBB2_2-.Ltmp0, $4  }
0x1bd: {  	s21 =	sadd.s32 $0x2000, s21;
	s19 =	sadd.s32 $0x2000, s19;
	_ =	swait.ge [sflag:s20], $0x4000  }
0x1be: {  	s26 =	sadd.s32 $0x2000, s26;
	s10 =	simm.s32 $0x10200;
	[sflag:s20] =	ssyncset.done $0x0  }
0x1bf: {  	s2 =	simm.s32 $0x10180;
	s12 =	simm.s32 $0x10280;
	[sflag:s20] =	ssyncadd.s32 $0xFFFFC000  }
0x1c0: {  	[tilespmem:s8], [sflag:$0x5] =	stream.indirect.gather.add.f32 [hbm:s1], $0x80, s4, s0, $0xb8;
	[tilespmem:$0x10600] =	vst v63  }
0x1c1: {  	s17 =	simm.s32 $0x10400  }
0x1c2: {  	[tilespmem:s8], [sflag:$0x5] =	stream.indirect.gather.add.f32 [hbm:s1], $0x80, s17, s0, $0xb8;
	[tilespmem:$0x10600] =	vst v63  }
0x1c3: {  	_ =	swait.ge [sflag:s20], $0x4000  }
0x1c4: {  	[sflag:s20] =	ssyncset.done $0x0  }
0x1c5: {  	[sflag:s20] =	ssyncadd.s32 $0xFFFFC000  }
0x1c6: {  	_ =	swait.ge [sflag:s20], $0x4000  }
0x1c7: {  	s18 =	sld [smem:$0x7F3]  }
0x1c8: {  	[sflag:s20] =	ssyncset.done $0x0  }
0x1c9: {  	s26 =	simm.s32 $0x4;
	[sflag:s20] =	ssyncadd.s32 $0xFFFFC000  }
0x1ca: {  	[hbm4b:s18+s3] =	stream.linear.scatter [tilespmem:s8], [sflag:$0x6], $0x4000, $0x38;
	[tilespmem:$0x10600] =	vst v63  }
0x1cb: {  	_ =	swait.ge [sflag:s26], $0x4000  }
0x1cc: {  	[sflag:s26] =	ssyncset.done $0x0  }
0x1cd: {  	[sflag:s26] =	ssyncadd.s32 $0xFFFFC000  }
0x1ce: {  	_ =	swait.ge [sflag:s5], $0x80  }
0x1cf: {  	[sflag:s5] =	ssyncset.done $0x0  }
0x1d0: {  	[sflag:s5] =	ssyncadd.s32 $0xFFFFFF80  }
0x1d1: {  	_ =	swait.ge [sflag:s5], $0x80  }
0x1d2: {  	[sflag:s5] =	ssyncset.done $0x0  }
0x1d3: {  	[sflag:s5] =	ssyncadd.s32 $0xFFFFFF80  }
0x1d4: {  	_ =	swait.ge [sflag:s5], $0x80  }
0x1d5: {  	[sflag:s5] =	ssyncset.done $0x0  }
0x1d6: {  	s9 =	rddreg [dreg:$0x1e];
	[sflag:s5] =	ssyncadd.s32 $0xFFFFFF80  }
0x1d7: {  	[tilespmem:s6], [sflag:$0x3] =	stream.indirect.gather [hbm4b:s1+s0], $0x80, s2, s0, $0xb8;
	[tilespmem:$0x10600] =	vst v63  }
0x1d8: {  	s19 =	simm.s32 $0x10300;
	s25 =	sld [smem:$0x7F4]  }
0x1d9: {  	[tilespmem:s19], [sflag:$0xB] =	stream.linear.gather [hbm4b:s9+s3], $0x80, $0x38;
	[tilespmem:$0x10600] =	vst v63  }
0x1da: {  	s4 =	simm.s32 $0x10380;
	s28 =	sld [smem:$0x7F5]  }
0x1db: {  	[tilespmem:s4], [sflag:$0xB] =	stream.linear.gather [hbm4b:s25+s3], $0x80, $0x38;
	[tilespmem:$0x10600] =	vst v63  }
0x1dc: {  	_ = 	snop  }
0x1dd: {  	[tilespmem:s17], [sflag:$0xB] =	stream.linear.gather [hbm4b:s28+s3], $0x80, $0x38;
	[tilespmem:$0x10600] =	vst v63  }
0x1de: {  	_ =	swait.ge [sflag:s22], $0x4000  }
0x1df: {  	[sflag:s22] =	ssyncset.done $0x0  }
0x1e0: {  	s21 =	simm.s32 $0x10500;
	[sflag:s22] =	ssyncadd.s32 $0xFFFFC000  }
0x1e1: {  	[tilespmem:s15], [sflag:$0x7] =	stream.indirect.gather.add.f32 [hbm:s1], $0x80, s21, s0, $0xb8;
	[tilespmem:$0x10600] =	vst v63  }
0x1e2: {  	s25 =	simm.s32 $0x10580  }
0x1e3: {  	[tilespmem:s15], [sflag:$0x7] =	stream.indirect.gather.add.f32 [hbm:s1], $0x80, s25, s0, $0xb8;
	[tilespmem:$0x10600] =	vst v63  }
0x1e4: {  	_ =	swait.ge [sflag:s22], $0x4000  }
0x1e5: {  	[sflag:s22] =	ssyncset.done $0x0  }
0x1e6: {  	[sflag:s22] =	ssyncadd.s32 $0xFFFFC000  }
0x1e7: {  	_ =	swait.ge [sflag:s22], $0x4000  }
0x1e8: {  	s29 =	sld [smem:$0x7F6]  }
0x1e9: {  	[sflag:s22] =	ssyncset.done $0x0  }
0x1ea: {  	[sflag:s22] =	ssyncadd.s32 $0xFFFFC000  }
0x1eb: {  	[hbm4b:s29+s3] =	stream.linear.scatter [tilespmem:s15], [sflag:$0x8], $0x4000, $0x38;
	[tilespmem:$0x10600] =	vst v63  }
0x1ec: {  	_ =	swait.ge [sflag:s23], $0x4000  }
0x1ed: {  	[sflag:s23] =	ssyncset.done $0x0  }
0x1ee: {  	[sflag:s23] =	ssyncadd.s32 $0xFFFFC000  }
0x1ef: {  	_ =	swait.ge [sflag:s7], $0x80  }
0x1f0: {  	[sflag:s7] =	ssyncset.done $0x0  }
0x1f1: {  	[sflag:s7] =	ssyncadd.s32 $0xFFFFFF80  }
0x1f2: {  	_ =	swait.ge [sflag:s7], $0x80  }
0x1f3: {  	[sflag:s7] =	ssyncset.done $0x0  }
0x1f4: {  	[sflag:s7] =	ssyncadd.s32 $0xFFFFFF80  }
0x1f5: {  	_ =	swait.ge [sflag:s7], $0x80  }
0x1f6: {  	[sflag:s7] =	ssyncset.done $0x0  }
0x1f7: {  	s30 =	rddreg [dreg:$0x1f];
	[sflag:s7] =	ssyncadd.s32 $0xFFFFFF80  }
0x1f8: {  	[tilespmem:s8], [sflag:$0x5] =	stream.indirect.gather [hbm4b:s1+s0], $0x80, s19, s0, $0xb8;
	[tilespmem:$0x10600] =	vst v63  }
0x1f9: {  	s31 =	simm.s32 $0x10480;
	s28 =	sld [smem:$0x7F7]  }
0x1fa: {  	[tilespmem:s31], [sflag:$0xC] =	stream.linear.gather [hbm4b:s30+s3], $0x80, $0x38;
	[tilespmem:$0x10600] =	vst v63  }
0x1fb: {  	s29 =	sld [smem:$0x7F8]  }
0x1fc: {  	[tilespmem:s21], [sflag:$0xC] =	stream.linear.gather [hbm4b:s28+s3], $0x80, $0x38;
	[tilespmem:$0x10600] =	vst v63  }
0x1fd: {  	_ = 	snop  }
0x1fe: {  	[tilespmem:s25], [sflag:$0xC] =	stream.linear.gather [hbm4b:s29+s3], $0x80, $0x38;
	[tilespmem:$0x10600] =	vst v63  }
0x1ff: {  	_ =	swait.ge [sflag:s13], $0x4000  }
0x200: {  	[sflag:s13] =	ssyncset.done $0x0  }
0x201: {  	s19 =	simm.s32 $0x10080;
	[sflag:s13] =	ssyncadd.s32 $0xFFFFC000  }
0x202: {  	[tilespmem:s3], [sflag:$0x1] =	stream.indirect.gather.add.f32 [hbm:s1], $0x80, s19, s0, $0xb8;
	[tilespmem:$0x10600] =	vst v63  }
0x203: {  	s9 =	simm.s32 $0x10100  }
0x204: {  	[tilespmem:s3], [sflag:$0x1] =	stream.indirect.gather.add.f32 [hbm:s1], $0x80, s9, s0, $0xb8;
	[tilespmem:$0x10600] =	vst v63  }
0x205: {  	_ =	swait.ge [sflag:s13], $0x4000  }
0x206: {  	[sflag:s13] =	ssyncset.done $0x0  }
0x207: {  	[sflag:s13] =	ssyncadd.s32 $0xFFFFC000  }
0x208: {  	_ =	swait.ge [sflag:s13], $0x4000  }
0x209: {  	s30 =	sld [smem:$0x7F9]  }
0x20a: {  	[sflag:s13] =	ssyncset.done $0x0  }
0x20b: {  	[sflag:s13] =	ssyncadd.s32 $0xFFFFC000  }
0x20c: {  	[hbm4b:s30+s3] =	stream.linear.scatter [tilespmem:s3], [sflag:$0x2], $0x4000, $0x38;
	[tilespmem:$0x10600] =	vst v63  }
0x20d: {  	_ =	swait.ge [sflag:s24], $0x4000  }
0x20e: {  	[sflag:s24] =	ssyncset.done $0x0  }
0x20f: {  	[sflag:s24] =	ssyncadd.s32 $0xFFFFC000  }
0x210: {  	_ =	swait.ge [sflag:s14], $0x80  }
0x211: {  	[sflag:s14] =	ssyncset.done $0x0  }
0x212: {  	[sflag:s14] =	ssyncadd.s32 $0xFFFFFF80  }
0x213: {  	_ =	swait.ge [sflag:s14], $0x80  }
0x214: {  	[sflag:s14] =	ssyncset.done $0x0  }
0x215: {  	[sflag:s14] =	ssyncadd.s32 $0xFFFFFF80  }
0x216: {  	_ =	swait.ge [sflag:s14], $0x80  }
0x217: {  	[sflag:s14] =	ssyncset.done $0x0  }
0x218: {  	[sflag:s14] =	ssyncadd.s32 $0xFFFFFF80  }
0x219: {  	[tilespmem:s15], [sflag:$0x7] =	stream.indirect.gather [hbm4b:s1+s0], $0x80, s31, s0, $0xb8;
	[tilespmem:$0x10600] =	vst v63  }
0x21a: {  	s31 =	sld [smem:$0x7FB];
	_ =	sdelay $0x1  }
0x21b: {  	s2 =	simm.s32 $0x10000;
	s28 =	sld [smem:$0x7FA]  }
0x21c: {  	[tilespmem:s2], [sflag:$0x9] =	stream.linear.gather [hbm4b:s31+s3], $0x70, $0x38;
	[tilespmem:$0x10600] =	vst v63  }
0x21d: {  	s29 =	sld [smem:$0x7FC]  }
0x21e: {  	[tilespmem:s19], [sflag:$0x9] =	stream.linear.gather [hbm4b:s28+s3], $0x70, $0x38;
	[tilespmem:$0x10600] =	vst v63  }
0x21f: {  	_ = 	snop  }
0x220: {  	[tilespmem:s9], [sflag:$0x9] =	stream.linear.gather [hbm4b:s29+s3], $0x70, $0x38;
	[tilespmem:$0x10600] =	vst v63  }
0x221: {  	_ =	swait.ge [sflag:s16], $0x4000  }
0x222: {  	[sflag:s16] =	ssyncset.done $0x0  }
0x223: {  	[sflag:s16] =	ssyncadd.s32 $0xFFFFC000  }
0x224: {  	[tilespmem:s6], [sflag:$0x3] =	stream.indirect.gather.add.f32 [hbm:s1], $0x80, s10, s0, $0xb8;
	[tilespmem:$0x10600] =	vst v63  }
0x225: {  	_ = 	snop  }
0x226: {  	[tilespmem:s6], [sflag:$0x3] =	stream.indirect.gather.add.f32 [hbm:s1], $0x80, s12, s0, $0xb8;
	[tilespmem:$0x10600] =	vst v63  }
0x227: {  	_ =	swait.ge [sflag:s16], $0x4000  }
0x228: {  	[sflag:s16] =	ssyncset.done $0x0  }
0x229: {  	[sflag:s16] =	ssyncadd.s32 $0xFFFFC000  }
0x22a: {  	_ =	swait.ge [sflag:s16], $0x4000  }
0x22b: {  	s30 =	sld [smem:$0x7FD]  }
0x22c: {  	[sflag:s16] =	ssyncset.done $0x0  }
0x22d: {  	s31 =	simm.s32 $0x2;
	[sflag:s16] =	ssyncadd.s32 $0xFFFFC000  }
0x22e: {  	[hbm4b:s30+s3] =	stream.linear.scatter [tilespmem:s6], [sflag:$0x4], $0x4000, $0x38;
	[tilespmem:$0x10600] =	vst v63  }
0x22f: {  	_ =	swait.ge [sflag:s31], $0x4000  }
0x230: {  	[sflag:s31] =	ssyncset.done $0x0  }
0x231: {  	[sflag:s31] =	ssyncadd.s32 $0xFFFFC000  }
0x232: {  	_ =	swait.ge [sflag:s11], $0x70  }
0x233: {  	[sflag:s11] =	ssyncset.done $0x0  }
0x234: {  	[sflag:s11] =	ssyncadd.s32 $0xFFFFFF90  }
0x235: {  	_ =	swait.ge [sflag:s11], $0x70  }
0x236: {  	[sflag:s11] =	ssyncset.done $0x0  }
0x237: {  	[sflag:s11] =	ssyncadd.s32 $0xFFFFFF90  }
0x238: {  	_ =	swait.ge [sflag:s11], $0x70  }
0x239: {  	[sflag:s11] =	ssyncset.done $0x0  }
0x23a: {  	s12 =	simm.s32 $0x70;
	[sflag:s11] =	ssyncadd.s32 $0xFFFFFF90  }
0x23b: {  	[tilespmem:s3], [sflag:$0x1] =	stream.indirect.gather [hbm4b:s1+s12], $0x80, s2, s12, $0xb8;
	[tilespmem:$0x10600] =	vst v63  }
0x23c: {  	_ =	swait.ge [sflag:s20], $0x4000  }
0x23d: {  	[sflag:s20] =	ssyncset.done $0x0  }
0x23e: {  	[sflag:s20] =	ssyncadd.s32 $0xFFFFC000  }
0x23f: {  	[tilespmem:s8], [sflag:$0x5] =	stream.indirect.gather.add.f32 [hbm:s1], $0x80, s4, s0, $0xb8;
	[tilespmem:$0x10600] =	vst v63  }
0x240: {  	_ = 	snop  }
0x241: {  	[tilespmem:s8], [sflag:$0x5] =	stream.indirect.gather.add.f32 [hbm:s1], $0x80, s17, s0, $0xb8;
	[tilespmem:$0x10600] =	vst v63  }
0x242: {  	_ =	swait.ge [sflag:s20], $0x4000  }
0x243: {  	[sflag:s20] =	ssyncset.done $0x0  }
0x244: {  	[sflag:s20] =	ssyncadd.s32 $0xFFFFC000  }
0x245: {  	_ =	swait.ge [sflag:s20], $0x4000  }
0x246: {  	[sflag:s20] =	ssyncset.done $0x0  }
0x247: {  	s17 =	rddreg [dreg:$0x19];
	[sflag:s20] =	ssyncadd.s32 $0xFFFFC000  }
0x248: {  	[hbm4b:s17+s3] =	stream.linear.scatter [tilespmem:s8], [sflag:$0x6], $0x4000, $0x38;
	[tilespmem:$0x10600] =	vst v63  }
0x249: {  	_ =	swait.ge [sflag:s26], $0x4000  }
0x24a: {  	[sflag:s26] =	ssyncset.done $0x0  }
0x24b: {  	[sflag:s26] =	ssyncadd.s32 $0xFFFFC000  }
0x24c: {  	_ =	swait.ge [sflag:s22], $0x4000  }
0x24d: {  	[sflag:s22] =	ssyncset.done $0x0  }
0x24e: {  	[sflag:s22] =	ssyncadd.s32 $0xFFFFC000  }
0x24f: {  	[tilespmem:s15], [sflag:$0x7] =	stream.indirect.gather.add.f32 [hbm:s1], $0x80, s21, s0, $0xb8;
	[tilespmem:$0x10600] =	vst v63  }
0x250: {  	_ = 	snop  }
0x251: {  	[tilespmem:s15], [sflag:$0x7] =	stream.indirect.gather.add.f32 [hbm:s1], $0x80, s25, s0, $0xb8;
	[tilespmem:$0x10600] =	vst v63  }
0x252: {  	_ =	swait.ge [sflag:s22], $0x4000  }
0x253: {  	[sflag:s22] =	ssyncset.done $0x0  }
0x254: {  	[sflag:s22] =	ssyncadd.s32 $0xFFFFC000  }
0x255: {  	_ =	swait.ge [sflag:s22], $0x4000  }
0x256: {  	[sflag:s22] =	ssyncset.done $0x0  }
0x257: {  	s26 =	rddreg [dreg:$0x1a];
	[sflag:s22] =	ssyncadd.s32 $0xFFFFC000  }
0x258: {  	[hbm4b:s26+s3] =	stream.linear.scatter [tilespmem:s15], [sflag:$0x8], $0x4000, $0x38;
	[tilespmem:$0x10600] =	vst v63  }
0x259: {  	_ =	swait.ge [sflag:s23], $0x4000  }
0x25a: {  	[sflag:s23] =	ssyncset.done $0x0  }
0x25b: {  	[sflag:s23] =	ssyncadd.s32 $0xFFFFC000  }
0x25c: {  	_ =	swait.ge [sflag:s13], $0x3800  }
0x25d: {  	[sflag:s13] =	ssyncset.done $0x0  }
0x25e: {  	[sflag:s13] =	ssyncadd.s32 $0xFFFFC800  }
0x25f: {  	[tilespmem:s3], [sflag:$0x1] =	stream.indirect.gather.add.f32 [hbm:s1], $0x80, s19, s12, $0xb8;
	[tilespmem:$0x10600] =	vst v63  }
0x260: {  	_ = 	snop  }
0x261: {  	[tilespmem:s3], [sflag:$0x1] =	stream.indirect.gather.add.f32 [hbm:s1], $0x80, s9, s12, $0xb8;
	[tilespmem:$0x10600] =	vst v63  }
0x262: {  	_ =	swait.ge [sflag:s13], $0x3800  }
0x263: {  	[sflag:s13] =	ssyncset.done $0x0  }
0x264: {  	[sflag:s13] =	ssyncadd.s32 $0xFFFFC800  }
0x265: {  	_ =	swait.ge [sflag:s13], $0x3800  }
0x266: {  	[sflag:s13] =	ssyncset.done $0x0  }
0x267: {  	[sflag:s13] =	ssyncadd.s32 $0xFFFFC800  }
0x268: {  	_ =	swait.ge [sflag:s24], $0x4000  }
0x269: {  	[sflag:s24] =	ssyncset.done $0x0  }
0x26a: {  	s29 =	simm.s32 $0xD;
	s28 =	rddreg [dreg:$0x1b];
	[sflag:s24] =	ssyncadd.s32 $0xFFFFC000  }
0x26b: {  	[hbm4b:s28+s3] =	stream.linear.scatter [tilespmem:s3], [sflag:$0xD], $0x3800, $0x38;
	[tilespmem:$0x10600] =	vst v63  }
0x26c: {  	_ =	swait.ge [sflag:s29], $0x3800  }
0x26d: {  	s30 =	sld [smem:$0x7E4]  }
0x26e: {  	s31 =	sld [smem:$0x7E5];
	_ =	sdelay $0x1  }
0x26f: {  	s4 =	sadd.s32 $0x1, s30  }
0x270: {  	p0 =	sne.s32 s4, s31  }
.Ltmp1:
0x271: {  	_ = 	snop;
	(pc) =	sbr.rel @p0 .LBB2_1-.Ltmp1, $3  }
0x272: {  	_ =	sdelay $0x1  }
0x273: {  	[sflag:s29] =	ssyncset.done $0x0  }
0x274: {  	[sflag:s29] =	ssyncadd.s32 $0xFFFFC800  }
0x275: {  	_ =	sfence.sel $0x180000  }
0x276: {  	[bflag:$0x0] =	sbarrier.arrive $0xFFFF  }
0x277: {  	_ =	strace $0x90000047  }
0x278: {  	s0 =	stileid.u32;
	[bflag:$0x2] =	sbarrier.arrive $0xFFFF  }
0x279: {  	p0 =	sne.s32 s0, $0x0;
	s0 =	rddreg [dreg:$0x3]  }
0x27a: {  	s0 =	sadd.s32 @!p0 $0x100000, s0  }
0x27b: {  	[sflag:s0] =	ssyncadd.tile.s32 @!p0 $0x1;
	_ =	shalt  }
.Lfunc_end2:
_tile_overlayer_lowered:
.L_overlay_start_2:
0x27c: {  	(tag) =	ssettag $0x2  }
0x27d: {  	s0 =	rddreg [dreg:$0x0];
	s2 =	stileid.u32  }
0x27e: {  	s1 =	rddreg [dreg:$0x1];
	p0 =	sne.s32 s2, $0x0  }
0x27f: {  	s3 =	rddreg [dreg:$0x2];
	[bflag:$0x3] =	sbarrier.arrive $0xFFFF;
	s2 =	simm.s32 @!p0 $0x1C0D  }
0x280: {  	[timem:s3], [sflag:s2] =	dma.local @!p0 [hbm:s0], s1  }
0x281: {  	s0 =	simm.s32 @!p0 $0xD  }
0x282: {  	_ =	swait.ge @!p0 [sflag:s0], s1  }
0x283: {  	s1 =	ssub.s32 @!p0 $0x0, s1;
	[sflag:s0] =	ssyncset.done @!p0 $0x0  }
0x284: {  	[sflag:s0] =	ssyncadd.s32 @!p0 s1  }
0x285: {  	[bflag:$0x3] =	sbarrier.arrive $0xFFFF  }
0x286: {  	_ =	shalt  }

</sc_bundles>
